<compile_context>
chip_gen: v7x
topology: tpu7x:2x2x1
jax: 0.10.2.dev20260603
libtpu: 0.0.44.dev20260713+nightly
codegen_flags: <defaults>
</compile_context>

<pallas_src>
import functools

import jax
import jax.numpy as jnp
from jax import lax
from jax.experimental import pallas as pl
from jax.experimental.pallas import tpu as pltpu
from jax.experimental.pallas import tpu_sc as plsc

_HIDDEN = 1024
_NUM_IDS = 4 * 4096
_NC = 2
_NS = 16
_NW = _NC * _NS
_ROWS_PER_W = _NUM_IDS // _NW
_CHUNK = 32
_NCHUNK = _ROWS_PER_W // _CHUNK
_NBUF = 3

_mesh = plsc.VectorSubcoreMesh(core_axis_name="c", subcore_axis_name="s")


@functools.partial(
    pl.kernel,
    mesh=_mesh,
    out_type=jax.ShapeDtypeStruct((_NUM_IDS, _HIDDEN), jnp.float32),
    scratch_types=(
        [pltpu.VMEM((_CHUNK,), jnp.int32) for _ in range(_NCHUNK)]
        + [
            pltpu.VMEM((_NBUF, _CHUNK, _HIDDEN), jnp.float32),
            pltpu.SemaphoreType.DMA,
            pltpu.SemaphoreType.DMA,
            pltpu.SemaphoreType.DMA,
        ]
    ),
)
def _sc_gather(ids_hbm, table_hbm, out_hbm, *refs):
    idx_refs = refs[:_NCHUNK]
    rows_v, isem, gsem, ssem = refs[_NCHUNK:]
    wid = lax.axis_index("s") * _NC + lax.axis_index("c")
    base = wid * _ROWS_PER_W

    icp = [
        pltpu.async_copy(
            ids_hbm.at[pl.ds(base + ci * _CHUNK, _CHUNK)], idx_refs[ci], isem
        )
        for ci in range(_NCHUNK)
    ]

    def start_gather(ci):
        icp[ci].wait()
        return pltpu.async_copy(
            table_hbm.at[idx_refs[ci]], rows_v.at[ci % _NBUF], gsem
        )

    gcp = [None] * _NCHUNK
    scp = [None] * _NCHUNK
    for ci in range(min(_NBUF, _NCHUNK)):
        gcp[ci] = start_gather(ci)
    for ci in range(_NCHUNK):
        if ci > 0 and ci - 1 + _NBUF < _NCHUNK:
            scp[ci - 1].wait()
            gcp[ci - 1 + _NBUF] = start_gather(ci - 1 + _NBUF)
        gcp[ci].wait()
        scp[ci] = pltpu.async_copy(
            rows_v.at[ci % _NBUF], out_hbm.at[pl.ds(base + ci * _CHUNK, _CHUNK)], ssem
        )
    for ci in range(max(0, _NCHUNK - _NBUF), _NCHUNK):
        if scp[ci] is not None:
            scp[ci].wait()


def kernel(input_ids, position_ids, table):
    ids = input_ids.reshape(-1)
    out = _sc_gather(ids, table)
    batch, seq = input_ids.shape
    return (out.reshape(batch, seq, _HIDDEN), position_ids)

# --- scband reference (transcript-rebuilt; emitter-appended) ---
"""Pipeline reference for scband-embedding-49022756717072 (READ-ONLY COPY).

The authoritative reference and input builder live on the scoring server;
editing this copy changes nothing except your own understanding.
"""

import jax, jax.numpy as jnp
import numpy as np

VOCAB = 100000
HIDDEN = 1024
BATCH = 4
SEQ = 4096
PAD_IDX = 0


def setup_inputs(seed=0) -> dict:
    key = jax.random.key(seed)
    k_ids, k_tab = jax.random.split(key)
    input_ids = jax.random.randint(k_ids, (BATCH, SEQ), 0, VOCAB, dtype=jnp.int32)
    position_ids = jnp.arange(BATCH * SEQ, dtype=jnp.int32).reshape(BATCH, SEQ) % SEQ
    # Embedding weight, as in TensorParallelEmbedding (gathered view); padding row is
    # conventionally zeroed by nn.Embedding init with padding_idx.
    table = jax.random.normal(k_tab, (VOCAB, HIDDEN), dtype=jnp.float32) * 0.02
    table = table.at[PAD_IDX].set(0.0)
    return {"input_ids": input_ids, "position_ids": position_ids, "table": table}


def reference(input_ids, position_ids, table):
    # embed_tokens(input_ids): plain row gather from the embedding table.
    input_embeds = jnp.take(table, input_ids, axis=0)
    # Original forward returns {'input_embeds': ..., 'position_ids': ...}
    return (input_embeds, position_ids)

if __name__ == "__main__":
    import jax
    _d = setup_inputs()
    print(jax.jit(kernel)(*tuple(_d.values())))

</pallas_src>

<mosaic_0001>
#map = affine_map<(d0, d1) -> (0)>
#map1 = affine_map<(d0, d1) -> (0, 0)>
module attributes {stable_mosaic.version = 14 : i64} {
  func.func @_sc_gather(%arg0: i32, %arg1: i32, %arg2: memref<16384xi32, #tpu.memory_space<hbm>>, %arg3: memref<100000x1024xf32, #tpu.memory_space<hbm>>, %arg4: memref<16384x1024xf32, #tpu.memory_space<hbm>>, %arg5: memref<32xi32, #tpu.memory_space<vmem>>, %arg6: memref<32xi32, #tpu.memory_space<vmem>>, %arg7: memref<32xi32, #tpu.memory_space<vmem>>, %arg8: memref<32xi32, #tpu.memory_space<vmem>>, %arg9: memref<32xi32, #tpu.memory_space<vmem>>, %arg10: memref<32xi32, #tpu.memory_space<vmem>>, %arg11: memref<32xi32, #tpu.memory_space<vmem>>, %arg12: memref<32xi32, #tpu.memory_space<vmem>>, %arg13: memref<32xi32, #tpu.memory_space<vmem>>, %arg14: memref<32xi32, #tpu.memory_space<vmem>>, %arg15: memref<32xi32, #tpu.memory_space<vmem>>, %arg16: memref<32xi32, #tpu.memory_space<vmem>>, %arg17: memref<32xi32, #tpu.memory_space<vmem>>, %arg18: memref<32xi32, #tpu.memory_space<vmem>>, %arg19: memref<32xi32, #tpu.memory_space<vmem>>, %arg20: memref<32xi32, #tpu.memory_space<vmem>>, %arg21: memref<3x32x1024xf32, #tpu.memory_space<vmem>>, %arg22: memref<!tpu.dma_semaphore, #tpu.memory_space<semaphore_mem>>, %arg23: memref<!tpu.dma_semaphore, #tpu.memory_space<semaphore_mem>>, %arg24: memref<!tpu.dma_semaphore, #tpu.memory_space<semaphore_mem>>) attributes {dimension_semantics = [#tpu.dimension_semantics<core_parallel>, #tpu.dimension_semantics<subcore_parallel>], iteration_bounds = array<i64: 2, 16>, scalar_prefetch = 0 : i64, scratch_operands = 20 : i64, tpu.core_type = #tpu.core_type<sc_vector_subcore>, window_params = [{transform_indices = #map}, {transform_indices = #map1}, {transform_indices = #map1}]} {
    %mul3A = arith.constant 2 : i32
    %mul3A_0 = arith.muli %arg1, %mul3A : i32
    %add3A = arith.addi %mul3A_0, %arg0 : i32
    %mul3A_1 = arith.constant 512 : i32
    %mul3A_2 = arith.muli %add3A, %mul3A_1 : i32
    %add3A_3 = arith.constant 0 : i32
    %add3A_4 = arith.addi %mul3A_2, %add3A_3 : i32
    %dma_start3A = tpu.memref_slice %arg2[%add3A_4] : memref<16384xi32, #tpu.memory_space<hbm>> -> memref<32xi32, #tpu.memory_space<hbm>>
    %dma_start3A_5 = tpu.memref_slice %arg2[%add3A_4] : memref<16384xi32, #tpu.memory_space<hbm>> -> memref<32xi32, #tpu.memory_space<hbm>>
    tpu.enqueue_dma source(%dma_start3A_5 : memref<32xi32, #tpu.memory_space<hbm>>) target(%arg5 : memref<32xi32, #tpu.memory_space<vmem>>) target_semaphore(%arg22 : memref<!tpu.dma_semaphore, #tpu.memory_space<semaphore_mem>>)
    %add3A_6 = arith.constant 32 : i32
    %add3A_7 = arith.addi %mul3A_2, %add3A_6 : i32
    %dma_start3A_8 = tpu.memref_slice %arg2[%add3A_7] : memref<16384xi32, #tpu.memory_space<hbm>> -> memref<32xi32, #tpu.memory_space<hbm>>
    %dma_start3A_9 = tpu.memref_slice %arg2[%add3A_7] : memref<16384xi32, #tpu.memory_space<hbm>> -> memref<32xi32, #tpu.memory_space<hbm>>
    tpu.enqueue_dma source(%dma_start3A_9 : memref<32xi32, #tpu.memory_space<hbm>>) target(%arg6 : memref<32xi32, #tpu.memory_space<vmem>>) target_semaphore(%arg22 : memref<!tpu.dma_semaphore, #tpu.memory_space<semaphore_mem>>)
    %add3A_10 = arith.constant 64 : i32
    %add3A_11 = arith.addi %mul3A_2, %add3A_10 : i32
    %dma_start3A_12 = tpu.memref_slice %arg2[%add3A_11] : memref<16384xi32, #tpu.memory_space<hbm>> -> memref<32xi32, #tpu.memory_space<hbm>>
    %dma_start3A_13 = tpu.memref_slice %arg2[%add3A_11] : memref<16384xi32, #tpu.memory_space<hbm>> -> memref<32xi32, #tpu.memory_space<hbm>>
    tpu.enqueue_dma source(%dma_start3A_13 : memref<32xi32, #tpu.memory_space<hbm>>) target(%arg7 : memref<32xi32, #tpu.memory_space<vmem>>) target_semaphore(%arg22 : memref<!tpu.dma_semaphore, #tpu.memory_space<semaphore_mem>>)
    %add3A_14 = arith.constant 96 : i32
    %add3A_15 = arith.addi %mul3A_2, %add3A_14 : i32
    %dma_start3A_16 = tpu.memref_slice %arg2[%add3A_15] : memref<16384xi32, #tpu.memory_space<hbm>> -> memref<32xi32, #tpu.memory_space<hbm>>
    %dma_start3A_17 = tpu.memref_slice %arg2[%add3A_15] : memref<16384xi32, #tpu.memory_space<hbm>> -> memref<32xi32, #tpu.memory_space<hbm>>
    tpu.enqueue_dma source(%dma_start3A_17 : memref<32xi32, #tpu.memory_space<hbm>>) target(%arg8 : memref<32xi32, #tpu.memory_space<vmem>>) target_semaphore(%arg22 : memref<!tpu.dma_semaphore, #tpu.memory_space<semaphore_mem>>)
    %add3A_18 = arith.constant 128 : i32
    %add3A_19 = arith.addi %mul3A_2, %add3A_18 : i32
    %dma_start3A_20 = tpu.memref_slice %arg2[%add3A_19] : memref<16384xi32, #tpu.memory_space<hbm>> -> memref<32xi32, #tpu.memory_space<hbm>>
    %dma_start3A_21 = tpu.memref_slice %arg2[%add3A_19] : memref<16384xi32, #tpu.memory_space<hbm>> -> memref<32xi32, #tpu.memory_space<hbm>>
    tpu.enqueue_dma source(%dma_start3A_21 : memref<32xi32, #tpu.memory_space<hbm>>) target(%arg9 : memref<32xi32, #tpu.memory_space<vmem>>) target_semaphore(%arg22 : memref<!tpu.dma_semaphore, #tpu.memory_space<semaphore_mem>>)
    %add3A_22 = arith.constant 160 : i32
    %add3A_23 = arith.addi %mul3A_2, %add3A_22 : i32
    %dma_start3A_24 = tpu.memref_slice %arg2[%add3A_23] : memref<16384xi32, #tpu.memory_space<hbm>> -> memref<32xi32, #tpu.memory_space<hbm>>
    %dma_start3A_25 = tpu.memref_slice %arg2[%add3A_23] : memref<16384xi32, #tpu.memory_space<hbm>> -> memref<32xi32, #tpu.memory_space<hbm>>
    tpu.enqueue_dma source(%dma_start3A_25 : memref<32xi32, #tpu.memory_space<hbm>>) target(%arg10 : memref<32xi32, #tpu.memory_space<vmem>>) target_semaphore(%arg22 : memref<!tpu.dma_semaphore, #tpu.memory_space<semaphore_mem>>)
    %add3A_26 = arith.constant 192 : i32
    %add3A_27 = arith.addi %mul3A_2, %add3A_26 : i32
    %dma_start3A_28 = tpu.memref_slice %arg2[%add3A_27] : memref<16384xi32, #tpu.memory_space<hbm>> -> memref<32xi32, #tpu.memory_space<hbm>>
    %dma_start3A_29 = tpu.memref_slice %arg2[%add3A_27] : memref<16384xi32, #tpu.memory_space<hbm>> -> memref<32xi32, #tpu.memory_space<hbm>>
    tpu.enqueue_dma source(%dma_start3A_29 : memref<32xi32, #tpu.memory_space<hbm>>) target(%arg11 : memref<32xi32, #tpu.memory_space<vmem>>) target_semaphore(%arg22 : memref<!tpu.dma_semaphore, #tpu.memory_space<semaphore_mem>>)
    %add3A_30 = arith.constant 224 : i32
    %add3A_31 = arith.addi %mul3A_2, %add3A_30 : i32
    %dma_start3A_32 = tpu.memref_slice %arg2[%add3A_31] : memref<16384xi32, #tpu.memory_space<hbm>> -> memref<32xi32, #tpu.memory_space<hbm>>
    %dma_start3A_33 = tpu.memref_slice %arg2[%add3A_31] : memref<16384xi32, #tpu.memory_space<hbm>> -> memref<32xi32, #tpu.memory_space<hbm>>
    tpu.enqueue_dma source(%dma_start3A_33 : memref<32xi32, #tpu.memory_space<hbm>>) target(%arg12 : memref<32xi32, #tpu.memory_space<vmem>>) target_semaphore(%arg22 : memref<!tpu.dma_semaphore, #tpu.memory_space<semaphore_mem>>)
    %add3A_34 = arith.constant 256 : i32
    %add3A_35 = arith.addi %mul3A_2, %add3A_34 : i32
    %dma_start3A_36 = tpu.memref_slice %arg2[%add3A_35] : memref<16384xi32, #tpu.memory_space<hbm>> -> memref<32xi32, #tpu.memory_space<hbm>>
    %dma_start3A_37 = tpu.memref_slice %arg2[%add3A_35] : memref<16384xi32, #tpu.memory_space<hbm>> -> memref<32xi32, #tpu.memory_space<hbm>>
    tpu.enqueue_dma source(%dma_start3A_37 : memref<32xi32, #tpu.memory_space<hbm>>) target(%arg13 : memref<32xi32, #tpu.memory_space<vmem>>) target_semaphore(%arg22 : memref<!tpu.dma_semaphore, #tpu.memory_space<semaphore_mem>>)
    %add3A_38 = arith.constant 288 : i32
    %add3A_39 = arith.addi %mul3A_2, %add3A_38 : i32
    %dma_start3A_40 = tpu.memref_slice %arg2[%add3A_39] : memref<16384xi32, #tpu.memory_space<hbm>> -> memref<32xi32, #tpu.memory_space<hbm>>
    %dma_start3A_41 = tpu.memref_slice %arg2[%add3A_39] : memref<16384xi32, #tpu.memory_space<hbm>> -> memref<32xi32, #tpu.memory_space<hbm>>
    tpu.enqueue_dma source(%dma_start3A_41 : memref<32xi32, #tpu.memory_space<hbm>>) target(%arg14 : memref<32xi32, #tpu.memory_space<vmem>>) target_semaphore(%arg22 : memref<!tpu.dma_semaphore, #tpu.memory_space<semaphore_mem>>)
    %add3A_42 = arith.constant 320 : i32
    %add3A_43 = arith.addi %mul3A_2, %add3A_42 : i32
    %dma_start3A_44 = tpu.memref_slice %arg2[%add3A_43] : memref<16384xi32, #tpu.memory_space<hbm>> -> memref<32xi32, #tpu.memory_space<hbm>>
    %dma_start3A_45 = tpu.memref_slice %arg2[%add3A_43] : memref<16384xi32, #tpu.memory_space<hbm>> -> memref<32xi32, #tpu.memory_space<hbm>>
    tpu.enqueue_dma source(%dma_start3A_45 : memref<32xi32, #tpu.memory_space<hbm>>) target(%arg15 : memref<32xi32, #tpu.memory_space<vmem>>) target_semaphore(%arg22 : memref<!tpu.dma_semaphore, #tpu.memory_space<semaphore_mem>>)
    %add3A_46 = arith.constant 352 : i32
    %add3A_47 = arith.addi %mul3A_2, %add3A_46 : i32
    %dma_start3A_48 = tpu.memref_slice %arg2[%add3A_47] : memref<16384xi32, #tpu.memory_space<hbm>> -> memref<32xi32, #tpu.memory_space<hbm>>
    %dma_start3A_49 = tpu.memref_slice %arg2[%add3A_47] : memref<16384xi32, #tpu.memory_space<hbm>> -> memref<32xi32, #tpu.memory_space<hbm>>
    tpu.enqueue_dma source(%dma_start3A_49 : memref<32xi32, #tpu.memory_space<hbm>>) target(%arg16 : memref<32xi32, #tpu.memory_space<vmem>>) target_semaphore(%arg22 : memref<!tpu.dma_semaphore, #tpu.memory_space<semaphore_mem>>)
    %add3A_50 = arith.constant 384 : i32
    %add3A_51 = arith.addi %mul3A_2, %add3A_50 : i32
    %dma_start3A_52 = tpu.memref_slice %arg2[%add3A_51] : memref<16384xi32, #tpu.memory_space<hbm>> -> memref<32xi32, #tpu.memory_space<hbm>>
    %dma_start3A_53 = tpu.memref_slice %arg2[%add3A_51] : memref<16384xi32, #tpu.memory_space<hbm>> -> memref<32xi32, #tpu.memory_space<hbm>>
    tpu.enqueue_dma source(%dma_start3A_53 : memref<32xi32, #tpu.memory_space<hbm>>) target(%arg17 : memref<32xi32, #tpu.memory_space<vmem>>) target_semaphore(%arg22 : memref<!tpu.dma_semaphore, #tpu.memory_space<semaphore_mem>>)
    %add3A_54 = arith.constant 416 : i32
    %add3A_55 = arith.addi %mul3A_2, %add3A_54 : i32
    %dma_start3A_56 = tpu.memref_slice %arg2[%add3A_55] : memref<16384xi32, #tpu.memory_space<hbm>> -> memref<32xi32, #tpu.memory_space<hbm>>
    %dma_start3A_57 = tpu.memref_slice %arg2[%add3A_55] : memref<16384xi32, #tpu.memory_space<hbm>> -> memref<32xi32, #tpu.memory_space<hbm>>
    tpu.enqueue_dma source(%dma_start3A_57 : memref<32xi32, #tpu.memory_space<hbm>>) target(%arg18 : memref<32xi32, #tpu.memory_space<vmem>>) target_semaphore(%arg22 : memref<!tpu.dma_semaphore, #tpu.memory_space<semaphore_mem>>)
    %add3A_58 = arith.constant 448 : i32
    %add3A_59 = arith.addi %mul3A_2, %add3A_58 : i32
    %dma_start3A_60 = tpu.memref_slice %arg2[%add3A_59] : memref<16384xi32, #tpu.memory_space<hbm>> -> memref<32xi32, #tpu.memory_space<hbm>>
    %dma_start3A_61 = tpu.memref_slice %arg2[%add3A_59] : memref<16384xi32, #tpu.memory_space<hbm>> -> memref<32xi32, #tpu.memory_space<hbm>>
    tpu.enqueue_dma source(%dma_start3A_61 : memref<32xi32, #tpu.memory_space<hbm>>) target(%arg19 : memref<32xi32, #tpu.memory_space<vmem>>) target_semaphore(%arg22 : memref<!tpu.dma_semaphore, #tpu.memory_space<semaphore_mem>>)
    %add3A_62 = arith.constant 480 : i32
    %add3A_63 = arith.addi %mul3A_2, %add3A_62 : i32
    %dma_start3A_64 = tpu.memref_slice %arg2[%add3A_63] : memref<16384xi32, #tpu.memory_space<hbm>> -> memref<32xi32, #tpu.memory_space<hbm>>
    %dma_start3A_65 = tpu.memref_slice %arg2[%add3A_63] : memref<16384xi32, #tpu.memory_space<hbm>> -> memref<32xi32, #tpu.memory_space<hbm>>
    tpu.enqueue_dma source(%dma_start3A_65 : memref<32xi32, #tpu.memory_space<hbm>>) target(%arg20 : memref<32xi32, #tpu.memory_space<vmem>>) target_semaphore(%arg22 : memref<!tpu.dma_semaphore, #tpu.memory_space<semaphore_mem>>)
    %dma_wait3A = tpu.memref_slice %arg2[%add3A_4] : memref<16384xi32, #tpu.memory_space<hbm>> -> memref<32xi32, #tpu.memory_space<hbm>>
    %dma_wait3A_66 = tpu.memref_slice %arg2[%add3A_4] : memref<16384xi32, #tpu.memory_space<hbm>> -> memref<32xi32, #tpu.memory_space<hbm>>
    tpu.wait_dma2 semaphore(%arg22 : memref<!tpu.dma_semaphore, #tpu.memory_space<semaphore_mem>>) src(%dma_wait3A_66 : memref<32xi32, #tpu.memory_space<hbm>>) dst(%arg5 : memref<32xi32, #tpu.memory_space<vmem>>)
    %dma_start3A_67 = arith.constant 0 : i32
    %dma_start3A_68 = arith.constant 0 : i32
    %dma_start3A_69 = arith.constant 0 : i32
    %dma_start3A_70 = tpu.memref_slice %arg21[%dma_start3A_67, %dma_start3A_68, %dma_start3A_69] : memref<3x32x1024xf32, #tpu.memory_space<vmem>> -> memref<1x32x1024xf32, #tpu.memory_space<vmem>>
    %dma_start3A_71 = tpu.memref_squeeze %dma_start3A_70 : memref<1x32x1024xf32, #tpu.memory_space<vmem>> -> memref<32x1024xf32, #tpu.memory_space<vmem>>
    %dma_start3A_72 = arith.constant 0 : i32
    %dma_start3A_73 = arith.constant 0 : i32
    %dma_start3A_74 = tpu.memref_slice %arg3[%dma_start3A_72, %dma_start3A_73] : memref<100000x1024xf32, #tpu.memory_space<hbm>> -> memref<100000x1024xf32, #tpu.memory_space<hbm>>
    tpu.enqueue_indirect_dma source(%dma_start3A_74 : memref<100000x1024xf32, #tpu.memory_space<hbm>>) target(%dma_start3A_71 : memref<32x1024xf32, #tpu.memory_space<vmem>>) offsets(%arg5 : memref<32xi32, #tpu.memory_space<vmem>>) semaphore(%arg23 : memref<!tpu.dma_semaphore, #tpu.memory_space<semaphore_mem>>)
    %dma_wait3A_75 = tpu.memref_slice %arg2[%add3A_7] : memref<16384xi32, #tpu.memory_space<hbm>> -> memref<32xi32, #tpu.memory_space<hbm>>
    %dma_wait3A_76 = tpu.memref_slice %arg2[%add3A_7] : memref<16384xi32, #tpu.memory_space<hbm>> -> memref<32xi32, #tpu.memory_space<hbm>>
    tpu.wait_dma2 semaphore(%arg22 : memref<!tpu.dma_semaphore, #tpu.memory_space<semaphore_mem>>) src(%dma_wait3A_76 : memref<32xi32, #tpu.memory_space<hbm>>) dst(%arg6 : memref<32xi32, #tpu.memory_space<vmem>>)
    %dma_start3A_77 = arith.constant 1 : i32
    %dma_start3A_78 = arith.constant 0 : i32
    %dma_start3A_79 = arith.constant 0 : i32
    %dma_start3A_80 = tpu.memref_slice %arg21[%dma_start3A_77, %dma_start3A_78, %dma_start3A_79] : memref<3x32x1024xf32, #tpu.memory_space<vmem>> -> memref<1x32x1024xf32, #tpu.memory_space<vmem>>
    %dma_start3A_81 = tpu.memref_squeeze %dma_start3A_80 : memref<1x32x1024xf32, #tpu.memory_space<vmem>> -> memref<32x1024xf32, #tpu.memory_space<vmem>>
    %dma_start3A_82 = arith.constant 0 : i32
    %dma_start3A_83 = arith.constant 0 : i32
    %dma_start3A_84 = tpu.memref_slice %arg3[%dma_start3A_82, %dma_start3A_83] : memref<100000x1024xf32, #tpu.memory_space<hbm>> -> memref<100000x1024xf32, #tpu.memory_space<hbm>>
    tpu.enqueue_indirect_dma source(%dma_start3A_84 : memref<100000x1024xf32, #tpu.memory_space<hbm>>) target(%dma_start3A_81 : memref<32x1024xf32, #tpu.memory_space<vmem>>) offsets(%arg6 : memref<32xi32, #tpu.memory_space<vmem>>) semaphore(%arg23 : memref<!tpu.dma_semaphore, #tpu.memory_space<semaphore_mem>>)
    %dma_wait3A_85 = tpu.memref_slice %arg2[%add3A_11] : memref<16384xi32, #tpu.memory_space<hbm>> -> memref<32xi32, #tpu.memory_space<hbm>>
    %dma_wait3A_86 = tpu.memref_slice %arg2[%add3A_11] : memref<16384xi32, #tpu.memory_space<hbm>> -> memref<32xi32, #tpu.memory_space<hbm>>
    tpu.wait_dma2 semaphore(%arg22 : memref<!tpu.dma_semaphore, #tpu.memory_space<semaphore_mem>>) src(%dma_wait3A_86 : memref<32xi32, #tpu.memory_space<hbm>>) dst(%arg7 : memref<32xi32, #tpu.memory_space<vmem>>)
    %dma_start3A_87 = arith.constant 2 : i32
    %dma_start3A_88 = arith.constant 0 : i32
    %dma_start3A_89 = arith.constant 0 : i32
    %dma_start3A_90 = tpu.memref_slice %arg21[%dma_start3A_87, %dma_start3A_88, %dma_start3A_89] : memref<3x32x1024xf32, #tpu.memory_space<vmem>> -> memref<1x32x1024xf32, #tpu.memory_space<vmem>>
    %dma_start3A_91 = tpu.memref_squeeze %dma_start3A_90 : memref<1x32x1024xf32, #tpu.memory_space<vmem>> -> memref<32x1024xf32, #tpu.memory_space<vmem>>
    %dma_start3A_92 = arith.constant 0 : i32
    %dma_start3A_93 = arith.constant 0 : i32
    %dma_start3A_94 = tpu.memref_slice %arg3[%dma_start3A_92, %dma_start3A_93] : memref<100000x1024xf32, #tpu.memory_space<hbm>> -> memref<100000x1024xf32, #tpu.memory_space<hbm>>
    tpu.enqueue_indirect_dma source(%dma_start3A_94 : memref<100000x1024xf32, #tpu.memory_space<hbm>>) target(%dma_start3A_91 : memref<32x1024xf32, #tpu.memory_space<vmem>>) offsets(%arg7 : memref<32xi32, #tpu.memory_space<vmem>>) semaphore(%arg23 : memref<!tpu.dma_semaphore, #tpu.memory_space<semaphore_mem>>)
    %dma_wait3A_95 = arith.constant 0 : i32
    %dma_wait3A_96 = arith.constant 0 : i32
    %dma_wait3A_97 = arith.constant 0 : i32
    %dma_wait3A_98 = tpu.memref_slice %arg21[%dma_wait3A_95, %dma_wait3A_96, %dma_wait3A_97] : memref<3x32x1024xf32, #tpu.memory_space<vmem>> -> memref<1x32x1024xf32, #tpu.memory_space<vmem>>
    %dma_wait3A_99 = tpu.memref_squeeze %dma_wait3A_98 : memref<1x32x1024xf32, #tpu.memory_space<vmem>> -> memref<32x1024xf32, #tpu.memory_space<vmem>>
    %dma_wait3A_100 = arith.constant 0 : i32
    %dma_wait3A_101 = arith.constant 0 : i32
    %dma_wait3A_102 = tpu.memref_slice %arg3[%dma_wait3A_100, %dma_wait3A_101] : memref<100000x1024xf32, #tpu.memory_space<hbm>> -> memref<100000x1024xf32, #tpu.memory_space<hbm>>
    tpu.wait_indirect_dma semaphore(%arg23 : memref<!tpu.dma_semaphore, #tpu.memory_space<semaphore_mem>>) src(%dma_wait3A_102 : memref<100000x1024xf32, #tpu.memory_space<hbm>>) dst(%dma_wait3A_99 : memref<32x1024xf32, #tpu.memory_space<vmem>>)
    %add3A_103 = arith.constant 0 : i32
    %add3A_104 = arith.addi %mul3A_2, %add3A_103 : i32
    %dma_start3A_105 = arith.constant 0 : i32
    %dma_start3A_106 = arith.constant 0 : i32
    %dma_start3A_107 = arith.constant 0 : i32
    %dma_start3A_108 = tpu.memref_slice %arg21[%dma_start3A_105, %dma_start3A_106, %dma_start3A_107] : memref<3x32x1024xf32, #tpu.memory_space<vmem>> -> memref<1x32x1024xf32, #tpu.memory_space<vmem>>
    %dma_start3A_109 = tpu.memref_squeeze %dma_start3A_108 : memref<1x32x1024xf32, #tpu.memory_space<vmem>> -> memref<32x1024xf32, #tpu.memory_space<vmem>>
    %dma_start3A_110 = arith.constant 0 : i32
    %dma_start3A_111 = tpu.memref_slice %arg4[%add3A_104, %dma_start3A_110] : memref<16384x1024xf32, #tpu.memory_space<hbm>> -> memref<32x1024xf32, #tpu.memory_space<hbm>>
    %dma_start3A_112 = arith.constant 0 : i32
    %dma_start3A_113 = tpu.memref_slice %arg4[%add3A_104, %dma_start3A_112] : memref<16384x1024xf32, #tpu.memory_space<hbm>> -> memref<32x1024xf32, #tpu.memory_space<hbm>>
    %dma_start3A_114 = arith.constant 0 : i32
    %dma_start3A_115 = arith.constant 0 : i32
    %dma_start3A_116 = tpu.memref_slice %arg21[%dma_start3A_105, %dma_start3A_114, %dma_start3A_115] : memref<3x32x1024xf32, #tpu.memory_space<vmem>> -> memref<1x32x1024xf32, #tpu.memory_space<vmem>>
    %dma_start3A_117 = tpu.memref_squeeze %dma_start3A_116 : memref<1x32x1024xf32, #tpu.memory_space<vmem>> -> memref<32x1024xf32, #tpu.memory_space<vmem>>
    tpu.enqueue_dma source(%dma_start3A_117 : memref<32x1024xf32, #tpu.memory_space<vmem>>) target(%dma_start3A_113 : memref<32x1024xf32, #tpu.memory_space<hbm>>) target_semaphore(%arg24 : memref<!tpu.dma_semaphore, #tpu.memory_space<semaphore_mem>>)
    %dma_wait3A_118 = arith.constant 0 : i32
    %dma_wait3A_119 = arith.constant 0 : i32
    %dma_wait3A_120 = arith.constant 0 : i32
    %dma_wait3A_121 = tpu.memref_slice %arg21[%dma_wait3A_118, %dma_wait3A_119, %dma_wait3A_120] : memref<3x32x1024xf32, #tpu.memory_space<vmem>> -> memref<1x32x1024xf32, #tpu.memory_space<vmem>>
    %dma_wait3A_122 = tpu.memref_squeeze %dma_wait3A_121 : memref<1x32x1024xf32, #tpu.memory_space<vmem>> -> memref<32x1024xf32, #tpu.memory_space<vmem>>
    %dma_wait3A_123 = arith.constant 0 : i32
    %dma_wait3A_124 = tpu.memref_slice %arg4[%add3A_104, %dma_wait3A_123] : memref<16384x1024xf32, #tpu.memory_space<hbm>> -> memref<32x1024xf32, #tpu.memory_space<hbm>>
    %dma_wait3A_125 = arith.constant 0 : i32
    %dma_wait3A_126 = tpu.memref_slice %arg4[%add3A_104, %dma_wait3A_125] : memref<16384x1024xf32, #tpu.memory_space<hbm>> -> memref<32x1024xf32, #tpu.memory_space<hbm>>
    %dma_wait3A_127 = arith.constant 0 : i32
    %dma_wait3A_128 = arith.constant 0 : i32
    %dma_wait3A_129 = tpu.memref_slice %arg21[%dma_wait3A_118, %dma_wait3A_127, %dma_wait3A_128] : memref<3x32x1024xf32, #tpu.memory_space<vmem>> -> memref<1x32x1024xf32, #tpu.memory_space<vmem>>
    %dma_wait3A_130 = tpu.memref_squeeze %dma_wait3A_129 : memref<1x32x1024xf32, #tpu.memory_space<vmem>> -> memref<32x1024xf32, #tpu.memory_space<vmem>>
    tpu.wait_dma2 semaphore(%arg24 : memref<!tpu.dma_semaphore, #tpu.memory_space<semaphore_mem>>) src(%dma_wait3A_130 : memref<32x1024xf32, #tpu.memory_space<vmem>>) dst(%dma_wait3A_126 : memref<32x1024xf32, #tpu.memory_space<hbm>>)
    %dma_wait3A_131 = tpu.memref_slice %arg2[%add3A_15] : memref<16384xi32, #tpu.memory_space<hbm>> -> memref<32xi32, #tpu.memory_space<hbm>>
    %dma_wait3A_132 = tpu.memref_slice %arg2[%add3A_15] : memref<16384xi32, #tpu.memory_space<hbm>> -> memref<32xi32, #tpu.memory_space<hbm>>
    tpu.wait_dma2 semaphore(%arg22 : memref<!tpu.dma_semaphore, #tpu.memory_space<semaphore_mem>>) src(%dma_wait3A_132 : memref<32xi32, #tpu.memory_space<hbm>>) dst(%arg8 : memref<32xi32, #tpu.memory_space<vmem>>)
    %dma_start3A_133 = arith.constant 0 : i32
    %dma_start3A_134 = arith.constant 0 : i32
    %dma_start3A_135 = arith.constant 0 : i32
    %dma_start3A_136 = tpu.memref_slice %arg21[%dma_start3A_133, %dma_start3A_134, %dma_start3A_135] : memref<3x32x1024xf32, #tpu.memory_space<vmem>> -> memref<1x32x1024xf32, #tpu.memory_space<vmem>>
    %dma_start3A_137 = tpu.memref_squeeze %dma_start3A_136 : memref<1x32x1024xf32, #tpu.memory_space<vmem>> -> memref<32x1024xf32, #tpu.memory_space<vmem>>
    %dma_start3A_138 = arith.constant 0 : i32
    %dma_start3A_139 = arith.constant 0 : i32
    %dma_start3A_140 = tpu.memref_slice %arg3[%dma_start3A_138, %dma_start3A_139] : memref<100000x1024xf32, #tpu.memory_space<hbm>> -> memref<100000x1024xf32, #tpu.memory_space<hbm>>
    tpu.enqueue_indirect_dma source(%dma_start3A_140 : memref<100000x1024xf32, #tpu.memory_space<hbm>>) target(%dma_start3A_137 : memref<32x1024xf32, #tpu.memory_space<vmem>>) offsets(%arg8 : memref<32xi32, #tpu.memory_space<vmem>>) semaphore(%arg23 : memref<!tpu.dma_semaphore, #tpu.memory_space<semaphore_mem>>)
    %dma_wait3A_141 = arith.constant 1 : i32
    %dma_wait3A_142 = arith.constant 0 : i32
    %dma_wait3A_143 = arith.constant 0 : i32
    %dma_wait3A_144 = tpu.memref_slice %arg21[%dma_wait3A_141, %dma_wait3A_142, %dma_wait3A_143] : memref<3x32x1024xf32, #tpu.memory_space<vmem>> -> memref<1x32x1024xf32, #tpu.memory_space<vmem>>
    %dma_wait3A_145 = tpu.memref_squeeze %dma_wait3A_144 : memref<1x32x1024xf32, #tpu.memory_space<vmem>> -> memref<32x1024xf32, #tpu.memory_space<vmem>>
    %dma_wait3A_146 = arith.constant 0 : i32
    %dma_wait3A_147 = arith.constant 0 : i32
    %dma_wait3A_148 = tpu.memref_slice %arg3[%dma_wait3A_146, %dma_wait3A_147] : memref<100000x1024xf32, #tpu.memory_space<hbm>> -> memref<100000x1024xf32, #tpu.memory_space<hbm>>
    tpu.wait_indirect_dma semaphore(%arg23 : memref<!tpu.dma_semaphore, #tpu.memory_space<semaphore_mem>>) src(%dma_wait3A_148 : memref<100000x1024xf32, #tpu.memory_space<hbm>>) dst(%dma_wait3A_145 : memref<32x1024xf32, #tpu.memory_space<vmem>>)
    %add3A_149 = arith.constant 32 : i32
    %add3A_150 = arith.addi %mul3A_2, %add3A_149 : i32
    %dma_start3A_151 = arith.constant 1 : i32
    %dma_start3A_152 = arith.constant 0 : i32
    %dma_start3A_153 = arith.constant 0 : i32
    %dma_start3A_154 = tpu.memref_slice %arg21[%dma_start3A_151, %dma_start3A_152, %dma_start3A_153] : memref<3x32x1024xf32, #tpu.memory_space<vmem>> -> memref<1x32x1024xf32, #tpu.memory_space<vmem>>
    %dma_start3A_155 = tpu.memref_squeeze %dma_start3A_154 : memref<1x32x1024xf32, #tpu.memory_space<vmem>> -> memref<32x1024xf32, #tpu.memory_space<vmem>>
    %dma_start3A_156 = arith.constant 0 : i32
    %dma_start3A_157 = tpu.memref_slice %arg4[%add3A_150, %dma_start3A_156] : memref<16384x1024xf32, #tpu.memory_space<hbm>> -> memref<32x1024xf32, #tpu.memory_space<hbm>>
    %dma_start3A_158 = arith.constant 0 : i32
    %dma_start3A_159 = tpu.memref_slice %arg4[%add3A_150, %dma_start3A_158] : memref<16384x1024xf32, #tpu.memory_space<hbm>> -> memref<32x1024xf32, #tpu.memory_space<hbm>>
    %dma_start3A_160 = arith.constant 0 : i32
    %dma_start3A_161 = arith.constant 0 : i32
    %dma_start3A_162 = tpu.memref_slice %arg21[%dma_start3A_151, %dma_start3A_160, %dma_start3A_161] : memref<3x32x1024xf32, #tpu.memory_space<vmem>> -> memref<1x32x1024xf32, #tpu.memory_space<vmem>>
    %dma_start3A_163 = tpu.memref_squeeze %dma_start3A_162 : memref<1x32x1024xf32, #tpu.memory_space<vmem>> -> memref<32x1024xf32, #tpu.memory_space<vmem>>
    tpu.enqueue_dma source(%dma_start3A_163 : memref<32x1024xf32, #tpu.memory_space<vmem>>) target(%dma_start3A_159 : memref<32x1024xf32, #tpu.memory_space<hbm>>) target_semaphore(%arg24 : memref<!tpu.dma_semaphore, #tpu.memory_space<semaphore_mem>>)
    %dma_wait3A_164 = arith.constant 1 : i32
    %dma_wait3A_165 = arith.constant 0 : i32
    %dma_wait3A_166 = arith.constant 0 : i32
    %dma_wait3A_167 = tpu.memref_slice %arg21[%dma_wait3A_164, %dma_wait3A_165, %dma_wait3A_166] : memref<3x32x1024xf32, #tpu.memory_space<vmem>> -> memref<1x32x1024xf32, #tpu.memory_space<vmem>>
    %dma_wait3A_168 = tpu.memref_squeeze %dma_wait3A_167 : memref<1x32x1024xf32, #tpu.memory_space<vmem>> -> memref<32x1024xf32, #tpu.memory_space<vmem>>
    %dma_wait3A_169 = arith.constant 0 : i32
    %dma_wait3A_170 = tpu.memref_slice %arg4[%add3A_150, %dma_wait3A_169] : memref<16384x1024xf32, #tpu.memory_space<hbm>> -> memref<32x1024xf32, #tpu.memory_space<hbm>>
    %dma_wait3A_171 = arith.constant 0 : i32
    %dma_wait3A_172 = tpu.memref_slice %arg4[%add3A_150, %dma_wait3A_171] : memref<16384x1024xf32, #tpu.memory_space<hbm>> -> memref<32x1024xf32, #tpu.memory_space<hbm>>
    %dma_wait3A_173 = arith.constant 0 : i32
    %dma_wait3A_174 = arith.constant 0 : i32
    %dma_wait3A_175 = tpu.memref_slice %arg21[%dma_wait3A_164, %dma_wait3A_173, %dma_wait3A_174] : memref<3x32x1024xf32, #tpu.memory_space<vmem>> -> memref<1x32x1024xf32, #tpu.memory_space<vmem>>
    %dma_wait3A_176 = tpu.memref_squeeze %dma_wait3A_175 : memref<1x32x1024xf32, #tpu.memory_space<vmem>> -> memref<32x1024xf32, #tpu.memory_space<vmem>>
    tpu.wait_dma2 semaphore(%arg24 : memref<!tpu.dma_semaphore, #tpu.memory_space<semaphore_mem>>) src(%dma_wait3A_176 : memref<32x1024xf32, #tpu.memory_space<vmem>>) dst(%dma_wait3A_172 : memref<32x1024xf32, #tpu.memory_space<hbm>>)
    %dma_wait3A_177 = tpu.memref_slice %arg2[%add3A_19] : memref<16384xi32, #tpu.memory_space<hbm>> -> memref<32xi32, #tpu.memory_space<hbm>>
    %dma_wait3A_178 = tpu.memref_slice %arg2[%add3A_19] : memref<16384xi32, #tpu.memory_space<hbm>> -> memref<32xi32, #tpu.memory_space<hbm>>
    tpu.wait_dma2 semaphore(%arg22 : memref<!tpu.dma_semaphore, #tpu.memory_space<semaphore_mem>>) src(%dma_wait3A_178 : memref<32xi32, #tpu.memory_space<hbm>>) dst(%arg9 : memref<32xi32, #tpu.memory_space<vmem>>)
    %dma_start3A_179 = arith.constant 1 : i32
    %dma_start3A_180 = arith.constant 0 : i32
    %dma_start3A_181 = arith.constant 0 : i32
    %dma_start3A_182 = tpu.memref_slice %arg21[%dma_start3A_179, %dma_start3A_180, %dma_start3A_181] : memref<3x32x1024xf32, #tpu.memory_space<vmem>> -> memref<1x32x1024xf32, #tpu.memory_space<vmem>>
    %dma_start3A_183 = tpu.memref_squeeze %dma_start3A_182 : memref<1x32x1024xf32, #tpu.memory_space<vmem>> -> memref<32x1024xf32, #tpu.memory_space<vmem>>
    %dma_start3A_184 = arith.constant 0 : i32
    %dma_start3A_185 = arith.constant 0 : i32
    %dma_start3A_186 = tpu.memref_slice %arg3[%dma_start3A_184, %dma_start3A_185] : memref<100000x1024xf32, #tpu.memory_space<hbm>> -> memref<100000x1024xf32, #tpu.memory_space<hbm>>
    tpu.enqueue_indirect_dma source(%dma_start3A_186 : memref<100000x1024xf32, #tpu.memory_space<hbm>>) target(%dma_start3A_183 : memref<32x1024xf32, #tpu.memory_space<vmem>>) offsets(%arg9 : memref<32xi32, #tpu.memory_space<vmem>>) semaphore(%arg23 : memref<!tpu.dma_semaphore, #tpu.memory_space<semaphore_mem>>)
    %dma_wait3A_187 = arith.constant 2 : i32
    %dma_wait3A_188 = arith.constant 0 : i32
    %dma_wait3A_189 = arith.constant 0 : i32
    %dma_wait3A_190 = tpu.memref_slice %arg21[%dma_wait3A_187, %dma_wait3A_188, %dma_wait3A_189] : memref<3x32x1024xf32, #tpu.memory_space<vmem>> -> memref<1x32x1024xf32, #tpu.memory_space<vmem>>
    %dma_wait3A_191 = tpu.memref_squeeze %dma_wait3A_190 : memref<1x32x1024xf32, #tpu.memory_space<vmem>> -> memref<32x1024xf32, #tpu.memory_space<vmem>>
    %dma_wait3A_192 = arith.constant 0 : i32
    %dma_wait3A_193 = arith.constant 0 : i32
    %dma_wait3A_194 = tpu.memref_slice %arg3[%dma_wait3A_192, %dma_wait3A_193] : memref<100000x1024xf32, #tpu.memory_space<hbm>> -> memref<100000x1024xf32, #tpu.memory_space<hbm>>
    tpu.wait_indirect_dma semaphore(%arg23 : memref<!tpu.dma_semaphore, #tpu.memory_space<semaphore_mem>>) src(%dma_wait3A_194 : memref<100000x1024xf32, #tpu.memory_space<hbm>>) dst(%dma_wait3A_191 : memref<32x1024xf32, #tpu.memory_space<vmem>>)
    %add3A_195 = arith.constant 64 : i32
    %add3A_196 = arith.addi %mul3A_2, %add3A_195 : i32
    %dma_start3A_197 = arith.constant 2 : i32
    %dma_start3A_198 = arith.constant 0 : i32
    %dma_start3A_199 = arith.constant 0 : i32
    %dma_start3A_200 = tpu.memref_slice %arg21[%dma_start3A_197, %dma_start3A_198, %dma_start3A_199] : memref<3x32x1024xf32, #tpu.memory_space<vmem>> -> memref<1x32x1024xf32, #tpu.memory_space<vmem>>
    %dma_start3A_201 = tpu.memref_squeeze %dma_start3A_200 : memref<1x32x1024xf32, #tpu.memory_space<vmem>> -> memref<32x1024xf32, #tpu.memory_space<vmem>>
    %dma_start3A_202 = arith.constant 0 : i32
    %dma_start3A_203 = tpu.memref_slice %arg4[%add3A_196, %dma_start3A_202] : memref<16384x1024xf32, #tpu.memory_space<hbm>> -> memref<32x1024xf32, #tpu.memory_space<hbm>>
    %dma_start3A_204 = arith.constant 0 : i32
    %dma_start3A_205 = tpu.memref_slice %arg4[%add3A_196, %dma_start3A_204] : memref<16384x1024xf32, #tpu.memory_space<hbm>> -> memref<32x1024xf32, #tpu.memory_space<hbm>>
    %dma_start3A_206 = arith.constant 0 : i32
    %dma_start3A_207 = arith.constant 0 : i32
    %dma_start3A_208 = tpu.memref_slice %arg21[%dma_start3A_197, %dma_start3A_206, %dma_start3A_207] : memref<3x32x1024xf32, #tpu.memory_space<vmem>> -> memref<1x32x1024xf32, #tpu.memory_space<vmem>>
    %dma_start3A_209 = tpu.memref_squeeze %dma_start3A_208 : memref<1x32x1024xf32, #tpu.memory_space<vmem>> -> memref<32x1024xf32, #tpu.memory_space<vmem>>
    tpu.enqueue_dma source(%dma_start3A_209 : memref<32x1024xf32, #tpu.memory_space<vmem>>) target(%dma_start3A_205 : memref<32x1024xf32, #tpu.memory_space<hbm>>) target_semaphore(%arg24 : memref<!tpu.dma_semaphore, #tpu.memory_space<semaphore_mem>>)
    %dma_wait3A_210 = arith.constant 2 : i32
    %dma_wait3A_211 = arith.constant 0 : i32
    %dma_wait3A_212 = arith.constant 0 : i32
    %dma_wait3A_213 = tpu.memref_slice %arg21[%dma_wait3A_210, %dma_wait3A_211, %dma_wait3A_212] : memref<3x32x1024xf32, #tpu.memory_space<vmem>> -> memref<1x32x1024xf32, #tpu.memory_space<vmem>>
    %dma_wait3A_214 = tpu.memref_squeeze %dma_wait3A_213 : memref<1x32x1024xf32, #tpu.memory_space<vmem>> -> memref<32x1024xf32, #tpu.memory_space<vmem>>
    %dma_wait3A_215 = arith.constant 0 : i32
    %dma_wait3A_216 = tpu.memref_slice %arg4[%add3A_196, %dma_wait3A_215] : memref<16384x1024xf32, #tpu.memory_space<hbm>> -> memref<32x1024xf32, #tpu.memory_space<hbm>>
    %dma_wait3A_217 = arith.constant 0 : i32
    %dma_wait3A_218 = tpu.memref_slice %arg4[%add3A_196, %dma_wait3A_217] : memref<16384x1024xf32, #tpu.memory_space<hbm>> -> memref<32x1024xf32, #tpu.memory_space<hbm>>
    %dma_wait3A_219 = arith.constant 0 : i32
    %dma_wait3A_220 = arith.constant 0 : i32
    %dma_wait3A_221 = tpu.memref_slice %arg21[%dma_wait3A_210, %dma_wait3A_219, %dma_wait3A_220] : memref<3x32x1024xf32, #tpu.memory_space<vmem>> -> memref<1x32x1024xf32, #tpu.memory_space<vmem>>
    %dma_wait3A_222 = tpu.memref_squeeze %dma_wait3A_221 : memref<1x32x1024xf32, #tpu.memory_space<vmem>> -> memref<32x1024xf32, #tpu.memory_space<vmem>>
    tpu.wait_dma2 semaphore(%arg24 : memref<!tpu.dma_semaphore, #tpu.memory_space<semaphore_mem>>) src(%dma_wait3A_222 : memref<32x1024xf32, #tpu.memory_space<vmem>>) dst(%dma_wait3A_218 : memref<32x1024xf32, #tpu.memory_space<hbm>>)
    %dma_wait3A_223 = tpu.memref_slice %arg2[%add3A_23] : memref<16384xi32, #tpu.memory_space<hbm>> -> memref<32xi32, #tpu.memory_space<hbm>>
    %dma_wait3A_224 = tpu.memref_slice %arg2[%add3A_23] : memref<16384xi32, #tpu.memory_space<hbm>> -> memref<32xi32, #tpu.memory_space<hbm>>
    tpu.wait_dma2 semaphore(%arg22 : memref<!tpu.dma_semaphore, #tpu.memory_space<semaphore_mem>>) src(%dma_wait3A_224 : memref<32xi32, #tpu.memory_space<hbm>>) dst(%arg10 : memref<32xi32, #tpu.memory_space<vmem>>)
    %dma_start3A_225 = arith.constant 2 : i32
    %dma_start3A_226 = arith.constant 0 : i32
    %dma_start3A_227 = arith.constant 0 : i32
    %dma_start3A_228 = tpu.memref_slice %arg21[%dma_start3A_225, %dma_start3A_226, %dma_start3A_227] : memref<3x32x1024xf32, #tpu.memory_space<vmem>> -> memref<1x32x1024xf32, #tpu.memory_space<vmem>>
    %dma_start3A_229 = tpu.memref_squeeze %dma_start3A_228 : memref<1x32x1024xf32, #tpu.memory_space<vmem>> -> memref<32x1024xf32, #tpu.memory_space<vmem>>
    %dma_start3A_230 = arith.constant 0 : i32
    %dma_start3A_231 = arith.constant 0 : i32
    %dma_start3A_232 = tpu.memref_slice %arg3[%dma_start3A_230, %dma_start3A_231] : memref<100000x1024xf32, #tpu.memory_space<hbm>> -> memref<100000x1024xf32, #tpu.memory_space<hbm>>
    tpu.enqueue_indirect_dma source(%dma_start3A_232 : memref<100000x1024xf32, #tpu.memory_space<hbm>>) target(%dma_start3A_229 : memref<32x1024xf32, #tpu.memory_space<vmem>>) offsets(%arg10 : memref<32xi32, #tpu.memory_space<vmem>>) semaphore(%arg23 : memref<!tpu.dma_semaphore, #tpu.memory_space<semaphore_mem>>)
    %dma_wait3A_233 = arith.constant 0 : i32
    %dma_wait3A_234 = arith.constant 0 : i32
    %dma_wait3A_235 = arith.constant 0 : i32
    %dma_wait3A_236 = tpu.memref_slice %arg21[%dma_wait3A_233, %dma_wait3A_234, %dma_wait3A_235] : memref<3x32x1024xf32, #tpu.memory_space<vmem>> -> memref<1x32x1024xf32, #tpu.memory_space<vmem>>
    %dma_wait3A_237 = tpu.memref_squeeze %dma_wait3A_236 : memref<1x32x1024xf32, #tpu.memory_space<vmem>> -> memref<32x1024xf32, #tpu.memory_space<vmem>>
    %dma_wait3A_238 = arith.constant 0 : i32
    %dma_wait3A_239 = arith.constant 0 : i32
    %dma_wait3A_240 = tpu.memref_slice %arg3[%dma_wait3A_238, %dma_wait3A_239] : memref<100000x1024xf32, #tpu.memory_space<hbm>> -> memref<100000x1024xf32, #tpu.memory_space<hbm>>
    tpu.wait_indirect_dma semaphore(%arg23 : memref<!tpu.dma_semaphore, #tpu.memory_space<semaphore_mem>>) src(%dma_wait3A_240 : memref<100000x1024xf32, #tpu.memory_space<hbm>>) dst(%dma_wait3A_237 : memref<32x1024xf32, #tpu.memory_space<vmem>>)
    %add3A_241 = arith.constant 96 : i32
    %add3A_242 = arith.addi %mul3A_2, %add3A_241 : i32
    %dma_start3A_243 = arith.constant 0 : i32
    %dma_start3A_244 = arith.constant 0 : i32
    %dma_start3A_245 = arith.constant 0 : i32
    %dma_start3A_246 = tpu.memref_slice %arg21[%dma_start3A_243, %dma_start3A_244, %dma_start3A_245] : memref<3x32x1024xf32, #tpu.memory_space<vmem>> -> memref<1x32x1024xf32, #tpu.memory_space<vmem>>
    %dma_start3A_247 = tpu.memref_squeeze %dma_start3A_246 : memref<1x32x1024xf32, #tpu.memory_space<vmem>> -> memref<32x1024xf32, #tpu.memory_space<vmem>>
    %dma_start3A_248 = arith.constant 0 : i32
    %dma_start3A_249 = tpu.memref_slice %arg4[%add3A_242, %dma_start3A_248] : memref<16384x1024xf32, #tpu.memory_space<hbm>> -> memref<32x1024xf32, #tpu.memory_space<hbm>>
    %dma_start3A_250 = arith.constant 0 : i32
    %dma_start3A_251 = tpu.memref_slice %arg4[%add3A_242, %dma_start3A_250] : memref<16384x1024xf32, #tpu.memory_space<hbm>> -> memref<32x1024xf32, #tpu.memory_space<hbm>>
    %dma_start3A_252 = arith.constant 0 : i32
    %dma_start3A_253 = arith.constant 0 : i32
    %dma_start3A_254 = tpu.memref_slice %arg21[%dma_start3A_243, %dma_start3A_252, %dma_start3A_253] : memref<3x32x1024xf32, #tpu.memory_space<vmem>> -> memref<1x32x1024xf32, #tpu.memory_space<vmem>>
    %dma_start3A_255 = tpu.memref_squeeze %dma_start3A_254 : memref<1x32x1024xf32, #tpu.memory_space<vmem>> -> memref<32x1024xf32, #tpu.memory_space<vmem>>
    tpu.enqueue_dma source(%dma_start3A_255 : memref<32x1024xf32, #tpu.memory_space<vmem>>) target(%dma_start3A_251 : memref<32x1024xf32, #tpu.memory_space<hbm>>) target_semaphore(%arg24 : memref<!tpu.dma_semaphore, #tpu.memory_space<semaphore_mem>>)
    %dma_wait3A_256 = arith.constant 0 : i32
    %dma_wait3A_257 = arith.constant 0 : i32
    %dma_wait3A_258 = arith.constant 0 : i32
    %dma_wait3A_259 = tpu.memref_slice %arg21[%dma_wait3A_256, %dma_wait3A_257, %dma_wait3A_258] : memref<3x32x1024xf32, #tpu.memory_space<vmem>> -> memref<1x32x1024xf32, #tpu.memory_space<vmem>>
    %dma_wait3A_260 = tpu.memref_squeeze %dma_wait3A_259 : memref<1x32x1024xf32, #tpu.memory_space<vmem>> -> memref<32x1024xf32, #tpu.memory_space<vmem>>
    %dma_wait3A_261 = arith.constant 0 : i32
    %dma_wait3A_262 = tpu.memref_slice %arg4[%add3A_242, %dma_wait3A_261] : memref<16384x1024xf32, #tpu.memory_space<hbm>> -> memref<32x1024xf32, #tpu.memory_space<hbm>>
    %dma_wait3A_263 = arith.constant 0 : i32
    %dma_wait3A_264 = tpu.memref_slice %arg4[%add3A_242, %dma_wait3A_263] : memref<16384x1024xf32, #tpu.memory_space<hbm>> -> memref<32x1024xf32, #tpu.memory_space<hbm>>
    %dma_wait3A_265 = arith.constant 0 : i32
    %dma_wait3A_266 = arith.constant 0 : i32
    %dma_wait3A_267 = tpu.memref_slice %arg21[%dma_wait3A_256, %dma_wait3A_265, %dma_wait3A_266] : memref<3x32x1024xf32, #tpu.memory_space<vmem>> -> memref<1x32x1024xf32, #tpu.memory_space<vmem>>
    %dma_wait3A_268 = tpu.memref_squeeze %dma_wait3A_267 : memref<1x32x1024xf32, #tpu.memory_space<vmem>> -> memref<32x1024xf32, #tpu.memory_space<vmem>>
    tpu.wait_dma2 semaphore(%arg24 : memref<!tpu.dma_semaphore, #tpu.memory_space<semaphore_mem>>) src(%dma_wait3A_268 : memref<32x1024xf32, #tpu.memory_space<vmem>>) dst(%dma_wait3A_264 : memref<32x1024xf32, #tpu.memory_space<hbm>>)
    %dma_wait3A_269 = tpu.memref_slice %arg2[%add3A_27] : memref<16384xi32, #tpu.memory_space<hbm>> -> memref<32xi32, #tpu.memory_space<hbm>>
    %dma_wait3A_270 = tpu.memref_slice %arg2[%add3A_27] : memref<16384xi32, #tpu.memory_space<hbm>> -> memref<32xi32, #tpu.memory_space<hbm>>
    tpu.wait_dma2 semaphore(%arg22 : memref<!tpu.dma_semaphore, #tpu.memory_space<semaphore_mem>>) src(%dma_wait3A_270 : memref<32xi32, #tpu.memory_space<hbm>>) dst(%arg11 : memref<32xi32, #tpu.memory_space<vmem>>)
    %dma_start3A_271 = arith.constant 0 : i32
    %dma_start3A_272 = arith.constant 0 : i32
    %dma_start3A_273 = arith.constant 0 : i32
    %dma_start3A_274 = tpu.memref_slice %arg21[%dma_start3A_271, %dma_start3A_272, %dma_start3A_273] : memref<3x32x1024xf32, #tpu.memory_space<vmem>> -> memref<1x32x1024xf32, #tpu.memory_space<vmem>>
    %dma_start3A_275 = tpu.memref_squeeze %dma_start3A_274 : memref<1x32x1024xf32, #tpu.memory_space<vmem>> -> memref<32x1024xf32, #tpu.memory_space<vmem>>
    %dma_start3A_276 = arith.constant 0 : i32
    %dma_start3A_277 = arith.constant 0 : i32
    %dma_start3A_278 = tpu.memref_slice %arg3[%dma_start3A_276, %dma_start3A_277] : memref<100000x1024xf32, #tpu.memory_space<hbm>> -> memref<100000x1024xf32, #tpu.memory_space<hbm>>
    tpu.enqueue_indirect_dma source(%dma_start3A_278 : memref<100000x1024xf32, #tpu.memory_space<hbm>>) target(%dma_start3A_275 : memref<32x1024xf32, #tpu.memory_space<vmem>>) offsets(%arg11 : memref<32xi32, #tpu.memory_space<vmem>>) semaphore(%arg23 : memref<!tpu.dma_semaphore, #tpu.memory_space<semaphore_mem>>)
    %dma_wait3A_279 = arith.constant 1 : i32
    %dma_wait3A_280 = arith.constant 0 : i32
    %dma_wait3A_281 = arith.constant 0 : i32
    %dma_wait3A_282 = tpu.memref_slice %arg21[%dma_wait3A_279, %dma_wait3A_280, %dma_wait3A_281] : memref<3x32x1024xf32, #tpu.memory_space<vmem>> -> memref<1x32x1024xf32, #tpu.memory_space<vmem>>
    %dma_wait3A_283 = tpu.memref_squeeze %dma_wait3A_282 : memref<1x32x1024xf32, #tpu.memory_space<vmem>> -> memref<32x1024xf32, #tpu.memory_space<vmem>>
    %dma_wait3A_284 = arith.constant 0 : i32
    %dma_wait3A_285 = arith.constant 0 : i32
    %dma_wait3A_286 = tpu.memref_slice %arg3[%dma_wait3A_284, %dma_wait3A_285] : memref<100000x1024xf32, #tpu.memory_space<hbm>> -> memref<100000x1024xf32, #tpu.memory_space<hbm>>
    tpu.wait_indirect_dma semaphore(%arg23 : memref<!tpu.dma_semaphore, #tpu.memory_space<semaphore_mem>>) src(%dma_wait3A_286 : memref<100000x1024xf32, #tpu.memory_space<hbm>>) dst(%dma_wait3A_283 : memref<32x1024xf32, #tpu.memory_space<vmem>>)
    %add3A_287 = arith.constant 128 : i32
    %add3A_288 = arith.addi %mul3A_2, %add3A_287 : i32
    %dma_start3A_289 = arith.constant 1 : i32
    %dma_start3A_290 = arith.constant 0 : i32
    %dma_start3A_291 = arith.constant 0 : i32
    %dma_start3A_292 = tpu.memref_slice %arg21[%dma_start3A_289, %dma_start3A_290, %dma_start3A_291] : memref<3x32x1024xf32, #tpu.memory_space<vmem>> -> memref<1x32x1024xf32, #tpu.memory_space<vmem>>
    %dma_start3A_293 = tpu.memref_squeeze %dma_start3A_292 : memref<1x32x1024xf32, #tpu.memory_space<vmem>> -> memref<32x1024xf32, #tpu.memory_space<vmem>>
    %dma_start3A_294 = arith.constant 0 : i32
    %dma_start3A_295 = tpu.memref_slice %arg4[%add3A_288, %dma_start3A_294] : memref<16384x1024xf32, #tpu.memory_space<hbm>> -> memref<32x1024xf32, #tpu.memory_space<hbm>>
    %dma_start3A_296 = arith.constant 0 : i32
    %dma_start3A_297 = tpu.memref_slice %arg4[%add3A_288, %dma_start3A_296] : memref<16384x1024xf32, #tpu.memory_space<hbm>> -> memref<32x1024xf32, #tpu.memory_space<hbm>>
    %dma_start3A_298 = arith.constant 0 : i32
    %dma_start3A_299 = arith.constant 0 : i32
    %dma_start3A_300 = tpu.memref_slice %arg21[%dma_start3A_289, %dma_start3A_298, %dma_start3A_299] : memref<3x32x1024xf32, #tpu.memory_space<vmem>> -> memref<1x32x1024xf32, #tpu.memory_space<vmem>>
    %dma_start3A_301 = tpu.memref_squeeze %dma_start3A_300 : memref<1x32x1024xf32, #tpu.memory_space<vmem>> -> memref<32x1024xf32, #tpu.memory_space<vmem>>
    tpu.enqueue_dma source(%dma_start3A_301 : memref<32x1024xf32, #tpu.memory_space<vmem>>) target(%dma_start3A_297 : memref<32x1024xf32, #tpu.memory_space<hbm>>) target_semaphore(%arg24 : memref<!tpu.dma_semaphore, #tpu.memory_space<semaphore_mem>>)
    %dma_wait3A_302 = arith.constant 1 : i32
    %dma_wait3A_303 = arith.constant 0 : i32
    %dma_wait3A_304 = arith.constant 0 : i32
    %dma_wait3A_305 = tpu.memref_slice %arg21[%dma_wait3A_302, %dma_wait3A_303, %dma_wait3A_304] : memref<3x32x1024xf32, #tpu.memory_space<vmem>> -> memref<1x32x1024xf32, #tpu.memory_space<vmem>>
    %dma_wait3A_306 = tpu.memref_squeeze %dma_wait3A_305 : memref<1x32x1024xf32, #tpu.memory_space<vmem>> -> memref<32x1024xf32, #tpu.memory_space<vmem>>
    %dma_wait3A_307 = arith.constant 0 : i32
    %dma_wait3A_308 = tpu.memref_slice %arg4[%add3A_288, %dma_wait3A_307] : memref<16384x1024xf32, #tpu.memory_space<hbm>> -> memref<32x1024xf32, #tpu.memory_space<hbm>>
    %dma_wait3A_309 = arith.constant 0 : i32
    %dma_wait3A_310 = tpu.memref_slice %arg4[%add3A_288, %dma_wait3A_309] : memref<16384x1024xf32, #tpu.memory_space<hbm>> -> memref<32x1024xf32, #tpu.memory_space<hbm>>
    %dma_wait3A_311 = arith.constant 0 : i32
    %dma_wait3A_312 = arith.constant 0 : i32
    %dma_wait3A_313 = tpu.memref_slice %arg21[%dma_wait3A_302, %dma_wait3A_311, %dma_wait3A_312] : memref<3x32x1024xf32, #tpu.memory_space<vmem>> -> memref<1x32x1024xf32, #tpu.memory_space<vmem>>
    %dma_wait3A_314 = tpu.memref_squeeze %dma_wait3A_313 : memref<1x32x1024xf32, #tpu.memory_space<vmem>> -> memref<32x1024xf32, #tpu.memory_space<vmem>>
    tpu.wait_dma2 semaphore(%arg24 : memref<!tpu.dma_semaphore, #tpu.memory_space<semaphore_mem>>) src(%dma_wait3A_314 : memref<32x1024xf32, #tpu.memory_space<vmem>>) dst(%dma_wait3A_310 : memref<32x1024xf32, #tpu.memory_space<hbm>>)
    %dma_wait3A_315 = tpu.memref_slice %arg2[%add3A_31] : memref<16384xi32, #tpu.memory_space<hbm>> -> memref<32xi32, #tpu.memory_space<hbm>>
    %dma_wait3A_316 = tpu.memref_slice %arg2[%add3A_31] : memref<16384xi32, #tpu.memory_space<hbm>> -> memref<32xi32, #tpu.memory_space<hbm>>
    tpu.wait_dma2 semaphore(%arg22 : memref<!tpu.dma_semaphore, #tpu.memory_space<semaphore_mem>>) src(%dma_wait3A_316 : memref<32xi32, #tpu.memory_space<hbm>>) dst(%arg12 : memref<32xi32, #tpu.memory_space<vmem>>)
    %dma_start3A_317 = arith.constant 1 : i32
    %dma_start3A_318 = arith.constant 0 : i32
    %dma_start3A_319 = arith.constant 0 : i32
    %dma_start3A_320 = tpu.memref_slice %arg21[%dma_start3A_317, %dma_start3A_318, %dma_start3A_319] : memref<3x32x1024xf32, #tpu.memory_space<vmem>> -> memref<1x32x1024xf32, #tpu.memory_space<vmem>>
    %dma_start3A_321 = tpu.memref_squeeze %dma_start3A_320 : memref<1x32x1024xf32, #tpu.memory_space<vmem>> -> memref<32x1024xf32, #tpu.memory_space<vmem>>
    %dma_start3A_322 = arith.constant 0 : i32
    %dma_start3A_323 = arith.constant 0 : i32
    %dma_start3A_324 = tpu.memref_slice %arg3[%dma_start3A_322, %dma_start3A_323] : memref<100000x1024xf32, #tpu.memory_space<hbm>> -> memref<100000x1024xf32, #tpu.memory_space<hbm>>
    tpu.enqueue_indirect_dma source(%dma_start3A_324 : memref<100000x1024xf32, #tpu.memory_space<hbm>>) target(%dma_start3A_321 : memref<32x1024xf32, #tpu.memory_space<vmem>>) offsets(%arg12 : memref<32xi32, #tpu.memory_space<vmem>>) semaphore(%arg23 : memref<!tpu.dma_semaphore, #tpu.memory_space<semaphore_mem>>)
    %dma_wait3A_325 = arith.constant 2 : i32
    %dma_wait3A_326 = arith.constant 0 : i32
    %dma_wait3A_327 = arith.constant 0 : i32
    %dma_wait3A_328 = tpu.memref_slice %arg21[%dma_wait3A_325, %dma_wait3A_326, %dma_wait3A_327] : memref<3x32x1024xf32, #tpu.memory_space<vmem>> -> memref<1x32x1024xf32, #tpu.memory_space<vmem>>
    %dma_wait3A_329 = tpu.memref_squeeze %dma_wait3A_328 : memref<1x32x1024xf32, #tpu.memory_space<vmem>> -> memref<32x1024xf32, #tpu.memory_space<vmem>>
    %dma_wait3A_330 = arith.constant 0 : i32
    %dma_wait3A_331 = arith.constant 0 : i32
    %dma_wait3A_332 = tpu.memref_slice %arg3[%dma_wait3A_330, %dma_wait3A_331] : memref<100000x1024xf32, #tpu.memory_space<hbm>> -> memref<100000x1024xf32, #tpu.memory_space<hbm>>
    tpu.wait_indirect_dma semaphore(%arg23 : memref<!tpu.dma_semaphore, #tpu.memory_space<semaphore_mem>>) src(%dma_wait3A_332 : memref<100000x1024xf32, #tpu.memory_space<hbm>>) dst(%dma_wait3A_329 : memref<32x1024xf32, #tpu.memory_space<vmem>>)
    %add3A_333 = arith.constant 160 : i32
    %add3A_334 = arith.addi %mul3A_2, %add3A_333 : i32
    %dma_start3A_335 = arith.constant 2 : i32
    %dma_start3A_336 = arith.constant 0 : i32
    %dma_start3A_337 = arith.constant 0 : i32
    %dma_start3A_338 = tpu.memref_slice %arg21[%dma_start3A_335, %dma_start3A_336, %dma_start3A_337] : memref<3x32x1024xf32, #tpu.memory_space<vmem>> -> memref<1x32x1024xf32, #tpu.memory_space<vmem>>
    %dma_start3A_339 = tpu.memref_squeeze %dma_start3A_338 : memref<1x32x1024xf32, #tpu.memory_space<vmem>> -> memref<32x1024xf32, #tpu.memory_space<vmem>>
    %dma_start3A_340 = arith.constant 0 : i32
    %dma_start3A_341 = tpu.memref_slice %arg4[%add3A_334, %dma_start3A_340] : memref<16384x1024xf32, #tpu.memory_space<hbm>> -> memref<32x1024xf32, #tpu.memory_space<hbm>>
    %dma_start3A_342 = arith.constant 0 : i32
    %dma_start3A_343 = tpu.memref_slice %arg4[%add3A_334, %dma_start3A_342] : memref<16384x1024xf32, #tpu.memory_space<hbm>> -> memref<32x1024xf32, #tpu.memory_space<hbm>>
    %dma_start3A_344 = arith.constant 0 : i32
    %dma_start3A_345 = arith.constant 0 : i32
    %dma_start3A_346 = tpu.memref_slice %arg21[%dma_start3A_335, %dma_start3A_344, %dma_start3A_345] : memref<3x32x1024xf32, #tpu.memory_space<vmem>> -> memref<1x32x1024xf32, #tpu.memory_space<vmem>>
    %dma_start3A_347 = tpu.memref_squeeze %dma_start3A_346 : memref<1x32x1024xf32, #tpu.memory_space<vmem>> -> memref<32x1024xf32, #tpu.memory_space<vmem>>
    tpu.enqueue_dma source(%dma_start3A_347 : memref<32x1024xf32, #tpu.memory_space<vmem>>) target(%dma_start3A_343 : memref<32x1024xf32, #tpu.memory_space<hbm>>) target_semaphore(%arg24 : memref<!tpu.dma_semaphore, #tpu.memory_space<semaphore_mem>>)
    %dma_wait3A_348 = arith.constant 2 : i32
    %dma_wait3A_349 = arith.constant 0 : i32
    %dma_wait3A_350 = arith.constant 0 : i32
    %dma_wait3A_351 = tpu.memref_slice %arg21[%dma_wait3A_348, %dma_wait3A_349, %dma_wait3A_350] : memref<3x32x1024xf32, #tpu.memory_space<vmem>> -> memref<1x32x1024xf32, #tpu.memory_space<vmem>>
    %dma_wait3A_352 = tpu.memref_squeeze %dma_wait3A_351 : memref<1x32x1024xf32, #tpu.memory_space<vmem>> -> memref<32x1024xf32, #tpu.memory_space<vmem>>
    %dma_wait3A_353 = arith.constant 0 : i32
    %dma_wait3A_354 = tpu.memref_slice %arg4[%add3A_334, %dma_wait3A_353] : memref<16384x1024xf32, #tpu.memory_space<hbm>> -> memref<32x1024xf32, #tpu.memory_space<hbm>>
    %dma_wait3A_355 = arith.constant 0 : i32
    %dma_wait3A_356 = tpu.memref_slice %arg4[%add3A_334, %dma_wait3A_355] : memref<16384x1024xf32, #tpu.memory_space<hbm>> -> memref<32x1024xf32, #tpu.memory_space<hbm>>
    %dma_wait3A_357 = arith.constant 0 : i32
    %dma_wait3A_358 = arith.constant 0 : i32
    %dma_wait3A_359 = tpu.memref_slice %arg21[%dma_wait3A_348, %dma_wait3A_357, %dma_wait3A_358] : memref<3x32x1024xf32, #tpu.memory_space<vmem>> -> memref<1x32x1024xf32, #tpu.memory_space<vmem>>
    %dma_wait3A_360 = tpu.memref_squeeze %dma_wait3A_359 : memref<1x32x1024xf32, #tpu.memory_space<vmem>> -> memref<32x1024xf32, #tpu.memory_space<vmem>>
    tpu.wait_dma2 semaphore(%arg24 : memref<!tpu.dma_semaphore, #tpu.memory_space<semaphore_mem>>) src(%dma_wait3A_360 : memref<32x1024xf32, #tpu.memory_space<vmem>>) dst(%dma_wait3A_356 : memref<32x1024xf32, #tpu.memory_space<hbm>>)
    %dma_wait3A_361 = tpu.memref_slice %arg2[%add3A_35] : memref<16384xi32, #tpu.memory_space<hbm>> -> memref<32xi32, #tpu.memory_space<hbm>>
    %dma_wait3A_362 = tpu.memref_slice %arg2[%add3A_35] : memref<16384xi32, #tpu.memory_space<hbm>> -> memref<32xi32, #tpu.memory_space<hbm>>
    tpu.wait_dma2 semaphore(%arg22 : memref<!tpu.dma_semaphore, #tpu.memory_space<semaphore_mem>>) src(%dma_wait3A_362 : memref<32xi32, #tpu.memory_space<hbm>>) dst(%arg13 : memref<32xi32, #tpu.memory_space<vmem>>)
    %dma_start3A_363 = arith.constant 2 : i32
    %dma_start3A_364 = arith.constant 0 : i32
    %dma_start3A_365 = arith.constant 0 : i32
    %dma_start3A_366 = tpu.memref_slice %arg21[%dma_start3A_363, %dma_start3A_364, %dma_start3A_365] : memref<3x32x1024xf32, #tpu.memory_space<vmem>> -> memref<1x32x1024xf32, #tpu.memory_space<vmem>>
    %dma_start3A_367 = tpu.memref_squeeze %dma_start3A_366 : memref<1x32x1024xf32, #tpu.memory_space<vmem>> -> memref<32x1024xf32, #tpu.memory_space<vmem>>
    %dma_start3A_368 = arith.constant 0 : i32
    %dma_start3A_369 = arith.constant 0 : i32
    %dma_start3A_370 = tpu.memref_slice %arg3[%dma_start3A_368, %dma_start3A_369] : memref<100000x1024xf32, #tpu.memory_space<hbm>> -> memref<100000x1024xf32, #tpu.memory_space<hbm>>
    tpu.enqueue_indirect_dma source(%dma_start3A_370 : memref<100000x1024xf32, #tpu.memory_space<hbm>>) target(%dma_start3A_367 : memref<32x1024xf32, #tpu.memory_space<vmem>>) offsets(%arg13 : memref<32xi32, #tpu.memory_space<vmem>>) semaphore(%arg23 : memref<!tpu.dma_semaphore, #tpu.memory_space<semaphore_mem>>)
    %dma_wait3A_371 = arith.constant 0 : i32
    %dma_wait3A_372 = arith.constant 0 : i32
    %dma_wait3A_373 = arith.constant 0 : i32
    %dma_wait3A_374 = tpu.memref_slice %arg21[%dma_wait3A_371, %dma_wait3A_372, %dma_wait3A_373] : memref<3x32x1024xf32, #tpu.memory_space<vmem>> -> memref<1x32x1024xf32, #tpu.memory_space<vmem>>
    %dma_wait3A_375 = tpu.memref_squeeze %dma_wait3A_374 : memref<1x32x1024xf32, #tpu.memory_space<vmem>> -> memref<32x1024xf32, #tpu.memory_space<vmem>>
    %dma_wait3A_376 = arith.constant 0 : i32
    %dma_wait3A_377 = arith.constant 0 : i32
    %dma_wait3A_378 = tpu.memref_slice %arg3[%dma_wait3A_376, %dma_wait3A_377] : memref<100000x1024xf32, #tpu.memory_space<hbm>> -> memref<100000x1024xf32, #tpu.memory_space<hbm>>
    tpu.wait_indirect_dma semaphore(%arg23 : memref<!tpu.dma_semaphore, #tpu.memory_space<semaphore_mem>>) src(%dma_wait3A_378 : memref<100000x1024xf32, #tpu.memory_space<hbm>>) dst(%dma_wait3A_375 : memref<32x1024xf32, #tpu.memory_space<vmem>>)
    %add3A_379 = arith.constant 192 : i32
    %add3A_380 = arith.addi %mul3A_2, %add3A_379 : i32
    %dma_start3A_381 = arith.constant 0 : i32
    %dma_start3A_382 = arith.constant 0 : i32
    %dma_start3A_383 = arith.constant 0 : i32
    %dma_start3A_384 = tpu.memref_slice %arg21[%dma_start3A_381, %dma_start3A_382, %dma_start3A_383] : memref<3x32x1024xf32, #tpu.memory_space<vmem>> -> memref<1x32x1024xf32, #tpu.memory_space<vmem>>
    %dma_start3A_385 = tpu.memref_squeeze %dma_start3A_384 : memref<1x32x1024xf32, #tpu.memory_space<vmem>> -> memref<32x1024xf32, #tpu.memory_space<vmem>>
    %dma_start3A_386 = arith.constant 0 : i32
    %dma_start3A_387 = tpu.memref_slice %arg4[%add3A_380, %dma_start3A_386] : memref<16384x1024xf32, #tpu.memory_space<hbm>> -> memref<32x1024xf32, #tpu.memory_space<hbm>>
    %dma_start3A_388 = arith.constant 0 : i32
    %dma_start3A_389 = tpu.memref_slice %arg4[%add3A_380, %dma_start3A_388] : memref<16384x1024xf32, #tpu.memory_space<hbm>> -> memref<32x1024xf32, #tpu.memory_space<hbm>>
    %dma_start3A_390 = arith.constant 0 : i32
    %dma_start3A_391 = arith.constant 0 : i32
    %dma_start3A_392 = tpu.memref_slice %arg21[%dma_start3A_381, %dma_start3A_390, %dma_start3A_391] : memref<3x32x1024xf32, #tpu.memory_space<vmem>> -> memref<1x32x1024xf32, #tpu.memory_space<vmem>>
    %dma_start3A_393 = tpu.memref_squeeze %dma_start3A_392 : memref<1x32x1024xf32, #tpu.memory_space<vmem>> -> memref<32x1024xf32, #tpu.memory_space<vmem>>
    tpu.enqueue_dma source(%dma_start3A_393 : memref<32x1024xf32, #tpu.memory_space<vmem>>) target(%dma_start3A_389 : memref<32x1024xf32, #tpu.memory_space<hbm>>) target_semaphore(%arg24 : memref<!tpu.dma_semaphore, #tpu.memory_space<semaphore_mem>>)
    %dma_wait3A_394 = arith.constant 0 : i32
    %dma_wait3A_395 = arith.constant 0 : i32
    %dma_wait3A_396 = arith.constant 0 : i32
    %dma_wait3A_397 = tpu.memref_slice %arg21[%dma_wait3A_394, %dma_wait3A_395, %dma_wait3A_396] : memref<3x32x1024xf32, #tpu.memory_space<vmem>> -> memref<1x32x1024xf32, #tpu.memory_space<vmem>>
    %dma_wait3A_398 = tpu.memref_squeeze %dma_wait3A_397 : memref<1x32x1024xf32, #tpu.memory_space<vmem>> -> memref<32x1024xf32, #tpu.memory_space<vmem>>
    %dma_wait3A_399 = arith.constant 0 : i32
    %dma_wait3A_400 = tpu.memref_slice %arg4[%add3A_380, %dma_wait3A_399] : memref<16384x1024xf32, #tpu.memory_space<hbm>> -> memref<32x1024xf32, #tpu.memory_space<hbm>>
    %dma_wait3A_401 = arith.constant 0 : i32
    %dma_wait3A_402 = tpu.memref_slice %arg4[%add3A_380, %dma_wait3A_401] : memref<16384x1024xf32, #tpu.memory_space<hbm>> -> memref<32x1024xf32, #tpu.memory_space<hbm>>
    %dma_wait3A_403 = arith.constant 0 : i32
    %dma_wait3A_404 = arith.constant 0 : i32
    %dma_wait3A_405 = tpu.memref_slice %arg21[%dma_wait3A_394, %dma_wait3A_403, %dma_wait3A_404] : memref<3x32x1024xf32, #tpu.memory_space<vmem>> -> memref<1x32x1024xf32, #tpu.memory_space<vmem>>
    %dma_wait3A_406 = tpu.memref_squeeze %dma_wait3A_405 : memref<1x32x1024xf32, #tpu.memory_space<vmem>> -> memref<32x1024xf32, #tpu.memory_space<vmem>>
    tpu.wait_dma2 semaphore(%arg24 : memref<!tpu.dma_semaphore, #tpu.memory_space<semaphore_mem>>) src(%dma_wait3A_406 : memref<32x1024xf32, #tpu.memory_space<vmem>>) dst(%dma_wait3A_402 : memref<32x1024xf32, #tpu.memory_space<hbm>>)
    %dma_wait3A_407 = tpu.memref_slice %arg2[%add3A_39] : memref<16384xi32, #tpu.memory_space<hbm>> -> memref<32xi32, #tpu.memory_space<hbm>>
    %dma_wait3A_408 = tpu.memref_slice %arg2[%add3A_39] : memref<16384xi32, #tpu.memory_space<hbm>> -> memref<32xi32, #tpu.memory_space<hbm>>
    tpu.wait_dma2 semaphore(%arg22 : memref<!tpu.dma_semaphore, #tpu.memory_space<semaphore_mem>>) src(%dma_wait3A_408 : memref<32xi32, #tpu.memory_space<hbm>>) dst(%arg14 : memref<32xi32, #tpu.memory_space<vmem>>)
    %dma_start3A_409 = arith.constant 0 : i32
    %dma_start3A_410 = arith.constant 0 : i32
    %dma_start3A_411 = arith.constant 0 : i32
    %dma_start3A_412 = tpu.memref_slice %arg21[%dma_start3A_409, %dma_start3A_410, %dma_start3A_411] : memref<3x32x1024xf32, #tpu.memory_space<vmem>> -> memref<1x32x1024xf32, #tpu.memory_space<vmem>>
    %dma_start3A_413 = tpu.memref_squeeze %dma_start3A_412 : memref<1x32x1024xf32, #tpu.memory_space<vmem>> -> memref<32x1024xf32, #tpu.memory_space<vmem>>
    %dma_start3A_414 = arith.constant 0 : i32
    %dma_start3A_415 = arith.constant 0 : i32
    %dma_start3A_416 = tpu.memref_slice %arg3[%dma_start3A_414, %dma_start3A_415] : memref<100000x1024xf32, #tpu.memory_space<hbm>> -> memref<100000x1024xf32, #tpu.memory_space<hbm>>
    tpu.enqueue_indirect_dma source(%dma_start3A_416 : memref<100000x1024xf32, #tpu.memory_space<hbm>>) target(%dma_start3A_413 : memref<32x1024xf32, #tpu.memory_space<vmem>>) offsets(%arg14 : memref<32xi32, #tpu.memory_space<vmem>>) semaphore(%arg23 : memref<!tpu.dma_semaphore, #tpu.memory_space<semaphore_mem>>)
    %dma_wait3A_417 = arith.constant 1 : i32
    %dma_wait3A_418 = arith.constant 0 : i32
    %dma_wait3A_419 = arith.constant 0 : i32
    %dma_wait3A_420 = tpu.memref_slice %arg21[%dma_wait3A_417, %dma_wait3A_418, %dma_wait3A_419] : memref<3x32x1024xf32, #tpu.memory_space<vmem>> -> memref<1x32x1024xf32, #tpu.memory_space<vmem>>
    %dma_wait3A_421 = tpu.memref_squeeze %dma_wait3A_420 : memref<1x32x1024xf32, #tpu.memory_space<vmem>> -> memref<32x1024xf32, #tpu.memory_space<vmem>>
    %dma_wait3A_422 = arith.constant 0 : i32
    %dma_wait3A_423 = arith.constant 0 : i32
    %dma_wait3A_424 = tpu.memref_slice %arg3[%dma_wait3A_422, %dma_wait3A_423] : memref<100000x1024xf32, #tpu.memory_space<hbm>> -> memref<100000x1024xf32, #tpu.memory_space<hbm>>
    tpu.wait_indirect_dma semaphore(%arg23 : memref<!tpu.dma_semaphore, #tpu.memory_space<semaphore_mem>>) src(%dma_wait3A_424 : memref<100000x1024xf32, #tpu.memory_space<hbm>>) dst(%dma_wait3A_421 : memref<32x1024xf32, #tpu.memory_space<vmem>>)
    %add3A_425 = arith.constant 224 : i32
    %add3A_426 = arith.addi %mul3A_2, %add3A_425 : i32
    %dma_start3A_427 = arith.constant 1 : i32
    %dma_start3A_428 = arith.constant 0 : i32
    %dma_start3A_429 = arith.constant 0 : i32
    %dma_start3A_430 = tpu.memref_slice %arg21[%dma_start3A_427, %dma_start3A_428, %dma_start3A_429] : memref<3x32x1024xf32, #tpu.memory_space<vmem>> -> memref<1x32x1024xf32, #tpu.memory_space<vmem>>
    %dma_start3A_431 = tpu.memref_squeeze %dma_start3A_430 : memref<1x32x1024xf32, #tpu.memory_space<vmem>> -> memref<32x1024xf32, #tpu.memory_space<vmem>>
    %dma_start3A_432 = arith.constant 0 : i32
    %dma_start3A_433 = tpu.memref_slice %arg4[%add3A_426, %dma_start3A_432] : memref<16384x1024xf32, #tpu.memory_space<hbm>> -> memref<32x1024xf32, #tpu.memory_space<hbm>>
    %dma_start3A_434 = arith.constant 0 : i32
    %dma_start3A_435 = tpu.memref_slice %arg4[%add3A_426, %dma_start3A_434] : memref<16384x1024xf32, #tpu.memory_space<hbm>> -> memref<32x1024xf32, #tpu.memory_space<hbm>>
    %dma_start3A_436 = arith.constant 0 : i32
    %dma_start3A_437 = arith.constant 0 : i32
    %dma_start3A_438 = tpu.memref_slice %arg21[%dma_start3A_427, %dma_start3A_436, %dma_start3A_437] : memref<3x32x1024xf32, #tpu.memory_space<vmem>> -> memref<1x32x1024xf32, #tpu.memory_space<vmem>>
    %dma_start3A_439 = tpu.memref_squeeze %dma_start3A_438 : memref<1x32x1024xf32, #tpu.memory_space<vmem>> -> memref<32x1024xf32, #tpu.memory_space<vmem>>
    tpu.enqueue_dma source(%dma_start3A_439 : memref<32x1024xf32, #tpu.memory_space<vmem>>) target(%dma_start3A_435 : memref<32x1024xf32, #tpu.memory_space<hbm>>) target_semaphore(%arg24 : memref<!tpu.dma_semaphore, #tpu.memory_space<semaphore_mem>>)
    %dma_wait3A_440 = arith.constant 1 : i32
    %dma_wait3A_441 = arith.constant 0 : i32
    %dma_wait3A_442 = arith.constant 0 : i32
    %dma_wait3A_443 = tpu.memref_slice %arg21[%dma_wait3A_440, %dma_wait3A_441, %dma_wait3A_442] : memref<3x32x1024xf32, #tpu.memory_space<vmem>> -> memref<1x32x1024xf32, #tpu.memory_space<vmem>>
    %dma_wait3A_444 = tpu.memref_squeeze %dma_wait3A_443 : memref<1x32x1024xf32, #tpu.memory_space<vmem>> -> memref<32x1024xf32, #tpu.memory_space<vmem>>
    %dma_wait3A_445 = arith.constant 0 : i32
    %dma_wait3A_446 = tpu.memref_slice %arg4[%add3A_426, %dma_wait3A_445] : memref<16384x1024xf32, #tpu.memory_space<hbm>> -> memref<32x1024xf32, #tpu.memory_space<hbm>>
    %dma_wait3A_447 = arith.constant 0 : i32
    %dma_wait3A_448 = tpu.memref_slice %arg4[%add3A_426, %dma_wait3A_447] : memref<16384x1024xf32, #tpu.memory_space<hbm>> -> memref<32x1024xf32, #tpu.memory_space<hbm>>
    %dma_wait3A_449 = arith.constant 0 : i32
    %dma_wait3A_450 = arith.constant 0 : i32
    %dma_wait3A_451 = tpu.memref_slice %arg21[%dma_wait3A_440, %dma_wait3A_449, %dma_wait3A_450] : memref<3x32x1024xf32, #tpu.memory_space<vmem>> -> memref<1x32x1024xf32, #tpu.memory_space<vmem>>
    %dma_wait3A_452 = tpu.memref_squeeze %dma_wait3A_451 : memref<1x32x1024xf32, #tpu.memory_space<vmem>> -> memref<32x1024xf32, #tpu.memory_space<vmem>>
    tpu.wait_dma2 semaphore(%arg24 : memref<!tpu.dma_semaphore, #tpu.memory_space<semaphore_mem>>) src(%dma_wait3A_452 : memref<32x1024xf32, #tpu.memory_space<vmem>>) dst(%dma_wait3A_448 : memref<32x1024xf32, #tpu.memory_space<hbm>>)
    %dma_wait3A_453 = tpu.memref_slice %arg2[%add3A_43] : memref<16384xi32, #tpu.memory_space<hbm>> -> memref<32xi32, #tpu.memory_space<hbm>>
    %dma_wait3A_454 = tpu.memref_slice %arg2[%add3A_43] : memref<16384xi32, #tpu.memory_space<hbm>> -> memref<32xi32, #tpu.memory_space<hbm>>
    tpu.wait_dma2 semaphore(%arg22 : memref<!tpu.dma_semaphore, #tpu.memory_space<semaphore_mem>>) src(%dma_wait3A_454 : memref<32xi32, #tpu.memory_space<hbm>>) dst(%arg15 : memref<32xi32, #tpu.memory_space<vmem>>)
    %dma_start3A_455 = arith.constant 1 : i32
    %dma_start3A_456 = arith.constant 0 : i32
    %dma_start3A_457 = arith.constant 0 : i32
    %dma_start3A_458 = tpu.memref_slice %arg21[%dma_start3A_455, %dma_start3A_456, %dma_start3A_457] : memref<3x32x1024xf32, #tpu.memory_space<vmem>> -> memref<1x32x1024xf32, #tpu.memory_space<vmem>>
    %dma_start3A_459 = tpu.memref_squeeze %dma_start3A_458 : memref<1x32x1024xf32, #tpu.memory_space<vmem>> -> memref<32x1024xf32, #tpu.memory_space<vmem>>
    %dma_start3A_460 = arith.constant 0 : i32
    %dma_start3A_461 = arith.constant 0 : i32
    %dma_start3A_462 = tpu.memref_slice %arg3[%dma_start3A_460, %dma_start3A_461] : memref<100000x1024xf32, #tpu.memory_space<hbm>> -> memref<100000x1024xf32, #tpu.memory_space<hbm>>
    tpu.enqueue_indirect_dma source(%dma_start3A_462 : memref<100000x1024xf32, #tpu.memory_space<hbm>>) target(%dma_start3A_459 : memref<32x1024xf32, #tpu.memory_space<vmem>>) offsets(%arg15 : memref<32xi32, #tpu.memory_space<vmem>>) semaphore(%arg23 : memref<!tpu.dma_semaphore, #tpu.memory_space<semaphore_mem>>)
    %dma_wait3A_463 = arith.constant 2 : i32
    %dma_wait3A_464 = arith.constant 0 : i32
    %dma_wait3A_465 = arith.constant 0 : i32
    %dma_wait3A_466 = tpu.memref_slice %arg21[%dma_wait3A_463, %dma_wait3A_464, %dma_wait3A_465] : memref<3x32x1024xf32, #tpu.memory_space<vmem>> -> memref<1x32x1024xf32, #tpu.memory_space<vmem>>
    %dma_wait3A_467 = tpu.memref_squeeze %dma_wait3A_466 : memref<1x32x1024xf32, #tpu.memory_space<vmem>> -> memref<32x1024xf32, #tpu.memory_space<vmem>>
    %dma_wait3A_468 = arith.constant 0 : i32
    %dma_wait3A_469 = arith.constant 0 : i32
    %dma_wait3A_470 = tpu.memref_slice %arg3[%dma_wait3A_468, %dma_wait3A_469] : memref<100000x1024xf32, #tpu.memory_space<hbm>> -> memref<100000x1024xf32, #tpu.memory_space<hbm>>
    tpu.wait_indirect_dma semaphore(%arg23 : memref<!tpu.dma_semaphore, #tpu.memory_space<semaphore_mem>>) src(%dma_wait3A_470 : memref<100000x1024xf32, #tpu.memory_space<hbm>>) dst(%dma_wait3A_467 : memref<32x1024xf32, #tpu.memory_space<vmem>>)
    %add3A_471 = arith.constant 256 : i32
    %add3A_472 = arith.addi %mul3A_2, %add3A_471 : i32
    %dma_start3A_473 = arith.constant 2 : i32
    %dma_start3A_474 = arith.constant 0 : i32
    %dma_start3A_475 = arith.constant 0 : i32
    %dma_start3A_476 = tpu.memref_slice %arg21[%dma_start3A_473, %dma_start3A_474, %dma_start3A_475] : memref<3x32x1024xf32, #tpu.memory_space<vmem>> -> memref<1x32x1024xf32, #tpu.memory_space<vmem>>
    %dma_start3A_477 = tpu.memref_squeeze %dma_start3A_476 : memref<1x32x1024xf32, #tpu.memory_space<vmem>> -> memref<32x1024xf32, #tpu.memory_space<vmem>>
    %dma_start3A_478 = arith.constant 0 : i32
    %dma_start3A_479 = tpu.memref_slice %arg4[%add3A_472, %dma_start3A_478] : memref<16384x1024xf32, #tpu.memory_space<hbm>> -> memref<32x1024xf32, #tpu.memory_space<hbm>>
    %dma_start3A_480 = arith.constant 0 : i32
    %dma_start3A_481 = tpu.memref_slice %arg4[%add3A_472, %dma_start3A_480] : memref<16384x1024xf32, #tpu.memory_space<hbm>> -> memref<32x1024xf32, #tpu.memory_space<hbm>>
    %dma_start3A_482 = arith.constant 0 : i32
    %dma_start3A_483 = arith.constant 0 : i32
    %dma_start3A_484 = tpu.memref_slice %arg21[%dma_start3A_473, %dma_start3A_482, %dma_start3A_483] : memref<3x32x1024xf32, #tpu.memory_space<vmem>> -> memref<1x32x1024xf32, #tpu.memory_space<vmem>>
    %dma_start3A_485 = tpu.memref_squeeze %dma_start3A_484 : memref<1x32x1024xf32, #tpu.memory_space<vmem>> -> memref<32x1024xf32, #tpu.memory_space<vmem>>
    tpu.enqueue_dma source(%dma_start3A_485 : memref<32x1024xf32, #tpu.memory_space<vmem>>) target(%dma_start3A_481 : memref<32x1024xf32, #tpu.memory_space<hbm>>) target_semaphore(%arg24 : memref<!tpu.dma_semaphore, #tpu.memory_space<semaphore_mem>>)
    %dma_wait3A_486 = arith.constant 2 : i32
    %dma_wait3A_487 = arith.constant 0 : i32
    %dma_wait3A_488 = arith.constant 0 : i32
    %dma_wait3A_489 = tpu.memref_slice %arg21[%dma_wait3A_486, %dma_wait3A_487, %dma_wait3A_488] : memref<3x32x1024xf32, #tpu.memory_space<vmem>> -> memref<1x32x1024xf32, #tpu.memory_space<vmem>>
    %dma_wait3A_490 = tpu.memref_squeeze %dma_wait3A_489 : memref<1x32x1024xf32, #tpu.memory_space<vmem>> -> memref<32x1024xf32, #tpu.memory_space<vmem>>
    %dma_wait3A_491 = arith.constant 0 : i32
    %dma_wait3A_492 = tpu.memref_slice %arg4[%add3A_472, %dma_wait3A_491] : memref<16384x1024xf32, #tpu.memory_space<hbm>> -> memref<32x1024xf32, #tpu.memory_space<hbm>>
    %dma_wait3A_493 = arith.constant 0 : i32
    %dma_wait3A_494 = tpu.memref_slice %arg4[%add3A_472, %dma_wait3A_493] : memref<16384x1024xf32, #tpu.memory_space<hbm>> -> memref<32x1024xf32, #tpu.memory_space<hbm>>
    %dma_wait3A_495 = arith.constant 0 : i32
    %dma_wait3A_496 = arith.constant 0 : i32
    %dma_wait3A_497 = tpu.memref_slice %arg21[%dma_wait3A_486, %dma_wait3A_495, %dma_wait3A_496] : memref<3x32x1024xf32, #tpu.memory_space<vmem>> -> memref<1x32x1024xf32, #tpu.memory_space<vmem>>
    %dma_wait3A_498 = tpu.memref_squeeze %dma_wait3A_497 : memref<1x32x1024xf32, #tpu.memory_space<vmem>> -> memref<32x1024xf32, #tpu.memory_space<vmem>>
    tpu.wait_dma2 semaphore(%arg24 : memref<!tpu.dma_semaphore, #tpu.memory_space<semaphore_mem>>) src(%dma_wait3A_498 : memref<32x1024xf32, #tpu.memory_space<vmem>>) dst(%dma_wait3A_494 : memref<32x1024xf32, #tpu.memory_space<hbm>>)
    %dma_wait3A_499 = tpu.memref_slice %arg2[%add3A_47] : memref<16384xi32, #tpu.memory_space<hbm>> -> memref<32xi32, #tpu.memory_space<hbm>>
    %dma_wait3A_500 = tpu.memref_slice %arg2[%add3A_47] : memref<16384xi32, #tpu.memory_space<hbm>> -> memref<32xi32, #tpu.memory_space<hbm>>
    tpu.wait_dma2 semaphore(%arg22 : memref<!tpu.dma_semaphore, #tpu.memory_space<semaphore_mem>>) src(%dma_wait3A_500 : memref<32xi32, #tpu.memory_space<hbm>>) dst(%arg16 : memref<32xi32, #tpu.memory_space<vmem>>)
    %dma_start3A_501 = arith.constant 2 : i32
    %dma_start3A_502 = arith.constant 0 : i32
    %dma_start3A_503 = arith.constant 0 : i32
    %dma_start3A_504 = tpu.memref_slice %arg21[%dma_start3A_501, %dma_start3A_502, %dma_start3A_503] : memref<3x32x1024xf32, #tpu.memory_space<vmem>> -> memref<1x32x1024xf32, #tpu.memory_space<vmem>>
    %dma_start3A_505 = tpu.memref_squeeze %dma_start3A_504 : memref<1x32x1024xf32, #tpu.memory_space<vmem>> -> memref<32x1024xf32, #tpu.memory_space<vmem>>
    %dma_start3A_506 = arith.constant 0 : i32
    %dma_start3A_507 = arith.constant 0 : i32
    %dma_start3A_508 = tpu.memref_slice %arg3[%dma_start3A_506, %dma_start3A_507] : memref<100000x1024xf32, #tpu.memory_space<hbm>> -> memref<100000x1024xf32, #tpu.memory_space<hbm>>
    tpu.enqueue_indirect_dma source(%dma_start3A_508 : memref<100000x1024xf32, #tpu.memory_space<hbm>>) target(%dma_start3A_505 : memref<32x1024xf32, #tpu.memory_space<vmem>>) offsets(%arg16 : memref<32xi32, #tpu.memory_space<vmem>>) semaphore(%arg23 : memref<!tpu.dma_semaphore, #tpu.memory_space<semaphore_mem>>)
    %dma_wait3A_509 = arith.constant 0 : i32
    %dma_wait3A_510 = arith.constant 0 : i32
    %dma_wait3A_511 = arith.constant 0 : i32
    %dma_wait3A_512 = tpu.memref_slice %arg21[%dma_wait3A_509, %dma_wait3A_510, %dma_wait3A_511] : memref<3x32x1024xf32, #tpu.memory_space<vmem>> -> memref<1x32x1024xf32, #tpu.memory_space<vmem>>
    %dma_wait3A_513 = tpu.memref_squeeze %dma_wait3A_512 : memref<1x32x1024xf32, #tpu.memory_space<vmem>> -> memref<32x1024xf32, #tpu.memory_space<vmem>>
    %dma_wait3A_514 = arith.constant 0 : i32
    %dma_wait3A_515 = arith.constant 0 : i32
    %dma_wait3A_516 = tpu.memref_slice %arg3[%dma_wait3A_514, %dma_wait3A_515] : memref<100000x1024xf32, #tpu.memory_space<hbm>> -> memref<100000x1024xf32, #tpu.memory_space<hbm>>
    tpu.wait_indirect_dma semaphore(%arg23 : memref<!tpu.dma_semaphore, #tpu.memory_space<semaphore_mem>>) src(%dma_wait3A_516 : memref<100000x1024xf32, #tpu.memory_space<hbm>>) dst(%dma_wait3A_513 : memref<32x1024xf32, #tpu.memory_space<vmem>>)
    %add3A_517 = arith.constant 288 : i32
    %add3A_518 = arith.addi %mul3A_2, %add3A_517 : i32
    %dma_start3A_519 = arith.constant 0 : i32
    %dma_start3A_520 = arith.constant 0 : i32
    %dma_start3A_521 = arith.constant 0 : i32
    %dma_start3A_522 = tpu.memref_slice %arg21[%dma_start3A_519, %dma_start3A_520, %dma_start3A_521] : memref<3x32x1024xf32, #tpu.memory_space<vmem>> -> memref<1x32x1024xf32, #tpu.memory_space<vmem>>
    %dma_start3A_523 = tpu.memref_squeeze %dma_start3A_522 : memref<1x32x1024xf32, #tpu.memory_space<vmem>> -> memref<32x1024xf32, #tpu.memory_space<vmem>>
    %dma_start3A_524 = arith.constant 0 : i32
    %dma_start3A_525 = tpu.memref_slice %arg4[%add3A_518, %dma_start3A_524] : memref<16384x1024xf32, #tpu.memory_space<hbm>> -> memref<32x1024xf32, #tpu.memory_space<hbm>>
    %dma_start3A_526 = arith.constant 0 : i32
    %dma_start3A_527 = tpu.memref_slice %arg4[%add3A_518, %dma_start3A_526] : memref<16384x1024xf32, #tpu.memory_space<hbm>> -> memref<32x1024xf32, #tpu.memory_space<hbm>>
    %dma_start3A_528 = arith.constant 0 : i32
    %dma_start3A_529 = arith.constant 0 : i32
    %dma_start3A_530 = tpu.memref_slice %arg21[%dma_start3A_519, %dma_start3A_528, %dma_start3A_529] : memref<3x32x1024xf32, #tpu.memory_space<vmem>> -> memref<1x32x1024xf32, #tpu.memory_space<vmem>>
    %dma_start3A_531 = tpu.memref_squeeze %dma_start3A_530 : memref<1x32x1024xf32, #tpu.memory_space<vmem>> -> memref<32x1024xf32, #tpu.memory_space<vmem>>
    tpu.enqueue_dma source(%dma_start3A_531 : memref<32x1024xf32, #tpu.memory_space<vmem>>) target(%dma_start3A_527 : memref<32x1024xf32, #tpu.memory_space<hbm>>) target_semaphore(%arg24 : memref<!tpu.dma_semaphore, #tpu.memory_space<semaphore_mem>>)
    %dma_wait3A_532 = arith.constant 0 : i32
    %dma_wait3A_533 = arith.constant 0 : i32
    %dma_wait3A_534 = arith.constant 0 : i32
    %dma_wait3A_535 = tpu.memref_slice %arg21[%dma_wait3A_532, %dma_wait3A_533, %dma_wait3A_534] : memref<3x32x1024xf32, #tpu.memory_space<vmem>> -> memref<1x32x1024xf32, #tpu.memory_space<vmem>>
    %dma_wait3A_536 = tpu.memref_squeeze %dma_wait3A_535 : memref<1x32x1024xf32, #tpu.memory_space<vmem>> -> memref<32x1024xf32, #tpu.memory_space<vmem>>
    %dma_wait3A_537 = arith.constant 0 : i32
    %dma_wait3A_538 = tpu.memref_slice %arg4[%add3A_518, %dma_wait3A_537] : memref<16384x1024xf32, #tpu.memory_space<hbm>> -> memref<32x1024xf32, #tpu.memory_space<hbm>>
    %dma_wait3A_539 = arith.constant 0 : i32
    %dma_wait3A_540 = tpu.memref_slice %arg4[%add3A_518, %dma_wait3A_539] : memref<16384x1024xf32, #tpu.memory_space<hbm>> -> memref<32x1024xf32, #tpu.memory_space<hbm>>
    %dma_wait3A_541 = arith.constant 0 : i32
    %dma_wait3A_542 = arith.constant 0 : i32
    %dma_wait3A_543 = tpu.memref_slice %arg21[%dma_wait3A_532, %dma_wait3A_541, %dma_wait3A_542] : memref<3x32x1024xf32, #tpu.memory_space<vmem>> -> memref<1x32x1024xf32, #tpu.memory_space<vmem>>
    %dma_wait3A_544 = tpu.memref_squeeze %dma_wait3A_543 : memref<1x32x1024xf32, #tpu.memory_space<vmem>> -> memref<32x1024xf32, #tpu.memory_space<vmem>>
    tpu.wait_dma2 semaphore(%arg24 : memref<!tpu.dma_semaphore, #tpu.memory_space<semaphore_mem>>) src(%dma_wait3A_544 : memref<32x1024xf32, #tpu.memory_space<vmem>>) dst(%dma_wait3A_540 : memref<32x1024xf32, #tpu.memory_space<hbm>>)
    %dma_wait3A_545 = tpu.memref_slice %arg2[%add3A_51] : memref<16384xi32, #tpu.memory_space<hbm>> -> memref<32xi32, #tpu.memory_space<hbm>>
    %dma_wait3A_546 = tpu.memref_slice %arg2[%add3A_51] : memref<16384xi32, #tpu.memory_space<hbm>> -> memref<32xi32, #tpu.memory_space<hbm>>
    tpu.wait_dma2 semaphore(%arg22 : memref<!tpu.dma_semaphore, #tpu.memory_space<semaphore_mem>>) src(%dma_wait3A_546 : memref<32xi32, #tpu.memory_space<hbm>>) dst(%arg17 : memref<32xi32, #tpu.memory_space<vmem>>)
    %dma_start3A_547 = arith.constant 0 : i32
    %dma_start3A_548 = arith.constant 0 : i32
    %dma_start3A_549 = arith.constant 0 : i32
    %dma_start3A_550 = tpu.memref_slice %arg21[%dma_start3A_547, %dma_start3A_548, %dma_start3A_549] : memref<3x32x1024xf32, #tpu.memory_space<vmem>> -> memref<1x32x1024xf32, #tpu.memory_space<vmem>>
    %dma_start3A_551 = tpu.memref_squeeze %dma_start3A_550 : memref<1x32x1024xf32, #tpu.memory_space<vmem>> -> memref<32x1024xf32, #tpu.memory_space<vmem>>
    %dma_start3A_552 = arith.constant 0 : i32
    %dma_start3A_553 = arith.constant 0 : i32
    %dma_start3A_554 = tpu.memref_slice %arg3[%dma_start3A_552, %dma_start3A_553] : memref<100000x1024xf32, #tpu.memory_space<hbm>> -> memref<100000x1024xf32, #tpu.memory_space<hbm>>
    tpu.enqueue_indirect_dma source(%dma_start3A_554 : memref<100000x1024xf32, #tpu.memory_space<hbm>>) target(%dma_start3A_551 : memref<32x1024xf32, #tpu.memory_space<vmem>>) offsets(%arg17 : memref<32xi32, #tpu.memory_space<vmem>>) semaphore(%arg23 : memref<!tpu.dma_semaphore, #tpu.memory_space<semaphore_mem>>)
    %dma_wait3A_555 = arith.constant 1 : i32
    %dma_wait3A_556 = arith.constant 0 : i32
    %dma_wait3A_557 = arith.constant 0 : i32
    %dma_wait3A_558 = tpu.memref_slice %arg21[%dma_wait3A_555, %dma_wait3A_556, %dma_wait3A_557] : memref<3x32x1024xf32, #tpu.memory_space<vmem>> -> memref<1x32x1024xf32, #tpu.memory_space<vmem>>
    %dma_wait3A_559 = tpu.memref_squeeze %dma_wait3A_558 : memref<1x32x1024xf32, #tpu.memory_space<vmem>> -> memref<32x1024xf32, #tpu.memory_space<vmem>>
    %dma_wait3A_560 = arith.constant 0 : i32
    %dma_wait3A_561 = arith.constant 0 : i32
    %dma_wait3A_562 = tpu.memref_slice %arg3[%dma_wait3A_560, %dma_wait3A_561] : memref<100000x1024xf32, #tpu.memory_space<hbm>> -> memref<100000x1024xf32, #tpu.memory_space<hbm>>
    tpu.wait_indirect_dma semaphore(%arg23 : memref<!tpu.dma_semaphore, #tpu.memory_space<semaphore_mem>>) src(%dma_wait3A_562 : memref<100000x1024xf32, #tpu.memory_space<hbm>>) dst(%dma_wait3A_559 : memref<32x1024xf32, #tpu.memory_space<vmem>>)
    %add3A_563 = arith.constant 320 : i32
    %add3A_564 = arith.addi %mul3A_2, %add3A_563 : i32
    %dma_start3A_565 = arith.constant 1 : i32
    %dma_start3A_566 = arith.constant 0 : i32
    %dma_start3A_567 = arith.constant 0 : i32
    %dma_start3A_568 = tpu.memref_slice %arg21[%dma_start3A_565, %dma_start3A_566, %dma_start3A_567] : memref<3x32x1024xf32, #tpu.memory_space<vmem>> -> memref<1x32x1024xf32, #tpu.memory_space<vmem>>
    %dma_start3A_569 = tpu.memref_squeeze %dma_start3A_568 : memref<1x32x1024xf32, #tpu.memory_space<vmem>> -> memref<32x1024xf32, #tpu.memory_space<vmem>>
    %dma_start3A_570 = arith.constant 0 : i32
    %dma_start3A_571 = tpu.memref_slice %arg4[%add3A_564, %dma_start3A_570] : memref<16384x1024xf32, #tpu.memory_space<hbm>> -> memref<32x1024xf32, #tpu.memory_space<hbm>>
    %dma_start3A_572 = arith.constant 0 : i32
    %dma_start3A_573 = tpu.memref_slice %arg4[%add3A_564, %dma_start3A_572] : memref<16384x1024xf32, #tpu.memory_space<hbm>> -> memref<32x1024xf32, #tpu.memory_space<hbm>>
    %dma_start3A_574 = arith.constant 0 : i32
    %dma_start3A_575 = arith.constant 0 : i32
    %dma_start3A_576 = tpu.memref_slice %arg21[%dma_start3A_565, %dma_start3A_574, %dma_start3A_575] : memref<3x32x1024xf32, #tpu.memory_space<vmem>> -> memref<1x32x1024xf32, #tpu.memory_space<vmem>>
    %dma_start3A_577 = tpu.memref_squeeze %dma_start3A_576 : memref<1x32x1024xf32, #tpu.memory_space<vmem>> -> memref<32x1024xf32, #tpu.memory_space<vmem>>
    tpu.enqueue_dma source(%dma_start3A_577 : memref<32x1024xf32, #tpu.memory_space<vmem>>) target(%dma_start3A_573 : memref<32x1024xf32, #tpu.memory_space<hbm>>) target_semaphore(%arg24 : memref<!tpu.dma_semaphore, #tpu.memory_space<semaphore_mem>>)
    %dma_wait3A_578 = arith.constant 1 : i32
    %dma_wait3A_579 = arith.constant 0 : i32
    %dma_wait3A_580 = arith.constant 0 : i32
    %dma_wait3A_581 = tpu.memref_slice %arg21[%dma_wait3A_578, %dma_wait3A_579, %dma_wait3A_580] : memref<3x32x1024xf32, #tpu.memory_space<vmem>> -> memref<1x32x1024xf32, #tpu.memory_space<vmem>>
    %dma_wait3A_582 = tpu.memref_squeeze %dma_wait3A_581 : memref<1x32x1024xf32, #tpu.memory_space<vmem>> -> memref<32x1024xf32, #tpu.memory_space<vmem>>
    %dma_wait3A_583 = arith.constant 0 : i32
    %dma_wait3A_584 = tpu.memref_slice %arg4[%add3A_564, %dma_wait3A_583] : memref<16384x1024xf32, #tpu.memory_space<hbm>> -> memref<32x1024xf32, #tpu.memory_space<hbm>>
    %dma_wait3A_585 = arith.constant 0 : i32
    %dma_wait3A_586 = tpu.memref_slice %arg4[%add3A_564, %dma_wait3A_585] : memref<16384x1024xf32, #tpu.memory_space<hbm>> -> memref<32x1024xf32, #tpu.memory_space<hbm>>
    %dma_wait3A_587 = arith.constant 0 : i32
    %dma_wait3A_588 = arith.constant 0 : i32
    %dma_wait3A_589 = tpu.memref_slice %arg21[%dma_wait3A_578, %dma_wait3A_587, %dma_wait3A_588] : memref<3x32x1024xf32, #tpu.memory_space<vmem>> -> memref<1x32x1024xf32, #tpu.memory_space<vmem>>
    %dma_wait3A_590 = tpu.memref_squeeze %dma_wait3A_589 : memref<1x32x1024xf32, #tpu.memory_space<vmem>> -> memref<32x1024xf32, #tpu.memory_space<vmem>>
    tpu.wait_dma2 semaphore(%arg24 : memref<!tpu.dma_semaphore, #tpu.memory_space<semaphore_mem>>) src(%dma_wait3A_590 : memref<32x1024xf32, #tpu.memory_space<vmem>>) dst(%dma_wait3A_586 : memref<32x1024xf32, #tpu.memory_space<hbm>>)
    %dma_wait3A_591 = tpu.memref_slice %arg2[%add3A_55] : memref<16384xi32, #tpu.memory_space<hbm>> -> memref<32xi32, #tpu.memory_space<hbm>>
    %dma_wait3A_592 = tpu.memref_slice %arg2[%add3A_55] : memref<16384xi32, #tpu.memory_space<hbm>> -> memref<32xi32, #tpu.memory_space<hbm>>
    tpu.wait_dma2 semaphore(%arg22 : memref<!tpu.dma_semaphore, #tpu.memory_space<semaphore_mem>>) src(%dma_wait3A_592 : memref<32xi32, #tpu.memory_space<hbm>>) dst(%arg18 : memref<32xi32, #tpu.memory_space<vmem>>)
    %dma_start3A_593 = arith.constant 1 : i32
    %dma_start3A_594 = arith.constant 0 : i32
    %dma_start3A_595 = arith.constant 0 : i32
    %dma_start3A_596 = tpu.memref_slice %arg21[%dma_start3A_593, %dma_start3A_594, %dma_start3A_595] : memref<3x32x1024xf32, #tpu.memory_space<vmem>> -> memref<1x32x1024xf32, #tpu.memory_space<vmem>>
    %dma_start3A_597 = tpu.memref_squeeze %dma_start3A_596 : memref<1x32x1024xf32, #tpu.memory_space<vmem>> -> memref<32x1024xf32, #tpu.memory_space<vmem>>
    %dma_start3A_598 = arith.constant 0 : i32
    %dma_start3A_599 = arith.constant 0 : i32
    %dma_start3A_600 = tpu.memref_slice %arg3[%dma_start3A_598, %dma_start3A_599] : memref<100000x1024xf32, #tpu.memory_space<hbm>> -> memref<100000x1024xf32, #tpu.memory_space<hbm>>
    tpu.enqueue_indirect_dma source(%dma_start3A_600 : memref<100000x1024xf32, #tpu.memory_space<hbm>>) target(%dma_start3A_597 : memref<32x1024xf32, #tpu.memory_space<vmem>>) offsets(%arg18 : memref<32xi32, #tpu.memory_space<vmem>>) semaphore(%arg23 : memref<!tpu.dma_semaphore, #tpu.memory_space<semaphore_mem>>)
    %dma_wait3A_601 = arith.constant 2 : i32
    %dma_wait3A_602 = arith.constant 0 : i32
    %dma_wait3A_603 = arith.constant 0 : i32
    %dma_wait3A_604 = tpu.memref_slice %arg21[%dma_wait3A_601, %dma_wait3A_602, %dma_wait3A_603] : memref<3x32x1024xf32, #tpu.memory_space<vmem>> -> memref<1x32x1024xf32, #tpu.memory_space<vmem>>
    %dma_wait3A_605 = tpu.memref_squeeze %dma_wait3A_604 : memref<1x32x1024xf32, #tpu.memory_space<vmem>> -> memref<32x1024xf32, #tpu.memory_space<vmem>>
    %dma_wait3A_606 = arith.constant 0 : i32
    %dma_wait3A_607 = arith.constant 0 : i32
    %dma_wait3A_608 = tpu.memref_slice %arg3[%dma_wait3A_606, %dma_wait3A_607] : memref<100000x1024xf32, #tpu.memory_space<hbm>> -> memref<100000x1024xf32, #tpu.memory_space<hbm>>
    tpu.wait_indirect_dma semaphore(%arg23 : memref<!tpu.dma_semaphore, #tpu.memory_space<semaphore_mem>>) src(%dma_wait3A_608 : memref<100000x1024xf32, #tpu.memory_space<hbm>>) dst(%dma_wait3A_605 : memref<32x1024xf32, #tpu.memory_space<vmem>>)
    %add3A_609 = arith.constant 352 : i32
    %add3A_610 = arith.addi %mul3A_2, %add3A_609 : i32
    %dma_start3A_611 = arith.constant 2 : i32
    %dma_start3A_612 = arith.constant 0 : i32
    %dma_start3A_613 = arith.constant 0 : i32
    %dma_start3A_614 = tpu.memref_slice %arg21[%dma_start3A_611, %dma_start3A_612, %dma_start3A_613] : memref<3x32x1024xf32, #tpu.memory_space<vmem>> -> memref<1x32x1024xf32, #tpu.memory_space<vmem>>
    %dma_start3A_615 = tpu.memref_squeeze %dma_start3A_614 : memref<1x32x1024xf32, #tpu.memory_space<vmem>> -> memref<32x1024xf32, #tpu.memory_space<vmem>>
    %dma_start3A_616 = arith.constant 0 : i32
    %dma_start3A_617 = tpu.memref_slice %arg4[%add3A_610, %dma_start3A_616] : memref<16384x1024xf32, #tpu.memory_space<hbm>> -> memref<32x1024xf32, #tpu.memory_space<hbm>>
    %dma_start3A_618 = arith.constant 0 : i32
    %dma_start3A_619 = tpu.memref_slice %arg4[%add3A_610, %dma_start3A_618] : memref<16384x1024xf32, #tpu.memory_space<hbm>> -> memref<32x1024xf32, #tpu.memory_space<hbm>>
    %dma_start3A_620 = arith.constant 0 : i32
    %dma_start3A_621 = arith.constant 0 : i32
    %dma_start3A_622 = tpu.memref_slice %arg21[%dma_start3A_611, %dma_start3A_620, %dma_start3A_621] : memref<3x32x1024xf32, #tpu.memory_space<vmem>> -> memref<1x32x1024xf32, #tpu.memory_space<vmem>>
    %dma_start3A_623 = tpu.memref_squeeze %dma_start3A_622 : memref<1x32x1024xf32, #tpu.memory_space<vmem>> -> memref<32x1024xf32, #tpu.memory_space<vmem>>
    tpu.enqueue_dma source(%dma_start3A_623 : memref<32x1024xf32, #tpu.memory_space<vmem>>) target(%dma_start3A_619 : memref<32x1024xf32, #tpu.memory_space<hbm>>) target_semaphore(%arg24 : memref<!tpu.dma_semaphore, #tpu.memory_space<semaphore_mem>>)
    %dma_wait3A_624 = arith.constant 2 : i32
    %dma_wait3A_625 = arith.constant 0 : i32
    %dma_wait3A_626 = arith.constant 0 : i32
    %dma_wait3A_627 = tpu.memref_slice %arg21[%dma_wait3A_624, %dma_wait3A_625, %dma_wait3A_626] : memref<3x32x1024xf32, #tpu.memory_space<vmem>> -> memref<1x32x1024xf32, #tpu.memory_space<vmem>>
    %dma_wait3A_628 = tpu.memref_squeeze %dma_wait3A_627 : memref<1x32x1024xf32, #tpu.memory_space<vmem>> -> memref<32x1024xf32, #tpu.memory_space<vmem>>
    %dma_wait3A_629 = arith.constant 0 : i32
    %dma_wait3A_630 = tpu.memref_slice %arg4[%add3A_610, %dma_wait3A_629] : memref<16384x1024xf32, #tpu.memory_space<hbm>> -> memref<32x1024xf32, #tpu.memory_space<hbm>>
    %dma_wait3A_631 = arith.constant 0 : i32
    %dma_wait3A_632 = tpu.memref_slice %arg4[%add3A_610, %dma_wait3A_631] : memref<16384x1024xf32, #tpu.memory_space<hbm>> -> memref<32x1024xf32, #tpu.memory_space<hbm>>
    %dma_wait3A_633 = arith.constant 0 : i32
    %dma_wait3A_634 = arith.constant 0 : i32
    %dma_wait3A_635 = tpu.memref_slice %arg21[%dma_wait3A_624, %dma_wait3A_633, %dma_wait3A_634] : memref<3x32x1024xf32, #tpu.memory_space<vmem>> -> memref<1x32x1024xf32, #tpu.memory_space<vmem>>
    %dma_wait3A_636 = tpu.memref_squeeze %dma_wait3A_635 : memref<1x32x1024xf32, #tpu.memory_space<vmem>> -> memref<32x1024xf32, #tpu.memory_space<vmem>>
    tpu.wait_dma2 semaphore(%arg24 : memref<!tpu.dma_semaphore, #tpu.memory_space<semaphore_mem>>) src(%dma_wait3A_636 : memref<32x1024xf32, #tpu.memory_space<vmem>>) dst(%dma_wait3A_632 : memref<32x1024xf32, #tpu.memory_space<hbm>>)
    %dma_wait3A_637 = tpu.memref_slice %arg2[%add3A_59] : memref<16384xi32, #tpu.memory_space<hbm>> -> memref<32xi32, #tpu.memory_space<hbm>>
    %dma_wait3A_638 = tpu.memref_slice %arg2[%add3A_59] : memref<16384xi32, #tpu.memory_space<hbm>> -> memref<32xi32, #tpu.memory_space<hbm>>
    tpu.wait_dma2 semaphore(%arg22 : memref<!tpu.dma_semaphore, #tpu.memory_space<semaphore_mem>>) src(%dma_wait3A_638 : memref<32xi32, #tpu.memory_space<hbm>>) dst(%arg19 : memref<32xi32, #tpu.memory_space<vmem>>)
    %dma_start3A_639 = arith.constant 2 : i32
    %dma_start3A_640 = arith.constant 0 : i32
    %dma_start3A_641 = arith.constant 0 : i32
    %dma_start3A_642 = tpu.memref_slice %arg21[%dma_start3A_639, %dma_start3A_640, %dma_start3A_641] : memref<3x32x1024xf32, #tpu.memory_space<vmem>> -> memref<1x32x1024xf32, #tpu.memory_space<vmem>>
    %dma_start3A_643 = tpu.memref_squeeze %dma_start3A_642 : memref<1x32x1024xf32, #tpu.memory_space<vmem>> -> memref<32x1024xf32, #tpu.memory_space<vmem>>
    %dma_start3A_644 = arith.constant 0 : i32
    %dma_start3A_645 = arith.constant 0 : i32
    %dma_start3A_646 = tpu.memref_slice %arg3[%dma_start3A_644, %dma_start3A_645] : memref<100000x1024xf32, #tpu.memory_space<hbm>> -> memref<100000x1024xf32, #tpu.memory_space<hbm>>
    tpu.enqueue_indirect_dma source(%dma_start3A_646 : memref<100000x1024xf32, #tpu.memory_space<hbm>>) target(%dma_start3A_643 : memref<32x1024xf32, #tpu.memory_space<vmem>>) offsets(%arg19 : memref<32xi32, #tpu.memory_space<vmem>>) semaphore(%arg23 : memref<!tpu.dma_semaphore, #tpu.memory_space<semaphore_mem>>)
    %dma_wait3A_647 = arith.constant 0 : i32
    %dma_wait3A_648 = arith.constant 0 : i32
    %dma_wait3A_649 = arith.constant 0 : i32
    %dma_wait3A_650 = tpu.memref_slice %arg21[%dma_wait3A_647, %dma_wait3A_648, %dma_wait3A_649] : memref<3x32x1024xf32, #tpu.memory_space<vmem>> -> memref<1x32x1024xf32, #tpu.memory_space<vmem>>
    %dma_wait3A_651 = tpu.memref_squeeze %dma_wait3A_650 : memref<1x32x1024xf32, #tpu.memory_space<vmem>> -> memref<32x1024xf32, #tpu.memory_space<vmem>>
    %dma_wait3A_652 = arith.constant 0 : i32
    %dma_wait3A_653 = arith.constant 0 : i32
    %dma_wait3A_654 = tpu.memref_slice %arg3[%dma_wait3A_652, %dma_wait3A_653] : memref<100000x1024xf32, #tpu.memory_space<hbm>> -> memref<100000x1024xf32, #tpu.memory_space<hbm>>
    tpu.wait_indirect_dma semaphore(%arg23 : memref<!tpu.dma_semaphore, #tpu.memory_space<semaphore_mem>>) src(%dma_wait3A_654 : memref<100000x1024xf32, #tpu.memory_space<hbm>>) dst(%dma_wait3A_651 : memref<32x1024xf32, #tpu.memory_space<vmem>>)
    %add3A_655 = arith.constant 384 : i32
    %add3A_656 = arith.addi %mul3A_2, %add3A_655 : i32
    %dma_start3A_657 = arith.constant 0 : i32
    %dma_start3A_658 = arith.constant 0 : i32
    %dma_start3A_659 = arith.constant 0 : i32
    %dma_start3A_660 = tpu.memref_slice %arg21[%dma_start3A_657, %dma_start3A_658, %dma_start3A_659] : memref<3x32x1024xf32, #tpu.memory_space<vmem>> -> memref<1x32x1024xf32, #tpu.memory_space<vmem>>
    %dma_start3A_661 = tpu.memref_squeeze %dma_start3A_660 : memref<1x32x1024xf32, #tpu.memory_space<vmem>> -> memref<32x1024xf32, #tpu.memory_space<vmem>>
    %dma_start3A_662 = arith.constant 0 : i32
    %dma_start3A_663 = tpu.memref_slice %arg4[%add3A_656, %dma_start3A_662] : memref<16384x1024xf32, #tpu.memory_space<hbm>> -> memref<32x1024xf32, #tpu.memory_space<hbm>>
    %dma_start3A_664 = arith.constant 0 : i32
    %dma_start3A_665 = tpu.memref_slice %arg4[%add3A_656, %dma_start3A_664] : memref<16384x1024xf32, #tpu.memory_space<hbm>> -> memref<32x1024xf32, #tpu.memory_space<hbm>>
    %dma_start3A_666 = arith.constant 0 : i32
    %dma_start3A_667 = arith.constant 0 : i32
    %dma_start3A_668 = tpu.memref_slice %arg21[%dma_start3A_657, %dma_start3A_666, %dma_start3A_667] : memref<3x32x1024xf32, #tpu.memory_space<vmem>> -> memref<1x32x1024xf32, #tpu.memory_space<vmem>>
    %dma_start3A_669 = tpu.memref_squeeze %dma_start3A_668 : memref<1x32x1024xf32, #tpu.memory_space<vmem>> -> memref<32x1024xf32, #tpu.memory_space<vmem>>
    tpu.enqueue_dma source(%dma_start3A_669 : memref<32x1024xf32, #tpu.memory_space<vmem>>) target(%dma_start3A_665 : memref<32x1024xf32, #tpu.memory_space<hbm>>) target_semaphore(%arg24 : memref<!tpu.dma_semaphore, #tpu.memory_space<semaphore_mem>>)
    %dma_wait3A_670 = arith.constant 0 : i32
    %dma_wait3A_671 = arith.constant 0 : i32
    %dma_wait3A_672 = arith.constant 0 : i32
    %dma_wait3A_673 = tpu.memref_slice %arg21[%dma_wait3A_670, %dma_wait3A_671, %dma_wait3A_672] : memref<3x32x1024xf32, #tpu.memory_space<vmem>> -> memref<1x32x1024xf32, #tpu.memory_space<vmem>>
    %dma_wait3A_674 = tpu.memref_squeeze %dma_wait3A_673 : memref<1x32x1024xf32, #tpu.memory_space<vmem>> -> memref<32x1024xf32, #tpu.memory_space<vmem>>
    %dma_wait3A_675 = arith.constant 0 : i32
    %dma_wait3A_676 = tpu.memref_slice %arg4[%add3A_656, %dma_wait3A_675] : memref<16384x1024xf32, #tpu.memory_space<hbm>> -> memref<32x1024xf32, #tpu.memory_space<hbm>>
    %dma_wait3A_677 = arith.constant 0 : i32
    %dma_wait3A_678 = tpu.memref_slice %arg4[%add3A_656, %dma_wait3A_677] : memref<16384x1024xf32, #tpu.memory_space<hbm>> -> memref<32x1024xf32, #tpu.memory_space<hbm>>
    %dma_wait3A_679 = arith.constant 0 : i32
    %dma_wait3A_680 = arith.constant 0 : i32
    %dma_wait3A_681 = tpu.memref_slice %arg21[%dma_wait3A_670, %dma_wait3A_679, %dma_wait3A_680] : memref<3x32x1024xf32, #tpu.memory_space<vmem>> -> memref<1x32x1024xf32, #tpu.memory_space<vmem>>
    %dma_wait3A_682 = tpu.memref_squeeze %dma_wait3A_681 : memref<1x32x1024xf32, #tpu.memory_space<vmem>> -> memref<32x1024xf32, #tpu.memory_space<vmem>>
    tpu.wait_dma2 semaphore(%arg24 : memref<!tpu.dma_semaphore, #tpu.memory_space<semaphore_mem>>) src(%dma_wait3A_682 : memref<32x1024xf32, #tpu.memory_space<vmem>>) dst(%dma_wait3A_678 : memref<32x1024xf32, #tpu.memory_space<hbm>>)
    %dma_wait3A_683 = tpu.memref_slice %arg2[%add3A_63] : memref<16384xi32, #tpu.memory_space<hbm>> -> memref<32xi32, #tpu.memory_space<hbm>>
    %dma_wait3A_684 = tpu.memref_slice %arg2[%add3A_63] : memref<16384xi32, #tpu.memory_space<hbm>> -> memref<32xi32, #tpu.memory_space<hbm>>
    tpu.wait_dma2 semaphore(%arg22 : memref<!tpu.dma_semaphore, #tpu.memory_space<semaphore_mem>>) src(%dma_wait3A_684 : memref<32xi32, #tpu.memory_space<hbm>>) dst(%arg20 : memref<32xi32, #tpu.memory_space<vmem>>)
    %dma_start3A_685 = arith.constant 0 : i32
    %dma_start3A_686 = arith.constant 0 : i32
    %dma_start3A_687 = arith.constant 0 : i32
    %dma_start3A_688 = tpu.memref_slice %arg21[%dma_start3A_685, %dma_start3A_686, %dma_start3A_687] : memref<3x32x1024xf32, #tpu.memory_space<vmem>> -> memref<1x32x1024xf32, #tpu.memory_space<vmem>>
    %dma_start3A_689 = tpu.memref_squeeze %dma_start3A_688 : memref<1x32x1024xf32, #tpu.memory_space<vmem>> -> memref<32x1024xf32, #tpu.memory_space<vmem>>
    %dma_start3A_690 = arith.constant 0 : i32
    %dma_start3A_691 = arith.constant 0 : i32
    %dma_start3A_692 = tpu.memref_slice %arg3[%dma_start3A_690, %dma_start3A_691] : memref<100000x1024xf32, #tpu.memory_space<hbm>> -> memref<100000x1024xf32, #tpu.memory_space<hbm>>
    tpu.enqueue_indirect_dma source(%dma_start3A_692 : memref<100000x1024xf32, #tpu.memory_space<hbm>>) target(%dma_start3A_689 : memref<32x1024xf32, #tpu.memory_space<vmem>>) offsets(%arg20 : memref<32xi32, #tpu.memory_space<vmem>>) semaphore(%arg23 : memref<!tpu.dma_semaphore, #tpu.memory_space<semaphore_mem>>)
    %dma_wait3A_693 = arith.constant 1 : i32
    %dma_wait3A_694 = arith.constant 0 : i32
    %dma_wait3A_695 = arith.constant 0 : i32
    %dma_wait3A_696 = tpu.memref_slice %arg21[%dma_wait3A_693, %dma_wait3A_694, %dma_wait3A_695] : memref<3x32x1024xf32, #tpu.memory_space<vmem>> -> memref<1x32x1024xf32, #tpu.memory_space<vmem>>
    %dma_wait3A_697 = tpu.memref_squeeze %dma_wait3A_696 : memref<1x32x1024xf32, #tpu.memory_space<vmem>> -> memref<32x1024xf32, #tpu.memory_space<vmem>>
    %dma_wait3A_698 = arith.constant 0 : i32
    %dma_wait3A_699 = arith.constant 0 : i32
    %dma_wait3A_700 = tpu.memref_slice %arg3[%dma_wait3A_698, %dma_wait3A_699] : memref<100000x1024xf32, #tpu.memory_space<hbm>> -> memref<100000x1024xf32, #tpu.memory_space<hbm>>
    tpu.wait_indirect_dma semaphore(%arg23 : memref<!tpu.dma_semaphore, #tpu.memory_space<semaphore_mem>>) src(%dma_wait3A_700 : memref<100000x1024xf32, #tpu.memory_space<hbm>>) dst(%dma_wait3A_697 : memref<32x1024xf32, #tpu.memory_space<vmem>>)
    %add3A_701 = arith.constant 416 : i32
    %add3A_702 = arith.addi %mul3A_2, %add3A_701 : i32
    %dma_start3A_703 = arith.constant 1 : i32
    %dma_start3A_704 = arith.constant 0 : i32
    %dma_start3A_705 = arith.constant 0 : i32
    %dma_start3A_706 = tpu.memref_slice %arg21[%dma_start3A_703, %dma_start3A_704, %dma_start3A_705] : memref<3x32x1024xf32, #tpu.memory_space<vmem>> -> memref<1x32x1024xf32, #tpu.memory_space<vmem>>
    %dma_start3A_707 = tpu.memref_squeeze %dma_start3A_706 : memref<1x32x1024xf32, #tpu.memory_space<vmem>> -> memref<32x1024xf32, #tpu.memory_space<vmem>>
    %dma_start3A_708 = arith.constant 0 : i32
    %dma_start3A_709 = tpu.memref_slice %arg4[%add3A_702, %dma_start3A_708] : memref<16384x1024xf32, #tpu.memory_space<hbm>> -> memref<32x1024xf32, #tpu.memory_space<hbm>>
    %dma_start3A_710 = arith.constant 0 : i32
    %dma_start3A_711 = tpu.memref_slice %arg4[%add3A_702, %dma_start3A_710] : memref<16384x1024xf32, #tpu.memory_space<hbm>> -> memref<32x1024xf32, #tpu.memory_space<hbm>>
    %dma_start3A_712 = arith.constant 0 : i32
    %dma_start3A_713 = arith.constant 0 : i32
    %dma_start3A_714 = tpu.memref_slice %arg21[%dma_start3A_703, %dma_start3A_712, %dma_start3A_713] : memref<3x32x1024xf32, #tpu.memory_space<vmem>> -> memref<1x32x1024xf32, #tpu.memory_space<vmem>>
    %dma_start3A_715 = tpu.memref_squeeze %dma_start3A_714 : memref<1x32x1024xf32, #tpu.memory_space<vmem>> -> memref<32x1024xf32, #tpu.memory_space<vmem>>
    tpu.enqueue_dma source(%dma_start3A_715 : memref<32x1024xf32, #tpu.memory_space<vmem>>) target(%dma_start3A_711 : memref<32x1024xf32, #tpu.memory_space<hbm>>) target_semaphore(%arg24 : memref<!tpu.dma_semaphore, #tpu.memory_space<semaphore_mem>>)
    %dma_wait3A_716 = arith.constant 2 : i32
    %dma_wait3A_717 = arith.constant 0 : i32
    %dma_wait3A_718 = arith.constant 0 : i32
    %dma_wait3A_719 = tpu.memref_slice %arg21[%dma_wait3A_716, %dma_wait3A_717, %dma_wait3A_718] : memref<3x32x1024xf32, #tpu.memory_space<vmem>> -> memref<1x32x1024xf32, #tpu.memory_space<vmem>>
    %dma_wait3A_720 = tpu.memref_squeeze %dma_wait3A_719 : memref<1x32x1024xf32, #tpu.memory_space<vmem>> -> memref<32x1024xf32, #tpu.memory_space<vmem>>
    %dma_wait3A_721 = arith.constant 0 : i32
    %dma_wait3A_722 = arith.constant 0 : i32
    %dma_wait3A_723 = tpu.memref_slice %arg3[%dma_wait3A_721, %dma_wait3A_722] : memref<100000x1024xf32, #tpu.memory_space<hbm>> -> memref<100000x1024xf32, #tpu.memory_space<hbm>>
    tpu.wait_indirect_dma semaphore(%arg23 : memref<!tpu.dma_semaphore, #tpu.memory_space<semaphore_mem>>) src(%dma_wait3A_723 : memref<100000x1024xf32, #tpu.memory_space<hbm>>) dst(%dma_wait3A_720 : memref<32x1024xf32, #tpu.memory_space<vmem>>)
    %add3A_724 = arith.constant 448 : i32
    %add3A_725 = arith.addi %mul3A_2, %add3A_724 : i32
    %dma_start3A_726 = arith.constant 2 : i32
    %dma_start3A_727 = arith.constant 0 : i32
    %dma_start3A_728 = arith.constant 0 : i32
    %dma_start3A_729 = tpu.memref_slice %arg21[%dma_start3A_726, %dma_start3A_727, %dma_start3A_728] : memref<3x32x1024xf32, #tpu.memory_space<vmem>> -> memref<1x32x1024xf32, #tpu.memory_space<vmem>>
    %dma_start3A_730 = tpu.memref_squeeze %dma_start3A_729 : memref<1x32x1024xf32, #tpu.memory_space<vmem>> -> memref<32x1024xf32, #tpu.memory_space<vmem>>
    %dma_start3A_731 = arith.constant 0 : i32
    %dma_start3A_732 = tpu.memref_slice %arg4[%add3A_725, %dma_start3A_731] : memref<16384x1024xf32, #tpu.memory_space<hbm>> -> memref<32x1024xf32, #tpu.memory_space<hbm>>
    %dma_start3A_733 = arith.constant 0 : i32
    %dma_start3A_734 = tpu.memref_slice %arg4[%add3A_725, %dma_start3A_733] : memref<16384x1024xf32, #tpu.memory_space<hbm>> -> memref<32x1024xf32, #tpu.memory_space<hbm>>
    %dma_start3A_735 = arith.constant 0 : i32
    %dma_start3A_736 = arith.constant 0 : i32
    %dma_start3A_737 = tpu.memref_slice %arg21[%dma_start3A_726, %dma_start3A_735, %dma_start3A_736] : memref<3x32x1024xf32, #tpu.memory_space<vmem>> -> memref<1x32x1024xf32, #tpu.memory_space<vmem>>
    %dma_start3A_738 = tpu.memref_squeeze %dma_start3A_737 : memref<1x32x1024xf32, #tpu.memory_space<vmem>> -> memref<32x1024xf32, #tpu.memory_space<vmem>>
    tpu.enqueue_dma source(%dma_start3A_738 : memref<32x1024xf32, #tpu.memory_space<vmem>>) target(%dma_start3A_734 : memref<32x1024xf32, #tpu.memory_space<hbm>>) target_semaphore(%arg24 : memref<!tpu.dma_semaphore, #tpu.memory_space<semaphore_mem>>)
    %dma_wait3A_739 = arith.constant 0 : i32
    %dma_wait3A_740 = arith.constant 0 : i32
    %dma_wait3A_741 = arith.constant 0 : i32
    %dma_wait3A_742 = tpu.memref_slice %arg21[%dma_wait3A_739, %dma_wait3A_740, %dma_wait3A_741] : memref<3x32x1024xf32, #tpu.memory_space<vmem>> -> memref<1x32x1024xf32, #tpu.memory_space<vmem>>
    %dma_wait3A_743 = tpu.memref_squeeze %dma_wait3A_742 : memref<1x32x1024xf32, #tpu.memory_space<vmem>> -> memref<32x1024xf32, #tpu.memory_space<vmem>>
    %dma_wait3A_744 = arith.constant 0 : i32
    %dma_wait3A_745 = arith.constant 0 : i32
    %dma_wait3A_746 = tpu.memref_slice %arg3[%dma_wait3A_744, %dma_wait3A_745] : memref<100000x1024xf32, #tpu.memory_space<hbm>> -> memref<100000x1024xf32, #tpu.memory_space<hbm>>
    tpu.wait_indirect_dma semaphore(%arg23 : memref<!tpu.dma_semaphore, #tpu.memory_space<semaphore_mem>>) src(%dma_wait3A_746 : memref<100000x1024xf32, #tpu.memory_space<hbm>>) dst(%dma_wait3A_743 : memref<32x1024xf32, #tpu.memory_space<vmem>>)
    %add3A_747 = arith.constant 480 : i32
    %add3A_748 = arith.addi %mul3A_2, %add3A_747 : i32
    %dma_start3A_749 = arith.constant 0 : i32
    %dma_start3A_750 = arith.constant 0 : i32
    %dma_start3A_751 = arith.constant 0 : i32
    %dma_start3A_752 = tpu.memref_slice %arg21[%dma_start3A_749, %dma_start3A_750, %dma_start3A_751] : memref<3x32x1024xf32, #tpu.memory_space<vmem>> -> memref<1x32x1024xf32, #tpu.memory_space<vmem>>
    %dma_start3A_753 = tpu.memref_squeeze %dma_start3A_752 : memref<1x32x1024xf32, #tpu.memory_space<vmem>> -> memref<32x1024xf32, #tpu.memory_space<vmem>>
    %dma_start3A_754 = arith.constant 0 : i32
    %dma_start3A_755 = tpu.memref_slice %arg4[%add3A_748, %dma_start3A_754] : memref<16384x1024xf32, #tpu.memory_space<hbm>> -> memref<32x1024xf32, #tpu.memory_space<hbm>>
    %dma_start3A_756 = arith.constant 0 : i32
    %dma_start3A_757 = tpu.memref_slice %arg4[%add3A_748, %dma_start3A_756] : memref<16384x1024xf32, #tpu.memory_space<hbm>> -> memref<32x1024xf32, #tpu.memory_space<hbm>>
    %dma_start3A_758 = arith.constant 0 : i32
    %dma_start3A_759 = arith.constant 0 : i32
    %dma_start3A_760 = tpu.memref_slice %arg21[%dma_start3A_749, %dma_start3A_758, %dma_start3A_759] : memref<3x32x1024xf32, #tpu.memory_space<vmem>> -> memref<1x32x1024xf32, #tpu.memory_space<vmem>>
    %dma_start3A_761 = tpu.memref_squeeze %dma_start3A_760 : memref<1x32x1024xf32, #tpu.memory_space<vmem>> -> memref<32x1024xf32, #tpu.memory_space<vmem>>
    tpu.enqueue_dma source(%dma_start3A_761 : memref<32x1024xf32, #tpu.memory_space<vmem>>) target(%dma_start3A_757 : memref<32x1024xf32, #tpu.memory_space<hbm>>) target_semaphore(%arg24 : memref<!tpu.dma_semaphore, #tpu.memory_space<semaphore_mem>>)
    %dma_wait3A_762 = arith.constant 1 : i32
    %dma_wait3A_763 = arith.constant 0 : i32
    %dma_wait3A_764 = arith.constant 0 : i32
    %dma_wait3A_765 = tpu.memref_slice %arg21[%dma_wait3A_762, %dma_wait3A_763, %dma_wait3A_764] : memref<3x32x1024xf32, #tpu.memory_space<vmem>> -> memref<1x32x1024xf32, #tpu.memory_space<vmem>>
    %dma_wait3A_766 = tpu.memref_squeeze %dma_wait3A_765 : memref<1x32x1024xf32, #tpu.memory_space<vmem>> -> memref<32x1024xf32, #tpu.memory_space<vmem>>
    %dma_wait3A_767 = arith.constant 0 : i32
    %dma_wait3A_768 = tpu.memref_slice %arg4[%add3A_702, %dma_wait3A_767] : memref<16384x1024xf32, #tpu.memory_space<hbm>> -> memref<32x1024xf32, #tpu.memory_space<hbm>>
    %dma_wait3A_769 = arith.constant 0 : i32
    %dma_wait3A_770 = tpu.memref_slice %arg4[%add3A_702, %dma_wait3A_769] : memref<16384x1024xf32, #tpu.memory_space<hbm>> -> memref<32x1024xf32, #tpu.memory_space<hbm>>
    %dma_wait3A_771 = arith.constant 0 : i32
    %dma_wait3A_772 = arith.constant 0 : i32
    %dma_wait3A_773 = tpu.memref_slice %arg21[%dma_wait3A_762, %dma_wait3A_771, %dma_wait3A_772] : memref<3x32x1024xf32, #tpu.memory_space<vmem>> -> memref<1x32x1024xf32, #tpu.memory_space<vmem>>
    %dma_wait3A_774 = tpu.memref_squeeze %dma_wait3A_773 : memref<1x32x1024xf32, #tpu.memory_space<vmem>> -> memref<32x1024xf32, #tpu.memory_space<vmem>>
    tpu.wait_dma2 semaphore(%arg24 : memref<!tpu.dma_semaphore, #tpu.memory_space<semaphore_mem>>) src(%dma_wait3A_774 : memref<32x1024xf32, #tpu.memory_space<vmem>>) dst(%dma_wait3A_770 : memref<32x1024xf32, #tpu.memory_space<hbm>>)
    %dma_wait3A_775 = arith.constant 2 : i32
    %dma_wait3A_776 = arith.constant 0 : i32
    %dma_wait3A_777 = arith.constant 0 : i32
    %dma_wait3A_778 = tpu.memref_slice %arg21[%dma_wait3A_775, %dma_wait3A_776, %dma_wait3A_777] : memref<3x32x1024xf32, #tpu.memory_space<vmem>> -> memref<1x32x1024xf32, #tpu.memory_space<vmem>>
    %dma_wait3A_779 = tpu.memref_squeeze %dma_wait3A_778 : memref<1x32x1024xf32, #tpu.memory_space<vmem>> -> memref<32x1024xf32, #tpu.memory_space<vmem>>
    %dma_wait3A_780 = arith.constant 0 : i32
    %dma_wait3A_781 = tpu.memref_slice %arg4[%add3A_725, %dma_wait3A_780] : memref<16384x1024xf32, #tpu.memory_space<hbm>> -> memref<32x1024xf32, #tpu.memory_space<hbm>>
    %dma_wait3A_782 = arith.constant 0 : i32
    %dma_wait3A_783 = tpu.memref_slice %arg4[%add3A_725, %dma_wait3A_782] : memref<16384x1024xf32, #tpu.memory_space<hbm>> -> memref<32x1024xf32, #tpu.memory_space<hbm>>
    %dma_wait3A_784 = arith.constant 0 : i32
    %dma_wait3A_785 = arith.constant 0 : i32
    %dma_wait3A_786 = tpu.memref_slice %arg21[%dma_wait3A_775, %dma_wait3A_784, %dma_wait3A_785] : memref<3x32x1024xf32, #tpu.memory_space<vmem>> -> memref<1x32x1024xf32, #tpu.memory_space<vmem>>
    %dma_wait3A_787 = tpu.memref_squeeze %dma_wait3A_786 : memref<1x32x1024xf32, #tpu.memory_space<vmem>> -> memref<32x1024xf32, #tpu.memory_space<vmem>>
    tpu.wait_dma2 semaphore(%arg24 : memref<!tpu.dma_semaphore, #tpu.memory_space<semaphore_mem>>) src(%dma_wait3A_787 : memref<32x1024xf32, #tpu.memory_space<vmem>>) dst(%dma_wait3A_783 : memref<32x1024xf32, #tpu.memory_space<hbm>>)
    %dma_wait3A_788 = arith.constant 0 : i32
    %dma_wait3A_789 = arith.constant 0 : i32
    %dma_wait3A_790 = arith.constant 0 : i32
    %dma_wait3A_791 = tpu.memref_slice %arg21[%dma_wait3A_788, %dma_wait3A_789, %dma_wait3A_790] : memref<3x32x1024xf32, #tpu.memory_space<vmem>> -> memref<1x32x1024xf32, #tpu.memory_space<vmem>>
    %dma_wait3A_792 = tpu.memref_squeeze %dma_wait3A_791 : memref<1x32x1024xf32, #tpu.memory_space<vmem>> -> memref<32x1024xf32, #tpu.memory_space<vmem>>
    %dma_wait3A_793 = arith.constant 0 : i32
    %dma_wait3A_794 = tpu.memref_slice %arg4[%add3A_748, %dma_wait3A_793] : memref<16384x1024xf32, #tpu.memory_space<hbm>> -> memref<32x1024xf32, #tpu.memory_space<hbm>>
    %dma_wait3A_795 = arith.constant 0 : i32
    %dma_wait3A_796 = tpu.memref_slice %arg4[%add3A_748, %dma_wait3A_795] : memref<16384x1024xf32, #tpu.memory_space<hbm>> -> memref<32x1024xf32, #tpu.memory_space<hbm>>
    %dma_wait3A_797 = arith.constant 0 : i32
    %dma_wait3A_798 = arith.constant 0 : i32
    %dma_wait3A_799 = tpu.memref_slice %arg21[%dma_wait3A_788, %dma_wait3A_797, %dma_wait3A_798] : memref<3x32x1024xf32, #tpu.memory_space<vmem>> -> memref<1x32x1024xf32, #tpu.memory_space<vmem>>
    %dma_wait3A_800 = tpu.memref_squeeze %dma_wait3A_799 : memref<1x32x1024xf32, #tpu.memory_space<vmem>> -> memref<32x1024xf32, #tpu.memory_space<vmem>>
    tpu.wait_dma2 semaphore(%arg24 : memref<!tpu.dma_semaphore, #tpu.memory_space<semaphore_mem>>) src(%dma_wait3A_800 : memref<32x1024xf32, #tpu.memory_space<vmem>>) dst(%dma_wait3A_796 : memref<32x1024xf32, #tpu.memory_space<hbm>>)
    return
  }
}

</mosaic_0001>

<sc_bundles>
// kernel: kernel.3.cloned.1.call-start
scs
__scs_entry_jumppad:
0x0: {  	(pc) =	sbr.rel $0x88, $3  }
0x1: {  	(tag) =	ssettag $0x0;
	lr =	simm.s32 $0x1  }
0x2: {  	[smem:$0x3F9E] =	sst lr;
	_ =	strace $0xD0000000  }
0x3: {  	_ = 	snop  }
0x4: {  	_ = 	snop  }
0x5: {  	_ = 	snop  }
0x6: {  	_ = 	snop  }
0x7: {  	_ = 	snop  }
__scs_overlays_trampoline_lowered:
0x8: {  	[smem:$0x3FAD] =	sst s0  }
0x9: {  	[smem:$0x3FAE] =	sst s1  }
0xa: {  	[smem:$0x3FAF] =	sst s2  }
0xb: {  	[smem:$0x3FB0] =	sst s3  }
0xc: {  	[smem:$0x3FB1] =	sst s4  }
0xd: {  	[smem:$0x3FB2] =	sst s5  }
0xe: {  	[smem:$0x3FB3] =	sst s6  }
0xf: {  	[smem:$0x3FB4] =	sst s7  }
0x10: {  	[smem:$0x3FB5] =	sst s8  }
0x11: {  	[smem:$0x3FB6] =	sst s9;
	s0 =	simm.s32 @!p0 $0x0  }
0x12: {  	s1 =	sld [smem:$0x3F9C];
	s0 =	simm.s32 @p0 $0x1  }
0x13: {  	[smem:$0x3FB7] =	sst s0;
	s0 =	simm.s32 @!p1 $0x0  }
0x14: {  	s2 =	sld [smem:$0x3F9B];
	s0 =	simm.s32 @p1 $0x1  }
0x15: {  	[smem:$0x3FB8] =	sst s0;
	s0 =	simm.s32 @!p2 $0x0  }
0x16: {  	s3 =	sld [smem:$0x3FDB];
	s0 =	simm.s32 @p2 $0x1  }
0x17: {  	s4 =	simm.s32 $0x1BF5;
	[smem:$0x3FBA] =	sst s0  }
0x18: {  	s0 =	sld [smem:$0x3F9D];
	_ =	swait.ge [sflag:s4], $0x0  }
0x19: {  	s7 =	sld [smem:$0x3F9E]  }
0x1a: {  	s8 =	sadd.s32 $0xFFFFE003, lr  }
0x1b: {  	s9 =	sadd.s32 $0xFFFFFEF7, lr;
	s5 =	simm.s32 $0xFFFFFFFF;
	p2 =	slt.u32 s8, $0xFFFFF086  }
0x1c: {  	p1 =	slt.u32 s9, $0xF7A;
	s5 =	simm.s32 @!p2 $0x0  }
0x1d: {  	s5 =	simm.s32 @p1 $0x1;
	p0 =	seq.s32 s7, s2  }
0x1e: {  	s7 =	smul.u32 @!p0 $0xF7A, s2;
	p2 =	seq.s32 @!p0 s5, $0x0  }
0x1f: {  	s9 =	smul.u32 $0xF7A, s1;
	s8 =	simm.s32 @!p0 $0x1BF5;
	p2 =	por !p2, p0  }
0x20: {  	[sflag:s8] =	ssyncset.s32 @!p0 $0xFFFFF086;
	s6 =	sadd.s32 @!p0 s3, s7;
	s7 =	simm.s32 @!p0 $0x108  }
0x21: {  	s3 =	sadd.s32 s3, s9;
	s6 =	sadd.s32 @!p0 $0x88, s6;
	s7 =	simm.s32 @p2 $0x1082  }
0x22: {  	[simem:s7], [sflag:s8] =	dma.local @!p0 [hbm:s6], $0xF7A  }
0x23: {  	s9 =	sor.u32 $0xD0000000, s2;
	s6 =	simm.s32 $0x108;
	_ =	swait.ge @!p0 [sflag:s8], $0x0  }
0x24: {  	s3 =	sadd.s32 $0x88, s3;
	s6 =	simm.s32 @!p1 $0x1082;
	[sflag:s4] =	ssyncset.s32 $0xFFFFF086  }
0x25: {  	[simem:s6], [sflag:s4] =	dma.local [hbm:s3], $0xF7A  }
0x26: {  	[smem:$0x3F9E] =	sst s1;
	(tag) =	ssettag s2;
	_ =	strace s9  }
0x27: {  	s1 =	sld [smem:$0x3FAE]  }
0x28: {  	s2 =	sld [smem:$0x3FAF]  }
0x29: {  	s4 =	sld [smem:$0x3FB1]  }
0x2a: {  	p0 =	seq.s32 s5, $0x0;
	s5 =	sld [smem:$0x3FB2]  }
0x2b: {  	s6 =	sld [smem:$0x3FB3]  }
0x2c: {  	s7 =	sld [smem:$0x3FB4]  }
0x2d: {  	s3 =	simm.s32 $0x108;
	s8 =	sld [smem:$0x3FB5]  }
0x2e: {  	s3 =	simm.s32 @!p0 $0x1082;
	s9 =	sld [smem:$0x3FB6]  }
0x2f: {  	lr =	sadd.s32 s0, s3;
	s0 =	sld [smem:$0x3FAD]  }
0x30: {  	s3 =	sld [smem:$0x3FB0]  }
0x31: {  	[smem:$0x3FB9] =	sst s10  }
0x32: {  	s10 =	sld [smem:$0x3FB7];
	_ =	sdelay $0x3  }
0x33: {  	p0 =	seq.s32 s10, $0x1;
	s10 =	sld [smem:$0x3FB9];
	_ =	sdelay $0x3  }
0x34: {  	[smem:$0x3FB9] =	sst s10  }
0x35: {  	s10 =	sld [smem:$0x3FB8];
	_ =	sdelay $0x3  }
0x36: {  	p1 =	seq.s32 s10, $0x1;
	s10 =	sld [smem:$0x3FB9];
	_ =	sdelay $0x3  }
0x37: {  	[smem:$0x3FB9] =	sst s10  }
0x38: {  	s10 =	sld [smem:$0x3FBA]  }
0x39: {  	_ = 	snop;
	(pc) =	sbr.ind lr, $3  }
0x3a: {  	_ = 	snop  }
0x3b: {  	_ = 	snop  }
0x3c: {  	p2 =	seq.s32 s10, $0x1;
	s10 =	sld [smem:$0x3FB9]  }
0x3d: {  	_ =	shalt  }
0x3e: {  	_ =	shalt  }
0x3f: {  	_ =	shalt  }
0x40: {  	_ =	shalt  }
0x41: {  	_ =	shalt  }
0x42: {  	_ =	shalt  }
0x43: {  	_ =	shalt  }
0x44: {  	_ =	shalt  }
0x45: {  	_ =	shalt  }
0x46: {  	_ =	shalt  }
0x47: {  	_ =	shalt  }
0x48: {  	_ =	shalt  }
0x49: {  	_ =	shalt  }
0x4a: {  	_ =	shalt  }
0x4b: {  	_ =	shalt  }
0x4c: {  	_ =	shalt  }
0x4d: {  	_ =	shalt  }
0x4e: {  	_ =	shalt  }
0x4f: {  	_ =	shalt  }
0x50: {  	_ =	shalt  }
0x51: {  	_ =	shalt  }
0x52: {  	_ =	shalt  }
0x53: {  	_ =	shalt  }
0x54: {  	_ =	shalt  }
0x55: {  	_ =	shalt  }
0x56: {  	_ =	shalt  }
0x57: {  	_ =	shalt  }
0x58: {  	_ =	shalt  }
0x59: {  	_ =	shalt  }
0x5a: {  	_ =	shalt  }
0x5b: {  	_ =	shalt  }
0x5c: {  	_ =	shalt  }
0x5d: {  	_ =	shalt  }
0x5e: {  	_ =	shalt  }
0x5f: {  	_ =	shalt  }
0x60: {  	_ =	shalt  }
0x61: {  	_ =	shalt  }
0x62: {  	_ =	shalt  }
0x63: {  	_ =	shalt  }
0x64: {  	_ =	shalt  }
0x65: {  	_ =	shalt  }
0x66: {  	_ =	shalt  }
0x67: {  	_ =	shalt  }
0x68: {  	_ =	shalt  }
0x69: {  	_ =	shalt  }
0x6a: {  	_ =	shalt  }
0x6b: {  	_ =	shalt  }
0x6c: {  	_ =	shalt  }
0x6d: {  	_ =	shalt  }
0x6e: {  	_ =	shalt  }
0x6f: {  	_ =	shalt  }
0x70: {  	_ =	shalt  }
0x71: {  	_ =	shalt  }
0x72: {  	_ =	shalt  }
0x73: {  	_ =	shalt  }
0x74: {  	_ =	shalt  }
0x75: {  	_ =	shalt  }
0x76: {  	_ =	shalt  }
0x77: {  	_ =	shalt  }
0x78: {  	_ =	shalt  }
0x79: {  	_ =	shalt  }
0x7a: {  	_ =	shalt  }
0x7b: {  	_ =	shalt  }
0x7c: {  	_ =	shalt  }
0x7d: {  	_ =	shalt  }
0x7e: {  	_ =	shalt  }
0x7f: {  	_ =	shalt  }
0x80: {  	_ =	shalt  }
0x81: {  	_ =	shalt  }
0x82: {  	_ =	shalt  }
0x83: {  	_ =	shalt  }
0x84: {  	_ =	shalt  }
0x85: {  	_ =	shalt  }
0x86: {  	_ =	shalt  }
0x87: {  	_ =	shalt  }
.Lfunc_end0:
.L_simem_size_0:
called_computation_lowered:
.L_overlay_start_0:
0x88: {  	s2 =	sld [smem:$0x3FD9]  }
0x89: {  	s3 =	sld [smem:$0x3FFE];
	_ =	sdelay $0x1  }
0x8a: {  	s1 =	srdreg.scid  }
0x8b: {  	s0 =	sand.u32 $0x1, s1  }
0x8c: {  	s15 =	sshll.u32 s0, $0xA;
	s2 =	sadd.s32 s3, s2  }
0x8d: {  	s2 =	sadd.s32 s2, s15  }
0x8e: {  	[smem:$0x3FC5] =	sst s2  }
0x8f: {  	_ = 	snop  }
0x90: {  	s2 =	sld [smem:$0x3FD0];
	_ =	sdelay $0x2  }
0x91: {  	s4 =	simm.s32 $0xA;
	s5 =	simm.s32 $0x10;
	s16 =	sld [smem:$0x3FC7]  }
0x92: {  	[smem:s5], [sflag:s4] =	dma.local [hbm:s2], $0x1  }
0x93: {  	_ =	swait.eq [sflag:s4], $0x1  }
0x94: {  	[sflag:s4] =	ssyncset.done $0x0  }
0x95: {  	s17 =	sld [smem:$0x10];
	[sflag:s4] =	ssyncadd.s32 $0xFFFFFFFF  }
0x96: {  	s18 =	sld [smem:$0x11];
	(tm) =	ssettm $0x1  }
0x97: {  	s19 =	sld [smem:$0x3FFB];
	_ =	sdelay $0x3  }
0x98: {  	_ =	strace s19  }
0x99: {  	s5 =	sld [smem:$0x3FFC];
	_ =	sdelay $0x3  }
0x9a: {  	_ =	strace s5  }
0x9b: {  	s5 =	sld [smem:$0x3FFD];
	_ =	sdelay $0x3  }
0x9c: {  	_ =	strace s5  }
0x9d: {  	_ =	strace $0x8FFFFFFF  }
0x9e: {  	s20 =	sld [smem:$0x3FDB];
	_ =	sdelay $0x1  }
0x9f: {  	s6 =	simm.s32 $_scs_section_size  }
0xa0: {  	s7 =	simm.s32 $_size__tile_overlayer_lowered;
	s8 =	simm.s32 $_tile_overlayer_lowered  }
0xa1: {  	s23 =	simm.s32 $0x1BFF;
	s22 =	sshll.u32 s8, $0x1;
	s5 =	sadd.s32 s6, s20  }
0xa2: {  	s9 =	simm.s32 $0x0;
	s21 =	sshll.u32 s7, $0x1;
	s7 =	sadd.s32 s22, s5  }
0xa3: {  	[timem:s9], [sflag:s23] =	dma.local [hbm:s7], s21  }
0xa4: {  	_ =	swait.ge [sflag:s23], s21  }
0xa5: {  	s6 =	ssub.s32 $0x0, s21;
	[sflag:s23] =	ssyncset.done $0x0  }
0xa6: {  	[sflag:s23] =	ssyncadd.s32 s6;
	_ =	sdelay $0x1  }
0xa7: {  	s24 =	simm.s32 $0x1B8B  }
0xa8: {  	_ =	swait.ge [sflag:s24], $0x1  }
0xa9: {  	[sflag:s24] =	ssyncset.done $0x0  }
0xaa: {  	s25 =	simm.s32 $0x1B8E;
	[sflag:s24] =	ssyncadd.s32 $0xFFFFFFFF  }
0xab: {  	s26 =	simm.s32 $execute0_lowered;
	[smem:$0x3FD2] =	sst s25  }
0xac: {  	s6 =	sshll.u32 s26, $0x1;
	_ =	strace $0x80000046;
	[dreg:$0x1] =	wrdreg $0xFFFFFFFF  }
0xad: {  	s28 =	simm.s32 $_size_execute0_lowered;
	s5 =	sadd.s32 s5, s6;
	[dreg:$0x0] =	wrdreg $0x0  }
0xae: {  	s6 =	sshll.u32 s28, $0x1;
	[dreg:$0x2] =	wrdreg s5  }
0xaf: {  	[dreg:$0x3] =	wrdreg s6  }
0xb0: {  	[dreg:$0x4] =	wrdreg $0xC0  }
0xb1: {  	_ =	task [dreg:s9], $0x5FFFF  }
0xb2: {  	[dreg:$0x1] =	wrdreg $0xFFFFFFFF  }
0xb3: {  	[dreg:$0x0] =	wrdreg $0x60  }
0xb4: {  	[dreg:$0x2] =	wrdreg s18  }
0xb5: {  	[dreg:$0x3] =	wrdreg s16  }
0xb6: {  	[dreg:$0x4] =	wrdreg s17  }
0xb7: {  	[dreg:$0x5] =	wrdreg $0x9  }
0xb8: {  	_ =	task.clear_ibuf [dreg:s9], $0x6FFFF;
	_ =	strace $0x90000046  }
0xb9: {  	s29 =	simm.s32 $0x9;
	_ =	strace $0x80000048  }
0xba: {  	_ =	swait.ge [sflag:s29], $0x1  }
0xbb: {  	[sflag:s29] =	ssyncadd.s32 $0xFFFFFFFF  }
0xbc: {  	_ =	strace $0x90000048  }
0xbd: {  	_ =	sfence  }
0xbe: {  	s30 =	sld [smem:$0x0];
	_ =	sdelay $0x2  }
0xbf: {  	s31 =	sshll.u32 s1, $0xD;
	s1 =	sshrl.u32 s1, $0x2  }
0xc0: {  	s3 =	sand.u32 $0x4000, s31;
	s1 =	sadd.s32 s1, s30  }
0xc1: {  	s0 =	sor.u32 s3, s0;
	s1 =	sshll.u32 s1, $0x11  }
0xc2: {  	s0 =	sor.u32 s1, s0  }
0xc3: {  	s0 =	sadd.s32 $0x8F2B, s0  }
0xc4: {  	[sflag:s0] =	ssyncadd.remote.s32 $0x1  }
0xc5: {  	_ =	sfence.sel $0xFFFF  }
0xc6: {  	[dreg:$0x0] =	wrdreg $0xFFFFFFFF;
	(pc) =	sbr.abs _section_cstart, $3  }
0xc7: {  	[dreg:$0x1] =	wrdreg $0xFFFFFFFF  }
0xc8: {  	_ =	task.clear_ibuf [dreg:s9], $0x2FFFF;
	_ =	strace $0x9FFFFFFF  }
0xc9: {  	(tm) =	ssettm $0x7FFFFFFF  }
tec
execute0_lowered:
.L_overlay_start_1:
0x0: {  	(tag) =	ssettag $0x1  }
0x1: {  	s4 =	rddreg [dreg:$0x0];
	s0 =	srdreg.scid  }
0x2: {  	s2 =	rddreg [dreg:$0x1];
	s3 =	stileid.u32;
	s0 =	sand.u32 $0x1, s0  }
0x3: {  	s5 =	sshll.u32 s3, $0xA;
	s3 =	simm.s32 $0x0;
	s6 =	sshll.u32 s0, $0x9  }
0x4: {  	[smem:$0x7FF] =	sst s3;
	s5 =	sor.u32 s6, s5  }
0x5: {  	s1 =	rddreg [dreg:$0x2];
	_ =	strace $0x80000047;
	s6 =	sshrl.u32 s5, $0x3  }
0x6: {  	s11 =	sor.u32 $0xA0, s5;
	s13 =	sor.u32 $0xC0, s5;
	s7 =	sadd.s32 s4, s6  }
0x7: {  	s6 =	sor.u32 $0x20, s5;
	s12 =	sshrl.u32 s11, $0x3;
	s14 =	sshrl.u32 s13, $0x3  }
0x8: {  	[dreg:$0x4] =	wrdreg s7;
	s8 =	sshrl.u32 s6, $0x3;
	s7 =	sor.u32 $0x40, s5  }
0x9: {  	s12 =	sadd.s32 s4, s12;
	s15 =	sadd.s32 s4, s14;
	s14 =	sor.u32 $0x100, s5  }
0xa: {  	s9 =	sadd.s32 s4, s8;
	s10 =	sshrl.u32 s7, $0x3;
	[dreg:$0x9] =	wrdreg s12  }
0xb: {  	s8 =	sor.u32 $0x60, s5;
	s12 =	sor.u32 $0xE0, s5;
	[dreg:$0xa] =	wrdreg s15  }
0xc: {  	s15 =	sshrl.u32 s14, $0x3;
	[dreg:$0x5] =	wrdreg s9;
	s28 =	sadd.s32 s4, s10  }
0xd: {  	s29 =	sshrl.u32 s8, $0x3;
	s10 =	sor.u32 $0x80, s5;
	s16 =	sshrl.u32 s12, $0x3  }
0xe: {  	s17 =	sadd.s32 s4, s15;
	s15 =	sor.u32 $0x140, s5;
	[dreg:$0x6] =	wrdreg s28  }
0xf: {  	s30 =	sadd.s32 s4, s29;
	s31 =	sshrl.u32 s10, $0x3;
	[dreg:$0xc] =	wrdreg s17  }
0x10: {  	s20 =	sshrl.u32 s15, $0x3;
	s29 =	sshll.u32 s6, $0x7;
	s6 =	sshll.u32 s8, $0x7  }
0x11: {  	s8 =	sshll.u32 s10, $0x7;
	[dreg:$0x7] =	wrdreg s30;
	s9 =	sadd.s32 s4, s31  }
0x12: {  	s10 =	sshll.u32 s11, $0x7;
	s30 =	sadd.s32 s1, s29;
	[dreg:$0x8] =	wrdreg s9  }
0x13: {  	s31 =	sshll.u32 s7, $0x7;
	s7 =	sadd.s32 s1, s6;
	[dreg:$0x15] =	wrdreg s30  }
0x14: {  	s17 =	sor.u32 $0x160, s5;
	s11 =	sadd.s32 s1, s10;
	[dreg:$0x17] =	wrdreg s7  }
0x15: {  	s6 =	sshll.u32 s17, $0x7;
	s9 =	sadd.s32 s4, s16;
	[dreg:$0x19] =	wrdreg s11  }
0x16: {  	s16 =	sor.u32 $0x120, s5;
	s7 =	sadd.s32 s1, s6;
	[dreg:$0xb] =	wrdreg s9  }
0x17: {  	s18 =	sshrl.u32 s16, $0x3;
	s9 =	sadd.s32 s4, s20;
	[dreg:$0x1f] =	wrdreg s7  }
0x18: {  	s29 =	sshll.u32 s16, $0x7;
	s16 =	simm.s32 $0x100;
	[dreg:$0xe] =	wrdreg s9  }
0x19: {  	s20 =	sor.u32 $0x1C0, s5;
	s19 =	sadd.s32 s4, s18;
	[smem:$0x7F0] =	sst s16  }
0x1a: {  	s18 =	sshrl.u32 s17, $0x3;
	s30 =	sadd.s32 s1, s29;
	[dreg:$0xd] =	wrdreg s19  }
0x1b: {  	s17 =	simm.s32 $0x180;
	s29 =	simm.s32 $0x680;
	[dreg:$0x1d] =	wrdreg s30  }
0x1c: {  	s19 =	sor.u32 $0x180, s5;
	s21 =	sadd.s32 s4, s18;
	[smem:$0x7F1] =	sst s17  }
0x1d: {  	s18 =	sor.u32 $0x1A0, s5;
	[smem:$0x7FB] =	sst s29;
	s30 =	simm.s32 $0x700  }
0x1e: {  	s22 =	sshrl.u32 s19, $0x3;
	[dreg:$0xf] =	wrdreg s21;
	s24 =	sshrl.u32 s18, $0x3  }
0x1f: {  	s10 =	sshll.u32 s18, $0x7;
	s18 =	simm.s32 $0x200;
	[smem:$0x7FC] =	sst s30  }
0x20: {  	s21 =	sshrl.u32 s20, $0x3;
	s23 =	sadd.s32 s4, s22;
	[smem:$0x7F2] =	sst s18  }
0x21: {  	s9 =	sadd.s32 s4, s24;
	s22 =	sor.u32 $0x1E0, s5;
	[dreg:$0x10] =	wrdreg s23  }
0x22: {  	s25 =	sadd.s32 s4, s21;
	s5 =	sshll.u32 s5, $0x7;
	[dreg:$0x11] =	wrdreg s9  }
0x23: {  	s24 =	sshll.u32 s12, $0x7;
	s11 =	sadd.s32 s1, s10;
	[dreg:$0x12] =	wrdreg s25  }
0x24: {  	s12 =	sshll.u32 s20, $0x7;
	s20 =	simm.s32 $0x300;
	[smem:$0x7EC] =	sst s11  }
0x25: {  	s28 =	sadd.s32 s1, s5;
	[smem:$0x7F4] =	sst s20  }
0x26: {  	s5 =	sadd.s32 s1, s31;
	[dreg:$0x14] =	wrdreg s28  }
0x27: {  	s21 =	sshll.u32 s13, $0x7;
	s9 =	sadd.s32 s1, s8;
	[dreg:$0x16] =	wrdreg s5  }
0x28: {  	s23 =	sadd.s32 s1, s21;
	[dreg:$0x18] =	wrdreg s9  }
0x29: {  	s25 =	sadd.s32 s1, s24;
	[dreg:$0x1a] =	wrdreg s23  }
0x2a: {  	s13 =	sadd.s32 s1, s12;
	[dreg:$0x1b] =	wrdreg s25  }
0x2b: {  	s31 =	sshll.u32 s15, $0x7;
	s15 =	simm.s32 $0x80;
	[smem:$0x7ED] =	sst s13  }
0x2c: {  	s8 =	sshll.u32 s19, $0x7;
	s19 =	simm.s32 $0x280;
	[smem:$0x7EF] =	sst s15  }
0x2d: {  	s21 =	simm.s32 $0x380;
	[smem:$0x7F3] =	sst s19  }
0x2e: {  	s26 =	sshrl.u32 s22, $0x3;
	s24 =	simm.s32 $0x500;
	[smem:$0x7F5] =	sst s21  }
0x2f: {  	s4 =	sadd.s32 s4, s26;
	[smem:$0x7F8] =	sst s24  }
0x30: {  	s5 =	sadd.s32 s1, s31;
	[dreg:$0x13] =	wrdreg s4  }
0x31: {  	s26 =	sshll.u32 s14, $0x7;
	s9 =	sadd.s32 s1, s8;
	[dreg:$0x1e] =	wrdreg s5  }
0x32: {  	s14 =	sshll.u32 s22, $0x7;
	s22 =	simm.s32 $0x400;
	[smem:$0x7EB] =	sst s9  }
0x33: {  	s23 =	simm.s32 $0x480;
	[smem:$0x7F6] =	sst s22  }
0x34: {  	s0 =	ssub.s32 $0x2, s0;
	s25 =	simm.s32 $0x580;
	[smem:$0x7F7] =	sst s23  }
0x35: {  	s6 =	sadd.s32 $0x300, s2;
	s31 =	simm.s32 $0x780;
	[smem:$0x7F9] =	sst s25  }
0x36: {  	s8 =	simm.s32 $0x1;
	s28 =	sadd.s32 s1, s26;
	[smem:$0x7FD] =	sst s31  }
0x37: {  	s1 =	sadd.s32 s1, s14;
	s26 =	sshrl.u32 s0, $0x1;
	[dreg:$0x1c] =	wrdreg s28  }
0x38: {  	v2 =	vlaneseq.u32;
	s4 =	sadd.s32 $0x100, s2;
	s5 =	sadd.s32 $0x200, s2;
	[smem:$0x7EE] =	sst s1  }
0x39: {  	vm0 =	vmmov $0xffff;
	v1 =	vshrl.u32 v2, $0x3;
	s28 =	simm.s32 $0x600;
	s0 =	ssub.s32 s0, s26;
	s1 =	simm.s32 $0x2  }
0x3a: {  	v0 =	vand.u32 $0x7, v2;
	v2 =	vor.u32 $0x8, v2;
	v1 =	vmul.u32 $0x8, v1;
	[smem:$0x7FA] =	sst s28;
	s7 =	smax.u32 s0, $0x1;
	s0 =	simm.s32 $0x3  }
.LBB2_1:
0x3b: {  	[smem:$0x7EA] =	sst s7  }
0x3c: {  	s26 =	rddreg [dreg:$0x4]  }
0x3d: {  	s29 =	rddreg [dreg:$0x5]  }
0x3e: {  	s30 =	sld [smem:$0x7EF]  }
0x3f: {  	s11 =	rddreg [dreg:$0x6]  }
0x40: {  	s12 =	sld [smem:$0x7F0]  }
0x41: {  	s13 =	rddreg [dreg:$0x7]  }
0x42: {  	s31 =	sld [smem:$0x7F1]  }
0x43: {  	s14 =	rddreg [dreg:$0x8]  }
0x44: {  	s15 =	sld [smem:$0x7F2]  }
0x45: {  	s16 =	rddreg [dreg:$0x9]  }
0x46: {  	s17 =	sld [smem:$0x7F3]  }
0x47: {  	s18 =	rddreg [dreg:$0xa]  }
0x48: {  	s19 =	sld [smem:$0x7F4]  }
0x49: {  	s20 =	rddreg [dreg:$0xb]  }
0x4a: {  	s21 =	sld [smem:$0x7F5]  }
0x4b: {  	s22 =	rddreg [dreg:$0xc]  }
0x4c: {  	[tilespmem:s3], [sflag:$0x1] =	stream.linear.gather [hbm4b:s26+s3], $0x20, $0x38;
	[tilespmem:$0x18800] =	vst v63  }
0x4d: {  	s23 =	sld [smem:$0x7F6]  }
0x4e: {  	[tilespmem:s30], [sflag:$0x1] =	stream.linear.gather [hbm4b:s29+s3], $0x20, $0x38;
	[tilespmem:$0x18800] =	vst v63  }
0x4f: {  	s24 =	rddreg [dreg:$0xd]  }
0x50: {  	[tilespmem:s12], [sflag:$0x1] =	stream.linear.gather [hbm4b:s11+s3], $0x20, $0x38;
	[tilespmem:$0x18800] =	vst v63  }
0x51: {  	s25 =	sld [smem:$0x7F7]  }
0x52: {  	[tilespmem:s31], [sflag:$0x1] =	stream.linear.gather [hbm4b:s13+s3], $0x20, $0x38;
	[tilespmem:$0x18800] =	vst v63  }
0x53: {  	s28 =	rddreg [dreg:$0xe]  }
0x54: {  	[tilespmem:s15], [sflag:$0x1] =	stream.linear.gather [hbm4b:s14+s3], $0x20, $0x38;
	[tilespmem:$0x18800] =	vst v63  }
0x55: {  	s7 =	sld [smem:$0x7F8]  }
0x56: {  	[tilespmem:s17], [sflag:$0x1] =	stream.linear.gather [hbm4b:s16+s3], $0x20, $0x38;
	[tilespmem:$0x18800] =	vst v63  }
0x57: {  	s9 =	rddreg [dreg:$0xf]  }
0x58: {  	[tilespmem:s19], [sflag:$0x1] =	stream.linear.gather [hbm4b:s18+s3], $0x20, $0x38;
	[tilespmem:$0x18800] =	vst v63  }
0x59: {  	s10 =	sld [smem:$0x7F9]  }
0x5a: {  	[tilespmem:s21], [sflag:$0x1] =	stream.linear.gather [hbm4b:s20+s3], $0x20, $0x38;
	[tilespmem:$0x18800] =	vst v63  }
0x5b: {  	s11 =	rddreg [dreg:$0x10]  }
0x5c: {  	[tilespmem:s23], [sflag:$0x1] =	stream.linear.gather [hbm4b:s22+s3], $0x20, $0x38;
	[tilespmem:$0x18800] =	vst v63  }
0x5d: {  	s12 =	sld [smem:$0x7FA]  }
0x5e: {  	[tilespmem:s25], [sflag:$0x1] =	stream.linear.gather [hbm4b:s24+s3], $0x20, $0x38;
	[tilespmem:$0x18800] =	vst v63  }
0x5f: {  	s13 =	rddreg [dreg:$0x11]  }
0x60: {  	[tilespmem:s7], [sflag:$0x1] =	stream.linear.gather [hbm4b:s28+s3], $0x20, $0x38;
	[tilespmem:$0x18800] =	vst v63  }
0x61: {  	s14 =	sld [smem:$0x7FB]  }
0x62: {  	[tilespmem:s10], [sflag:$0x1] =	stream.linear.gather [hbm4b:s9+s3], $0x20, $0x38;
	[tilespmem:$0x18800] =	vst v63  }
0x63: {  	s15 =	rddreg [dreg:$0x12]  }
0x64: {  	[tilespmem:s12], [sflag:$0x1] =	stream.linear.gather [hbm4b:s11+s3], $0x20, $0x38;
	[tilespmem:$0x18800] =	vst v63  }
0x65: {  	s16 =	sld [smem:$0x7FC]  }
0x66: {  	[tilespmem:s14], [sflag:$0x1] =	stream.linear.gather [hbm4b:s13+s3], $0x20, $0x38;
	[tilespmem:$0x18800] =	vst v63  }
0x67: {  	s18 =	sld [smem:$0x7FD]  }
0x68: {  	[tilespmem:s16], [sflag:$0x1] =	stream.linear.gather [hbm4b:s15+s3], $0x20, $0x38;
	[tilespmem:$0x18800] =	vst v63  }
0x69: {  	s17 =	rddreg [dreg:$0x13]  }
0x6a: {  	[tilespmem:s18], [sflag:$0x1] =	stream.linear.gather [hbm4b:s17+s3], $0x20, $0x38;
	[tilespmem:$0x18800] =	vst v63  }
0x6b: {  	_ =	swait.ge [sflag:s8], $0x20  }
0x6c: {  	[sflag:s8] =	ssyncset.done $0x0  }
0x6d: {  	[sflag:s8] =	ssyncadd.s32 $0xFFFFFFE0  }
0x6e: {  	v3 =	vld [tilespmem:$0x0];
	_ =	sdelay $0x4  }
0x6f: {  	v4 =	vshll.u32 v3, $0x3  }
0x70: {  	v3 =	vand.u32 $0x7, v3;
	v4 =	vand.u32 $0xFFFFFFC0, v4  }
0x71: {  	v3 =	vor.u32 v3, v4  }
0x72: {  	v4 =	vperm.xlane v3, v0;
	_ =	sdelay $0x1  }
0x73: {  	v4 =	vadd.s32 v1, v4;
	_ =	sdelay $0x3  }
0x74: {  	s19 =	simm.s32 $0x800  }
0x75: {  	[tilespmem:s19], [sflag:$0x2] =	stream.indirect_vreg.gather [hbm4b:s2+s3], $0x80, v4, vm0, $0xb8;
	[tilespmem:$0x18800] =	vst v63  }
0x76: {  	s10 =	simm.s32 $0x1000;
	v3 =	vperm.xlane v3, v2  }
0x77: {  	[tilespmem:s10], [sflag:$0x2] =	stream.indirect_vreg.gather [hbm4b:s4+s3], $0x80, v4, vm0, $0xb8;
	[tilespmem:$0x18800] =	vst v63  }
0x78: {  	s20 =	simm.s32 $0x1800;
	v3 =	vadd.s32 v1, v3  }
0x79: {  	[tilespmem:s20], [sflag:$0x2] =	stream.indirect_vreg.gather [hbm4b:s5+s3], $0x80, v4, vm0, $0xb8;
	[tilespmem:$0x18800] =	vst v63  }
0x7a: {  	s21 =	simm.s32 $0x2000  }
0x7b: {  	[tilespmem:s21], [sflag:$0x2] =	stream.indirect_vreg.gather [hbm4b:s6+s3], $0x80, v4, vm0, $0xb8;
	[tilespmem:$0x18800] =	vst v63  }
0x7c: {  	s22 =	simm.s32 $0x2800  }
0x7d: {  	[tilespmem:s22], [sflag:$0x2] =	stream.indirect_vreg.gather [hbm4b:s2+s3], $0x80, v3, vm0, $0xb8;
	[tilespmem:$0x18800] =	vst v63  }
0x7e: {  	s23 =	simm.s32 $0x3000  }
0x7f: {  	[tilespmem:s23], [sflag:$0x2] =	stream.indirect_vreg.gather [hbm4b:s4+s3], $0x80, v3, vm0, $0xb8;
	[tilespmem:$0x18800] =	vst v63  }
0x80: {  	s24 =	simm.s32 $0x3800  }
0x81: {  	[tilespmem:s24], [sflag:$0x2] =	stream.indirect_vreg.gather [hbm4b:s5+s3], $0x80, v3, vm0, $0xb8;
	[tilespmem:$0x18800] =	vst v63  }
0x82: {  	s25 =	simm.s32 $0x4000  }
0x83: {  	[tilespmem:s25], [sflag:$0x2] =	stream.indirect_vreg.gather [hbm4b:s6+s3], $0x80, v3, vm0, $0xb8;
	[tilespmem:$0x18800] =	vst v63  }
0x84: {  	v3 =	vld [tilespmem:$0x10];
	_ =	sdelay $0x4  }
0x85: {  	v33 =	vshll.u32 v3, $0x3  }
0x86: {  	v3 =	vand.u32 $0x7, v3;
	v4 =	vand.u32 $0xFFFFFFC0, v33  }
0x87: {  	v3 =	vor.u32 v3, v4  }
0x88: {  	v4 =	vperm.xlane v3, v0;
	_ =	sdelay $0x1  }
0x89: {  	v4 =	vadd.s32 v1, v4;
	_ =	sdelay $0x3  }
0x8a: {  	s26 =	simm.s32 $0x4800  }
0x8b: {  	[tilespmem:s26], [sflag:$0x2] =	stream.indirect_vreg.gather [hbm4b:s2+s3], $0x80, v4, vm0, $0xb8;
	[tilespmem:$0x18800] =	vst v63  }
0x8c: {  	s28 =	simm.s32 $0x5000;
	v3 =	vperm.xlane v3, v2  }
0x8d: {  	[tilespmem:s28], [sflag:$0x2] =	stream.indirect_vreg.gather [hbm4b:s4+s3], $0x80, v4, vm0, $0xb8;
	[tilespmem:$0x18800] =	vst v63  }
0x8e: {  	s29 =	simm.s32 $0x5800;
	v3 =	vadd.s32 v1, v3  }
0x8f: {  	[tilespmem:s29], [sflag:$0x2] =	stream.indirect_vreg.gather [hbm4b:s5+s3], $0x80, v4, vm0, $0xb8;
	[tilespmem:$0x18800] =	vst v63  }
0x90: {  	s30 =	simm.s32 $0x6000  }
0x91: {  	[tilespmem:s30], [sflag:$0x2] =	stream.indirect_vreg.gather [hbm4b:s6+s3], $0x80, v4, vm0, $0xb8;
	[tilespmem:$0x18800] =	vst v63  }
0x92: {  	s31 =	simm.s32 $0x6800  }
0x93: {  	[tilespmem:s31], [sflag:$0x2] =	stream.indirect_vreg.gather [hbm4b:s2+s3], $0x80, v3, vm0, $0xb8;
	[tilespmem:$0x18800] =	vst v63  }
0x94: {  	s7 =	simm.s32 $0x7000  }
0x95: {  	[tilespmem:s7], [sflag:$0x2] =	stream.indirect_vreg.gather [hbm4b:s4+s3], $0x80, v3, vm0, $0xb8;
	[tilespmem:$0x18800] =	vst v63  }
0x96: {  	s9 =	simm.s32 $0x7800  }
0x97: {  	[tilespmem:s9], [sflag:$0x2] =	stream.indirect_vreg.gather [hbm4b:s5+s3], $0x80, v3, vm0, $0xb8;
	[tilespmem:$0x18800] =	vst v63  }
0x98: {  	s15 =	simm.s32 $0x8000  }
0x99: {  	[tilespmem:s15], [sflag:$0x2] =	stream.indirect_vreg.gather [hbm4b:s6+s3], $0x80, v3, vm0, $0xb8;
	[tilespmem:$0x18800] =	vst v63  }
0x9a: {  	_ =	swait.ge [sflag:s8], $0x20  }
0x9b: {  	[sflag:s8] =	ssyncset.done $0x0  }
0x9c: {  	[sflag:s8] =	ssyncadd.s32 $0xFFFFFFE0  }
0x9d: {  	v3 =	vld [tilespmem:$0x80];
	_ =	sdelay $0x4  }
0x9e: {  	v34 =	vshll.u32 v3, $0x3  }
0x9f: {  	v3 =	vand.u32 $0x7, v3;
	v4 =	vand.u32 $0xFFFFFFC0, v34  }
0xa0: {  	v3 =	vor.u32 v3, v4  }
0xa1: {  	v4 =	vperm.xlane v3, v0;
	_ =	sdelay $0x1  }
0xa2: {  	v4 =	vadd.s32 v1, v4;
	_ =	sdelay $0x3  }
0xa3: {  	s16 =	simm.s32 $0x8800  }
0xa4: {  	[tilespmem:s16], [sflag:$0x2] =	stream.indirect_vreg.gather [hbm4b:s2+s3], $0x80, v4, vm0, $0xb8;
	[tilespmem:$0x18800] =	vst v63  }
0xa5: {  	s17 =	simm.s32 $0x9000;
	v3 =	vperm.xlane v3, v2  }
0xa6: {  	[tilespmem:s17], [sflag:$0x2] =	stream.indirect_vreg.gather [hbm4b:s4+s3], $0x80, v4, vm0, $0xb8;
	[tilespmem:$0x18800] =	vst v63  }
0xa7: {  	s18 =	simm.s32 $0x9800;
	v3 =	vadd.s32 v1, v3  }
0xa8: {  	[tilespmem:s18], [sflag:$0x2] =	stream.indirect_vreg.gather [hbm4b:s5+s3], $0x80, v4, vm0, $0xb8;
	[tilespmem:$0x18800] =	vst v63  }
0xa9: {  	s19 =	simm.s32 $0xA000  }
0xaa: {  	[tilespmem:s19], [sflag:$0x2] =	stream.indirect_vreg.gather [hbm4b:s6+s3], $0x80, v4, vm0, $0xb8;
	[tilespmem:$0x18800] =	vst v63  }
0xab: {  	s20 =	simm.s32 $0xA800  }
0xac: {  	[tilespmem:s20], [sflag:$0x2] =	stream.indirect_vreg.gather [hbm4b:s2+s3], $0x80, v3, vm0, $0xb8;
	[tilespmem:$0x18800] =	vst v63  }
0xad: {  	s21 =	simm.s32 $0xB000  }
0xae: {  	[tilespmem:s21], [sflag:$0x2] =	stream.indirect_vreg.gather [hbm4b:s4+s3], $0x80, v3, vm0, $0xb8;
	[tilespmem:$0x18800] =	vst v63  }
0xaf: {  	s22 =	simm.s32 $0xB800  }
0xb0: {  	[tilespmem:s22], [sflag:$0x2] =	stream.indirect_vreg.gather [hbm4b:s5+s3], $0x80, v3, vm0, $0xb8;
	[tilespmem:$0x18800] =	vst v63  }
0xb1: {  	s23 =	simm.s32 $0xC000  }
0xb2: {  	[tilespmem:s23], [sflag:$0x2] =	stream.indirect_vreg.gather [hbm4b:s6+s3], $0x80, v3, vm0, $0xb8;
	[tilespmem:$0x18800] =	vst v63  }
0xb3: {  	v3 =	vld [tilespmem:$0x90];
	_ =	sdelay $0x4  }
0xb4: {  	v35 =	vshll.u32 v3, $0x3  }
0xb5: {  	v3 =	vand.u32 $0x7, v3;
	v4 =	vand.u32 $0xFFFFFFC0, v35  }
0xb6: {  	v3 =	vor.u32 v3, v4  }
0xb7: {  	v4 =	vperm.xlane v3, v0;
	_ =	sdelay $0x1  }
0xb8: {  	v4 =	vadd.s32 v1, v4;
	_ =	sdelay $0x3  }
0xb9: {  	s24 =	simm.s32 $0xC800  }
0xba: {  	[tilespmem:s24], [sflag:$0x2] =	stream.indirect_vreg.gather [hbm4b:s2+s3], $0x80, v4, vm0, $0xb8;
	[tilespmem:$0x18800] =	vst v63  }
0xbb: {  	s25 =	simm.s32 $0xD000;
	v3 =	vperm.xlane v3, v2  }
0xbc: {  	[tilespmem:s25], [sflag:$0x2] =	stream.indirect_vreg.gather [hbm4b:s4+s3], $0x80, v4, vm0, $0xb8;
	[tilespmem:$0x18800] =	vst v63  }
0xbd: {  	s26 =	simm.s32 $0xD800;
	v3 =	vadd.s32 v1, v3  }
0xbe: {  	[tilespmem:s26], [sflag:$0x2] =	stream.indirect_vreg.gather [hbm4b:s5+s3], $0x80, v4, vm0, $0xb8;
	[tilespmem:$0x18800] =	vst v63  }
0xbf: {  	s28 =	simm.s32 $0xE000  }
0xc0: {  	[tilespmem:s28], [sflag:$0x2] =	stream.indirect_vreg.gather [hbm4b:s6+s3], $0x80, v4, vm0, $0xb8;
	[tilespmem:$0x18800] =	vst v63  }
0xc1: {  	s29 =	simm.s32 $0xE800  }
0xc2: {  	[tilespmem:s29], [sflag:$0x2] =	stream.indirect_vreg.gather [hbm4b:s2+s3], $0x80, v3, vm0, $0xb8;
	[tilespmem:$0x18800] =	vst v63  }
0xc3: {  	s30 =	simm.s32 $0xF000  }
0xc4: {  	[tilespmem:s30], [sflag:$0x2] =	stream.indirect_vreg.gather [hbm4b:s4+s3], $0x80, v3, vm0, $0xb8;
	[tilespmem:$0x18800] =	vst v63  }
0xc5: {  	s9 =	simm.s32 $0xF800  }
0xc6: {  	[tilespmem:s9], [sflag:$0x2] =	stream.indirect_vreg.gather [hbm4b:s5+s3], $0x80, v3, vm0, $0xb8;
	[tilespmem:$0x18800] =	vst v63  }
0xc7: {  	s15 =	simm.s32 $0x10000  }
0xc8: {  	[tilespmem:s15], [sflag:$0x2] =	stream.indirect_vreg.gather [hbm4b:s6+s3], $0x80, v3, vm0, $0xb8;
	[tilespmem:$0x18800] =	vst v63  }
0xc9: {  	_ =	swait.ge [sflag:s8], $0x20  }
0xca: {  	[sflag:s8] =	ssyncset.done $0x0  }
0xcb: {  	[sflag:s8] =	ssyncadd.s32 $0xFFFFFFE0  }
0xcc: {  	v3 =	vld [tilespmem:$0x100];
	_ =	sdelay $0x4  }
0xcd: {  	v36 =	vshll.u32 v3, $0x3  }
0xce: {  	v3 =	vand.u32 $0x7, v3;
	v4 =	vand.u32 $0xFFFFFFC0, v36  }
0xcf: {  	v3 =	vor.u32 v3, v4  }
0xd0: {  	v4 =	vperm.xlane v3, v0;
	_ =	sdelay $0x1  }
0xd1: {  	v4 =	vadd.s32 v1, v4;
	_ =	sdelay $0x3  }
0xd2: {  	s16 =	simm.s32 $0x10800  }
0xd3: {  	[tilespmem:s16], [sflag:$0x2] =	stream.indirect_vreg.gather [hbm4b:s2+s3], $0x80, v4, vm0, $0xb8;
	[tilespmem:$0x18800] =	vst v63  }
0xd4: {  	s15 =	simm.s32 $0x11000;
	v3 =	vperm.xlane v3, v2  }
0xd5: {  	[tilespmem:s15], [sflag:$0x2] =	stream.indirect_vreg.gather [hbm4b:s4+s3], $0x80, v4, vm0, $0xb8;
	[tilespmem:$0x18800] =	vst v63  }
0xd6: {  	s21 =	simm.s32 $0x11800;
	v3 =	vadd.s32 v1, v3  }
0xd7: {  	[tilespmem:s21], [sflag:$0x2] =	stream.indirect_vreg.gather [hbm4b:s5+s3], $0x80, v4, vm0, $0xb8;
	[tilespmem:$0x18800] =	vst v63  }
0xd8: {  	s22 =	simm.s32 $0x12000  }
0xd9: {  	[tilespmem:s22], [sflag:$0x2] =	stream.indirect_vreg.gather [hbm4b:s6+s3], $0x80, v4, vm0, $0xb8;
	[tilespmem:$0x18800] =	vst v63  }
0xda: {  	s23 =	simm.s32 $0x12800  }
0xdb: {  	[tilespmem:s23], [sflag:$0x2] =	stream.indirect_vreg.gather [hbm4b:s2+s3], $0x80, v3, vm0, $0xb8;
	[tilespmem:$0x18800] =	vst v63  }
0xdc: {  	s24 =	simm.s32 $0x13000  }
0xdd: {  	[tilespmem:s24], [sflag:$0x2] =	stream.indirect_vreg.gather [hbm4b:s4+s3], $0x80, v3, vm0, $0xb8;
	[tilespmem:$0x18800] =	vst v63  }
0xde: {  	s25 =	simm.s32 $0x13800  }
0xdf: {  	[tilespmem:s25], [sflag:$0x2] =	stream.indirect_vreg.gather [hbm4b:s5+s3], $0x80, v3, vm0, $0xb8;
	[tilespmem:$0x18800] =	vst v63  }
0xe0: {  	s26 =	simm.s32 $0x14000  }
0xe1: {  	[tilespmem:s26], [sflag:$0x2] =	stream.indirect_vreg.gather [hbm4b:s6+s3], $0x80, v3, vm0, $0xb8;
	[tilespmem:$0x18800] =	vst v63  }
0xe2: {  	v3 =	vld [tilespmem:$0x110];
	_ =	sdelay $0x4  }
0xe3: {  	v37 =	vshll.u32 v3, $0x3  }
0xe4: {  	v3 =	vand.u32 $0x7, v3;
	v4 =	vand.u32 $0xFFFFFFC0, v37  }
0xe5: {  	v3 =	vor.u32 v3, v4  }
0xe6: {  	v4 =	vperm.xlane v3, v0;
	_ =	sdelay $0x1  }
0xe7: {  	v4 =	vadd.s32 v1, v4;
	_ =	sdelay $0x3  }
0xe8: {  	s28 =	simm.s32 $0x14800  }
0xe9: {  	[tilespmem:s28], [sflag:$0x2] =	stream.indirect_vreg.gather [hbm4b:s2+s3], $0x80, v4, vm0, $0xb8;
	[tilespmem:$0x18800] =	vst v63  }
0xea: {  	s29 =	simm.s32 $0x15000;
	v3 =	vperm.xlane v3, v2  }
0xeb: {  	[tilespmem:s29], [sflag:$0x2] =	stream.indirect_vreg.gather [hbm4b:s4+s3], $0x80, v4, vm0, $0xb8;
	[tilespmem:$0x18800] =	vst v63  }
0xec: {  	s30 =	simm.s32 $0x15800;
	v3 =	vadd.s32 v1, v3  }
0xed: {  	[tilespmem:s30], [sflag:$0x2] =	stream.indirect_vreg.gather [hbm4b:s5+s3], $0x80, v4, vm0, $0xb8;
	[tilespmem:$0x18800] =	vst v63  }
0xee: {  	s7 =	simm.s32 $0x16000  }
0xef: {  	[tilespmem:s7], [sflag:$0x2] =	stream.indirect_vreg.gather [hbm4b:s6+s3], $0x80, v4, vm0, $0xb8;
	[tilespmem:$0x18800] =	vst v63  }
0xf0: {  	s9 =	simm.s32 $0x16800  }
0xf1: {  	[tilespmem:s9], [sflag:$0x2] =	stream.indirect_vreg.gather [hbm4b:s2+s3], $0x80, v3, vm0, $0xb8;
	[tilespmem:$0x18800] =	vst v63  }
0xf2: {  	s16 =	simm.s32 $0x17000  }
0xf3: {  	[tilespmem:s16], [sflag:$0x2] =	stream.indirect_vreg.gather [hbm4b:s4+s3], $0x80, v3, vm0, $0xb8;
	[tilespmem:$0x18800] =	vst v63  }
0xf4: {  	s22 =	simm.s32 $0x17800  }
0xf5: {  	[tilespmem:s22], [sflag:$0x2] =	stream.indirect_vreg.gather [hbm4b:s5+s3], $0x80, v3, vm0, $0xb8;
	[tilespmem:$0x18800] =	vst v63  }
0xf6: {  	s23 =	simm.s32 $0x18000  }
0xf7: {  	[tilespmem:s23], [sflag:$0x2] =	stream.indirect_vreg.gather [hbm4b:s6+s3], $0x80, v3, vm0, $0xb8;
	[tilespmem:$0x18800] =	vst v63  }
0xf8: {  	_ =	swait.ge [sflag:s1], $0x8000  }
0xf9: {  	[sflag:s1] =	ssyncset.done $0x0  }
0xfa: {  	s25 =	simm.s32 $0x800;
	s24 =	rddreg [dreg:$0x14];
	[sflag:s1] =	ssyncadd.s32 $0xFFFF8000  }
0xfb: {  	[hbm4b:s24+s3] =	stream.linear.scatter [tilespmem:s25], [sflag:$0x3], $0x8000, $0x38;
	[tilespmem:$0x18800] =	vst v63  }
0xfc: {  	_ =	swait.ge [sflag:s0], $0x8000  }
0xfd: {  	[sflag:s0] =	ssyncset.done $0x0  }
0xfe: {  	[sflag:s0] =	ssyncadd.s32 $0xFFFF8000  }
0xff: {  	_ =	swait.ge [sflag:s8], $0x20  }
0x100: {  	[sflag:s8] =	ssyncset.done $0x0  }
0x101: {  	[sflag:s8] =	ssyncadd.s32 $0xFFFFFFE0  }
0x102: {  	v3 =	vld [tilespmem:$0x180];
	_ =	sdelay $0x4  }
0x103: {  	v38 =	vshll.u32 v3, $0x3  }
0x104: {  	v3 =	vand.u32 $0x7, v3;
	v4 =	vand.u32 $0xFFFFFFC0, v38  }
0x105: {  	v3 =	vor.u32 v3, v4  }
0x106: {  	v4 =	vperm.xlane v3, v0;
	_ =	sdelay $0x1  }
0x107: {  	v4 =	vadd.s32 v1, v4;
	_ =	sdelay $0x4  }
0x108: {  	[tilespmem:s25], [sflag:$0x2] =	stream.indirect_vreg.gather [hbm4b:s2+s3], $0x80, v4, vm0, $0xb8;
	[tilespmem:$0x18800] =	vst v63  }
0x109: {  	s11 =	simm.s32 $0x1000;
	v3 =	vperm.xlane v3, v2  }
0x10a: {  	[tilespmem:s11], [sflag:$0x2] =	stream.indirect_vreg.gather [hbm4b:s4+s3], $0x80, v4, vm0, $0xb8;
	[tilespmem:$0x18800] =	vst v63  }
0x10b: {  	v3 =	vadd.s32 v1, v3;
	s25 =	simm.s32 $0x1800  }
0x10c: {  	[tilespmem:s25], [sflag:$0x2] =	stream.indirect_vreg.gather [hbm4b:s5+s3], $0x80, v4, vm0, $0xb8;
	[tilespmem:$0x18800] =	vst v63  }
0x10d: {  	s22 =	simm.s32 $0x2000  }
0x10e: {  	[tilespmem:s22], [sflag:$0x2] =	stream.indirect_vreg.gather [hbm4b:s6+s3], $0x80, v4, vm0, $0xb8;
	[tilespmem:$0x18800] =	vst v63  }
0x10f: {  	s23 =	simm.s32 $0x2800  }
0x110: {  	[tilespmem:s23], [sflag:$0x2] =	stream.indirect_vreg.gather [hbm4b:s2+s3], $0x80, v3, vm0, $0xb8;
	[tilespmem:$0x18800] =	vst v63  }
0x111: {  	s24 =	simm.s32 $0x3000  }
0x112: {  	[tilespmem:s24], [sflag:$0x2] =	stream.indirect_vreg.gather [hbm4b:s4+s3], $0x80, v3, vm0, $0xb8;
	[tilespmem:$0x18800] =	vst v63  }
0x113: {  	s11 =	simm.s32 $0x3800  }
0x114: {  	[tilespmem:s11], [sflag:$0x2] =	stream.indirect_vreg.gather [hbm4b:s5+s3], $0x80, v3, vm0, $0xb8;
	[tilespmem:$0x18800] =	vst v63  }
0x115: {  	s12 =	simm.s32 $0x4000  }
0x116: {  	[tilespmem:s12], [sflag:$0x2] =	stream.indirect_vreg.gather [hbm4b:s6+s3], $0x80, v3, vm0, $0xb8;
	[tilespmem:$0x18800] =	vst v63  }
0x117: {  	v3 =	vld [tilespmem:$0x190];
	_ =	sdelay $0x4  }
0x118: {  	v39 =	vshll.u32 v3, $0x3  }
0x119: {  	v3 =	vand.u32 $0x7, v3;
	v4 =	vand.u32 $0xFFFFFFC0, v39  }
0x11a: {  	v3 =	vor.u32 v3, v4  }
0x11b: {  	v4 =	vperm.xlane v3, v0;
	_ =	sdelay $0x1  }
0x11c: {  	v4 =	vadd.s32 v1, v4;
	_ =	sdelay $0x3  }
0x11d: {  	s13 =	simm.s32 $0x4800  }
0x11e: {  	[tilespmem:s13], [sflag:$0x2] =	stream.indirect_vreg.gather [hbm4b:s2+s3], $0x80, v4, vm0, $0xb8;
	[tilespmem:$0x18800] =	vst v63  }
0x11f: {  	s14 =	simm.s32 $0x5000;
	v3 =	vperm.xlane v3, v2  }
0x120: {  	[tilespmem:s14], [sflag:$0x2] =	stream.indirect_vreg.gather [hbm4b:s4+s3], $0x80, v4, vm0, $0xb8;
	[tilespmem:$0x18800] =	vst v63  }
0x121: {  	s12 =	simm.s32 $0x5800;
	v3 =	vadd.s32 v1, v3  }
0x122: {  	[tilespmem:s12], [sflag:$0x2] =	stream.indirect_vreg.gather [hbm4b:s5+s3], $0x80, v4, vm0, $0xb8;
	[tilespmem:$0x18800] =	vst v63  }
0x123: {  	s9 =	simm.s32 $0x6000  }
0x124: {  	[tilespmem:s9], [sflag:$0x2] =	stream.indirect_vreg.gather [hbm4b:s6+s3], $0x80, v4, vm0, $0xb8;
	[tilespmem:$0x18800] =	vst v63  }
0x125: {  	s14 =	simm.s32 $0x6800  }
0x126: {  	[tilespmem:s14], [sflag:$0x2] =	stream.indirect_vreg.gather [hbm4b:s2+s3], $0x80, v3, vm0, $0xb8;
	[tilespmem:$0x18800] =	vst v63  }
0x127: {  	s15 =	simm.s32 $0x7000  }
0x128: {  	[tilespmem:s15], [sflag:$0x2] =	stream.indirect_vreg.gather [hbm4b:s4+s3], $0x80, v3, vm0, $0xb8;
	[tilespmem:$0x18800] =	vst v63  }
0x129: {  	s16 =	simm.s32 $0x7800  }
0x12a: {  	[tilespmem:s16], [sflag:$0x2] =	stream.indirect_vreg.gather [hbm4b:s5+s3], $0x80, v3, vm0, $0xb8;
	[tilespmem:$0x18800] =	vst v63  }
0x12b: {  	s10 =	simm.s32 $0x8000  }
0x12c: {  	[tilespmem:s10], [sflag:$0x2] =	stream.indirect_vreg.gather [hbm4b:s6+s3], $0x80, v3, vm0, $0xb8;
	[tilespmem:$0x18800] =	vst v63  }
0x12d: {  	_ =	swait.ge [sflag:s1], $0x8000  }
0x12e: {  	[sflag:s1] =	ssyncset.done $0x0  }
0x12f: {  	s10 =	simm.s32 $0x8800;
	s7 =	rddreg [dreg:$0x15];
	[sflag:s1] =	ssyncadd.s32 $0xFFFF8000  }
0x130: {  	[hbm4b:s7+s3] =	stream.linear.scatter [tilespmem:s10], [sflag:$0x3], $0x8000, $0x38;
	[tilespmem:$0x18800] =	vst v63  }
0x131: {  	_ =	swait.ge [sflag:s0], $0x8000  }
0x132: {  	[sflag:s0] =	ssyncset.done $0x0  }
0x133: {  	[sflag:s0] =	ssyncadd.s32 $0xFFFF8000  }
0x134: {  	_ =	swait.ge [sflag:s8], $0x20  }
0x135: {  	[sflag:s8] =	ssyncset.done $0x0  }
0x136: {  	[sflag:s8] =	ssyncadd.s32 $0xFFFFFFE0  }
0x137: {  	v3 =	vld [tilespmem:$0x200];
	_ =	sdelay $0x4  }
0x138: {  	v40 =	vshll.u32 v3, $0x3  }
0x139: {  	v3 =	vand.u32 $0x7, v3;
	v4 =	vand.u32 $0xFFFFFFC0, v40  }
0x13a: {  	v3 =	vor.u32 v3, v4  }
0x13b: {  	v4 =	vperm.xlane v3, v0;
	_ =	sdelay $0x1  }
0x13c: {  	v4 =	vadd.s32 v1, v4;
	_ =	sdelay $0x4  }
0x13d: {  	[tilespmem:s10], [sflag:$0x2] =	stream.indirect_vreg.gather [hbm4b:s2+s3], $0x80, v4, vm0, $0xb8;
	[tilespmem:$0x18800] =	vst v63  }
0x13e: {  	s13 =	simm.s32 $0x9000;
	v3 =	vperm.xlane v3, v2  }
0x13f: {  	[tilespmem:s13], [sflag:$0x2] =	stream.indirect_vreg.gather [hbm4b:s4+s3], $0x80, v4, vm0, $0xb8;
	[tilespmem:$0x18800] =	vst v63  }
0x140: {  	s17 =	simm.s32 $0x9800;
	v3 =	vadd.s32 v1, v3  }
0x141: {  	[tilespmem:s17], [sflag:$0x2] =	stream.indirect_vreg.gather [hbm4b:s5+s3], $0x80, v4, vm0, $0xb8;
	[tilespmem:$0x18800] =	vst v63  }
0x142: {  	s18 =	simm.s32 $0xA000  }
0x143: {  	[tilespmem:s18], [sflag:$0x2] =	stream.indirect_vreg.gather [hbm4b:s6+s3], $0x80, v4, vm0, $0xb8;
	[tilespmem:$0x18800] =	vst v63  }
0x144: {  	s19 =	simm.s32 $0xA800  }
0x145: {  	[tilespmem:s19], [sflag:$0x2] =	stream.indirect_vreg.gather [hbm4b:s2+s3], $0x80, v3, vm0, $0xb8;
	[tilespmem:$0x18800] =	vst v63  }
0x146: {  	s20 =	simm.s32 $0xB000  }
0x147: {  	[tilespmem:s20], [sflag:$0x2] =	stream.indirect_vreg.gather [hbm4b:s4+s3], $0x80, v3, vm0, $0xb8;
	[tilespmem:$0x18800] =	vst v63  }
0x148: {  	s31 =	simm.s32 $0xB800  }
0x149: {  	[tilespmem:s31], [sflag:$0x2] =	stream.indirect_vreg.gather [hbm4b:s5+s3], $0x80, v3, vm0, $0xb8;
	[tilespmem:$0x18800] =	vst v63  }
0x14a: {  	s10 =	simm.s32 $0xC000  }
0x14b: {  	[tilespmem:s10], [sflag:$0x2] =	stream.indirect_vreg.gather [hbm4b:s6+s3], $0x80, v3, vm0, $0xb8;
	[tilespmem:$0x18800] =	vst v63  }
0x14c: {  	v3 =	vld [tilespmem:$0x210];
	_ =	sdelay $0x4  }
0x14d: {  	v41 =	vshll.u32 v3, $0x3  }
0x14e: {  	v3 =	vand.u32 $0x7, v3;
	v4 =	vand.u32 $0xFFFFFFC0, v41  }
0x14f: {  	v3 =	vor.u32 v3, v4  }
0x150: {  	v4 =	vperm.xlane v3, v0;
	_ =	sdelay $0x1  }
0x151: {  	v4 =	vadd.s32 v1, v4;
	_ =	sdelay $0x3  }
0x152: {  	s17 =	simm.s32 $0xC800  }
0x153: {  	[tilespmem:s17], [sflag:$0x2] =	stream.indirect_vreg.gather [hbm4b:s2+s3], $0x80, v4, vm0, $0xb8;
	[tilespmem:$0x18800] =	vst v63  }
0x154: {  	s18 =	simm.s32 $0xD000;
	v3 =	vperm.xlane v3, v2  }
0x155: {  	[tilespmem:s18], [sflag:$0x2] =	stream.indirect_vreg.gather [hbm4b:s4+s3], $0x80, v4, vm0, $0xb8;
	[tilespmem:$0x18800] =	vst v63  }
0x156: {  	s19 =	simm.s32 $0xD800;
	v3 =	vadd.s32 v1, v3  }
0x157: {  	[tilespmem:s19], [sflag:$0x2] =	stream.indirect_vreg.gather [hbm4b:s5+s3], $0x80, v4, vm0, $0xb8;
	[tilespmem:$0x18800] =	vst v63  }
0x158: {  	s20 =	simm.s32 $0xE000  }
0x159: {  	[tilespmem:s20], [sflag:$0x2] =	stream.indirect_vreg.gather [hbm4b:s6+s3], $0x80, v4, vm0, $0xb8;
	[tilespmem:$0x18800] =	vst v63  }
0x15a: {  	s26 =	simm.s32 $0xE800  }
0x15b: {  	[tilespmem:s26], [sflag:$0x2] =	stream.indirect_vreg.gather [hbm4b:s2+s3], $0x80, v3, vm0, $0xb8;
	[tilespmem:$0x18800] =	vst v63  }
0x15c: {  	s31 =	simm.s32 $0xF000  }
0x15d: {  	[tilespmem:s31], [sflag:$0x2] =	stream.indirect_vreg.gather [hbm4b:s4+s3], $0x80, v3, vm0, $0xb8;
	[tilespmem:$0x18800] =	vst v63  }
0x15e: {  	s13 =	simm.s32 $0xF800  }
0x15f: {  	[tilespmem:s13], [sflag:$0x2] =	stream.indirect_vreg.gather [hbm4b:s5+s3], $0x80, v3, vm0, $0xb8;
	[tilespmem:$0x18800] =	vst v63  }
0x160: {  	s17 =	simm.s32 $0x10000  }
0x161: {  	[tilespmem:s17], [sflag:$0x2] =	stream.indirect_vreg.gather [hbm4b:s6+s3], $0x80, v3, vm0, $0xb8;
	[tilespmem:$0x18800] =	vst v63  }
0x162: {  	_ =	swait.ge [sflag:s1], $0x8000  }
0x163: {  	[sflag:s1] =	ssyncset.done $0x0  }
0x164: {  	s19 =	simm.s32 $0x10800;
	s18 =	rddreg [dreg:$0x16];
	[sflag:s1] =	ssyncadd.s32 $0xFFFF8000  }
0x165: {  	[hbm4b:s18+s3] =	stream.linear.scatter [tilespmem:s19], [sflag:$0x3], $0x8000, $0x38;
	[tilespmem:$0x18800] =	vst v63  }
0x166: {  	_ =	swait.ge [sflag:s0], $0x8000  }
0x167: {  	[sflag:s0] =	ssyncset.done $0x0  }
0x168: {  	[sflag:s0] =	ssyncadd.s32 $0xFFFF8000  }
0x169: {  	_ =	swait.ge [sflag:s8], $0x20  }
0x16a: {  	[sflag:s8] =	ssyncset.done $0x0  }
0x16b: {  	[sflag:s8] =	ssyncadd.s32 $0xFFFFFFE0  }
0x16c: {  	v3 =	vld [tilespmem:$0x280];
	_ =	sdelay $0x4  }
0x16d: {  	v42 =	vshll.u32 v3, $0x3  }
0x16e: {  	v3 =	vand.u32 $0x7, v3;
	v4 =	vand.u32 $0xFFFFFFC0, v42  }
0x16f: {  	v3 =	vor.u32 v3, v4  }
0x170: {  	v4 =	vperm.xlane v3, v0;
	_ =	sdelay $0x1  }
0x171: {  	v4 =	vadd.s32 v1, v4;
	_ =	sdelay $0x4  }
0x172: {  	[tilespmem:s19], [sflag:$0x2] =	stream.indirect_vreg.gather [hbm4b:s2+s3], $0x80, v4, vm0, $0xb8;
	[tilespmem:$0x18800] =	vst v63  }
0x173: {  	s20 =	simm.s32 $0x11000;
	v3 =	vperm.xlane v3, v2  }
0x174: {  	[tilespmem:s20], [sflag:$0x2] =	stream.indirect_vreg.gather [hbm4b:s4+s3], $0x80, v4, vm0, $0xb8;
	[tilespmem:$0x18800] =	vst v63  }
0x175: {  	s26 =	simm.s32 $0x11800;
	v3 =	vadd.s32 v1, v3  }
0x176: {  	[tilespmem:s26], [sflag:$0x2] =	stream.indirect_vreg.gather [hbm4b:s5+s3], $0x80, v4, vm0, $0xb8;
	[tilespmem:$0x18800] =	vst v63  }
0x177: {  	s17 =	simm.s32 $0x12000  }
0x178: {  	[tilespmem:s17], [sflag:$0x2] =	stream.indirect_vreg.gather [hbm4b:s6+s3], $0x80, v4, vm0, $0xb8;
	[tilespmem:$0x18800] =	vst v63  }
0x179: {  	s18 =	simm.s32 $0x12800  }
0x17a: {  	[tilespmem:s18], [sflag:$0x2] =	stream.indirect_vreg.gather [hbm4b:s2+s3], $0x80, v3, vm0, $0xb8;
	[tilespmem:$0x18800] =	vst v63  }
0x17b: {  	s19 =	simm.s32 $0x13000  }
0x17c: {  	[tilespmem:s19], [sflag:$0x2] =	stream.indirect_vreg.gather [hbm4b:s4+s3], $0x80, v3, vm0, $0xb8;
	[tilespmem:$0x18800] =	vst v63  }
0x17d: {  	s20 =	simm.s32 $0x13800  }
0x17e: {  	[tilespmem:s20], [sflag:$0x2] =	stream.indirect_vreg.gather [hbm4b:s5+s3], $0x80, v3, vm0, $0xb8;
	[tilespmem:$0x18800] =	vst v63  }
0x17f: {  	s21 =	simm.s32 $0x14000  }
0x180: {  	[tilespmem:s21], [sflag:$0x2] =	stream.indirect_vreg.gather [hbm4b:s6+s3], $0x80, v3, vm0, $0xb8;
	[tilespmem:$0x18800] =	vst v63  }
0x181: {  	v3 =	vld [tilespmem:$0x290];
	_ =	sdelay $0x4  }
0x182: {  	v43 =	vshll.u32 v3, $0x3  }
0x183: {  	v3 =	vand.u32 $0x7, v3;
	v4 =	vand.u32 $0xFFFFFFC0, v43  }
0x184: {  	v3 =	vor.u32 v3, v4  }
0x185: {  	v4 =	vperm.xlane v3, v0;
	_ =	sdelay $0x1  }
0x186: {  	v4 =	vadd.s32 v1, v4;
	_ =	sdelay $0x3  }
0x187: {  	s28 =	simm.s32 $0x14800  }
0x188: {  	[tilespmem:s28], [sflag:$0x2] =	stream.indirect_vreg.gather [hbm4b:s2+s3], $0x80, v4, vm0, $0xb8;
	[tilespmem:$0x18800] =	vst v63  }
0x189: {  	s29 =	simm.s32 $0x15000;
	v3 =	vperm.xlane v3, v2  }
0x18a: {  	[tilespmem:s29], [sflag:$0x2] =	stream.indirect_vreg.gather [hbm4b:s4+s3], $0x80, v4, vm0, $0xb8;
	[tilespmem:$0x18800] =	vst v63  }
0x18b: {  	s21 =	simm.s32 $0x15800;
	v3 =	vadd.s32 v1, v3  }
0x18c: {  	[tilespmem:s21], [sflag:$0x2] =	stream.indirect_vreg.gather [hbm4b:s5+s3], $0x80, v4, vm0, $0xb8;
	[tilespmem:$0x18800] =	vst v63  }
0x18d: {  	s28 =	simm.s32 $0x16000  }
0x18e: {  	[tilespmem:s28], [sflag:$0x2] =	stream.indirect_vreg.gather [hbm4b:s6+s3], $0x80, v4, vm0, $0xb8;
	[tilespmem:$0x18800] =	vst v63  }
0x18f: {  	s31 =	simm.s32 $0x16800  }
0x190: {  	[tilespmem:s31], [sflag:$0x2] =	stream.indirect_vreg.gather [hbm4b:s2+s3], $0x80, v3, vm0, $0xb8;
	[tilespmem:$0x18800] =	vst v63  }
0x191: {  	s29 =	simm.s32 $0x17000  }
0x192: {  	[tilespmem:s29], [sflag:$0x2] =	stream.indirect_vreg.gather [hbm4b:s4+s3], $0x80, v3, vm0, $0xb8;
	[tilespmem:$0x18800] =	vst v63  }
0x193: {  	s29 =	simm.s32 $0x17800  }
0x194: {  	[tilespmem:s29], [sflag:$0x2] =	stream.indirect_vreg.gather [hbm4b:s5+s3], $0x80, v3, vm0, $0xb8;
	[tilespmem:$0x18800] =	vst v63  }
0x195: {  	s30 =	simm.s32 $0x18000  }
0x196: {  	[tilespmem:s30], [sflag:$0x2] =	stream.indirect_vreg.gather [hbm4b:s6+s3], $0x80, v3, vm0, $0xb8;
	[tilespmem:$0x18800] =	vst v63  }
0x197: {  	_ =	swait.ge [sflag:s1], $0x8000  }
0x198: {  	[sflag:s1] =	ssyncset.done $0x0  }
0x199: {  	s30 =	simm.s32 $0x800;
	s13 =	rddreg [dreg:$0x17];
	[sflag:s1] =	ssyncadd.s32 $0xFFFF8000  }
0x19a: {  	[hbm4b:s13+s3] =	stream.linear.scatter [tilespmem:s30], [sflag:$0x3], $0x8000, $0x38;
	[tilespmem:$0x18800] =	vst v63  }
0x19b: {  	_ =	swait.ge [sflag:s0], $0x8000  }
0x19c: {  	[sflag:s0] =	ssyncset.done $0x0  }
0x19d: {  	[sflag:s0] =	ssyncadd.s32 $0xFFFF8000  }
0x19e: {  	_ =	swait.ge [sflag:s8], $0x20  }
0x19f: {  	[sflag:s8] =	ssyncset.done $0x0  }
0x1a0: {  	[sflag:s8] =	ssyncadd.s32 $0xFFFFFFE0  }
0x1a1: {  	v3 =	vld [tilespmem:$0x300];
	_ =	sdelay $0x4  }
0x1a2: {  	v44 =	vshll.u32 v3, $0x3  }
0x1a3: {  	v3 =	vand.u32 $0x7, v3;
	v4 =	vand.u32 $0xFFFFFFC0, v44  }
0x1a4: {  	v3 =	vor.u32 v3, v4  }
0x1a5: {  	v4 =	vperm.xlane v3, v0;
	_ =	sdelay $0x1  }
0x1a6: {  	v4 =	vadd.s32 v1, v4;
	_ =	sdelay $0x4  }
0x1a7: {  	[tilespmem:s30], [sflag:$0x2] =	stream.indirect_vreg.gather [hbm4b:s2+s3], $0x80, v4, vm0, $0xb8;
	[tilespmem:$0x18800] =	vst v63  }
0x1a8: {  	v3 =	vperm.xlane v3, v2;
	s30 =	simm.s32 $0x1000  }
0x1a9: {  	[tilespmem:s30], [sflag:$0x2] =	stream.indirect_vreg.gather [hbm4b:s4+s3], $0x80, v4, vm0, $0xb8;
	[tilespmem:$0x18800] =	vst v63  }
0x1aa: {  	v3 =	vadd.s32 v1, v3  }
0x1ab: {  	[tilespmem:s25], [sflag:$0x2] =	stream.indirect_vreg.gather [hbm4b:s5+s3], $0x80, v4, vm0, $0xb8;
	[tilespmem:$0x18800] =	vst v63  }
0x1ac: {  	_ = 	snop  }
0x1ad: {  	[tilespmem:s22], [sflag:$0x2] =	stream.indirect_vreg.gather [hbm4b:s6+s3], $0x80, v4, vm0, $0xb8;
	[tilespmem:$0x18800] =	vst v63  }
0x1ae: {  	_ = 	snop  }
0x1af: {  	[tilespmem:s23], [sflag:$0x2] =	stream.indirect_vreg.gather [hbm4b:s2+s3], $0x80, v3, vm0, $0xb8;
	[tilespmem:$0x18800] =	vst v63  }
0x1b0: {  	_ = 	snop  }
0x1b1: {  	[tilespmem:s24], [sflag:$0x2] =	stream.indirect_vreg.gather [hbm4b:s4+s3], $0x80, v3, vm0, $0xb8;
	[tilespmem:$0x18800] =	vst v63  }
0x1b2: {  	_ = 	snop  }
0x1b3: {  	[tilespmem:s11], [sflag:$0x2] =	stream.indirect_vreg.gather [hbm4b:s5+s3], $0x80, v3, vm0, $0xb8;
	[tilespmem:$0x18800] =	vst v63  }
0x1b4: {  	s13 =	simm.s32 $0x4000  }
0x1b5: {  	[tilespmem:s13], [sflag:$0x2] =	stream.indirect_vreg.gather [hbm4b:s6+s3], $0x80, v3, vm0, $0xb8;
	[tilespmem:$0x18800] =	vst v63  }
0x1b6: {  	v3 =	vld [tilespmem:$0x310];
	_ =	sdelay $0x4  }
0x1b7: {  	v45 =	vshll.u32 v3, $0x3  }
0x1b8: {  	v3 =	vand.u32 $0x7, v3;
	v4 =	vand.u32 $0xFFFFFFC0, v45  }
0x1b9: {  	v3 =	vor.u32 v3, v4  }
0x1ba: {  	v4 =	vperm.xlane v3, v0;
	_ =	sdelay $0x1  }
0x1bb: {  	v4 =	vadd.s32 v1, v4;
	_ =	sdelay $0x3  }
0x1bc: {  	s24 =	simm.s32 $0x4800  }
0x1bd: {  	[tilespmem:s24], [sflag:$0x2] =	stream.indirect_vreg.gather [hbm4b:s2+s3], $0x80, v4, vm0, $0xb8;
	[tilespmem:$0x18800] =	vst v63  }
0x1be: {  	s22 =	simm.s32 $0x5000;
	v3 =	vperm.xlane v3, v2  }
0x1bf: {  	[tilespmem:s22], [sflag:$0x2] =	stream.indirect_vreg.gather [hbm4b:s4+s3], $0x80, v4, vm0, $0xb8;
	[tilespmem:$0x18800] =	vst v63  }
0x1c0: {  	v3 =	vadd.s32 v1, v3  }
0x1c1: {  	[tilespmem:s12], [sflag:$0x2] =	stream.indirect_vreg.gather [hbm4b:s5+s3], $0x80, v4, vm0, $0xb8;
	[tilespmem:$0x18800] =	vst v63  }
0x1c2: {  	_ = 	snop  }
0x1c3: {  	[tilespmem:s9], [sflag:$0x2] =	stream.indirect_vreg.gather [hbm4b:s6+s3], $0x80, v4, vm0, $0xb8;
	[tilespmem:$0x18800] =	vst v63  }
0x1c4: {  	_ = 	snop  }
0x1c5: {  	[tilespmem:s14], [sflag:$0x2] =	stream.indirect_vreg.gather [hbm4b:s2+s3], $0x80, v3, vm0, $0xb8;
	[tilespmem:$0x18800] =	vst v63  }
0x1c6: {  	_ = 	snop  }
0x1c7: {  	[tilespmem:s15], [sflag:$0x2] =	stream.indirect_vreg.gather [hbm4b:s4+s3], $0x80, v3, vm0, $0xb8;
	[tilespmem:$0x18800] =	vst v63  }
0x1c8: {  	_ = 	snop  }
0x1c9: {  	[tilespmem:s16], [sflag:$0x2] =	stream.indirect_vreg.gather [hbm4b:s5+s3], $0x80, v3, vm0, $0xb8;
	[tilespmem:$0x18800] =	vst v63  }
0x1ca: {  	s9 =	simm.s32 $0x8000  }
0x1cb: {  	[tilespmem:s9], [sflag:$0x2] =	stream.indirect_vreg.gather [hbm4b:s6+s3], $0x80, v3, vm0, $0xb8;
	[tilespmem:$0x18800] =	vst v63  }
0x1cc: {  	_ =	swait.ge [sflag:s1], $0x8000  }
0x1cd: {  	[sflag:s1] =	ssyncset.done $0x0  }
0x1ce: {  	s11 =	simm.s32 $0x8800;
	s7 =	rddreg [dreg:$0x18];
	[sflag:s1] =	ssyncadd.s32 $0xFFFF8000  }
0x1cf: {  	[hbm4b:s7+s3] =	stream.linear.scatter [tilespmem:s11], [sflag:$0x3], $0x8000, $0x38;
	[tilespmem:$0x18800] =	vst v63  }
0x1d0: {  	_ =	swait.ge [sflag:s0], $0x8000  }
0x1d1: {  	[sflag:s0] =	ssyncset.done $0x0  }
0x1d2: {  	[sflag:s0] =	ssyncadd.s32 $0xFFFF8000  }
0x1d3: {  	_ =	swait.ge [sflag:s8], $0x20  }
0x1d4: {  	[sflag:s8] =	ssyncset.done $0x0  }
0x1d5: {  	[sflag:s8] =	ssyncadd.s32 $0xFFFFFFE0  }
0x1d6: {  	v3 =	vld [tilespmem:$0x380];
	_ =	sdelay $0x4  }
0x1d7: {  	v46 =	vshll.u32 v3, $0x3  }
0x1d8: {  	v3 =	vand.u32 $0x7, v3;
	v4 =	vand.u32 $0xFFFFFFC0, v46  }
0x1d9: {  	v3 =	vor.u32 v3, v4  }
0x1da: {  	v4 =	vperm.xlane v3, v0;
	_ =	sdelay $0x1  }
0x1db: {  	v4 =	vadd.s32 v1, v4;
	_ =	sdelay $0x4  }
0x1dc: {  	[tilespmem:s11], [sflag:$0x2] =	stream.indirect_vreg.gather [hbm4b:s2+s3], $0x80, v4, vm0, $0xb8;
	[tilespmem:$0x18800] =	vst v63  }
0x1dd: {  	s14 =	simm.s32 $0x9000;
	v3 =	vperm.xlane v3, v2  }
0x1de: {  	[tilespmem:s14], [sflag:$0x2] =	stream.indirect_vreg.gather [hbm4b:s4+s3], $0x80, v4, vm0, $0xb8;
	[tilespmem:$0x18800] =	vst v63  }
0x1df: {  	s25 =	simm.s32 $0x9800;
	v3 =	vadd.s32 v1, v3  }
0x1e0: {  	[tilespmem:s25], [sflag:$0x2] =	stream.indirect_vreg.gather [hbm4b:s5+s3], $0x80, v4, vm0, $0xb8;
	[tilespmem:$0x18800] =	vst v63  }
0x1e1: {  	s15 =	simm.s32 $0xA000  }
0x1e2: {  	[tilespmem:s15], [sflag:$0x2] =	stream.indirect_vreg.gather [hbm4b:s6+s3], $0x80, v4, vm0, $0xb8;
	[tilespmem:$0x18800] =	vst v63  }
0x1e3: {  	s16 =	simm.s32 $0xA800  }
0x1e4: {  	[tilespmem:s16], [sflag:$0x2] =	stream.indirect_vreg.gather [hbm4b:s2+s3], $0x80, v3, vm0, $0xb8;
	[tilespmem:$0x18800] =	vst v63  }
0x1e5: {  	s23 =	simm.s32 $0xB000  }
0x1e6: {  	[tilespmem:s23], [sflag:$0x2] =	stream.indirect_vreg.gather [hbm4b:s4+s3], $0x80, v3, vm0, $0xb8;
	[tilespmem:$0x18800] =	vst v63  }
0x1e7: {  	s26 =	simm.s32 $0xB800  }
0x1e8: {  	[tilespmem:s26], [sflag:$0x2] =	stream.indirect_vreg.gather [hbm4b:s5+s3], $0x80, v3, vm0, $0xb8;
	[tilespmem:$0x18800] =	vst v63  }
0x1e9: {  	_ = 	snop  }
0x1ea: {  	[tilespmem:s10], [sflag:$0x2] =	stream.indirect_vreg.gather [hbm4b:s6+s3], $0x80, v3, vm0, $0xb8;
	[tilespmem:$0x18800] =	vst v63  }
0x1eb: {  	v3 =	vld [tilespmem:$0x390];
	_ =	sdelay $0x4  }
0x1ec: {  	v47 =	vshll.u32 v3, $0x3  }
0x1ed: {  	v3 =	vand.u32 $0x7, v3;
	v4 =	vand.u32 $0xFFFFFFC0, v47  }
0x1ee: {  	v3 =	vor.u32 v3, v4  }
0x1ef: {  	v4 =	vperm.xlane v3, v0;
	_ =	sdelay $0x1  }
0x1f0: {  	v4 =	vadd.s32 v1, v4;
	_ =	sdelay $0x3  }
0x1f1: {  	s12 =	simm.s32 $0xC800  }
0x1f2: {  	[tilespmem:s12], [sflag:$0x2] =	stream.indirect_vreg.gather [hbm4b:s2+s3], $0x80, v4, vm0, $0xb8;
	[tilespmem:$0x18800] =	vst v63  }
0x1f3: {  	s14 =	simm.s32 $0xD000;
	v3 =	vperm.xlane v3, v2  }
0x1f4: {  	[tilespmem:s14], [sflag:$0x2] =	stream.indirect_vreg.gather [hbm4b:s4+s3], $0x80, v4, vm0, $0xb8;
	[tilespmem:$0x18800] =	vst v63  }
0x1f5: {  	s15 =	simm.s32 $0xD800;
	v3 =	vadd.s32 v1, v3  }
0x1f6: {  	[tilespmem:s15], [sflag:$0x2] =	stream.indirect_vreg.gather [hbm4b:s5+s3], $0x80, v4, vm0, $0xb8;
	[tilespmem:$0x18800] =	vst v63  }
0x1f7: {  	s16 =	simm.s32 $0xE000  }
0x1f8: {  	[tilespmem:s16], [sflag:$0x2] =	stream.indirect_vreg.gather [hbm4b:s6+s3], $0x80, v4, vm0, $0xb8;
	[tilespmem:$0x18800] =	vst v63  }
0x1f9: {  	s23 =	simm.s32 $0xE800  }
0x1fa: {  	[tilespmem:s23], [sflag:$0x2] =	stream.indirect_vreg.gather [hbm4b:s2+s3], $0x80, v3, vm0, $0xb8;
	[tilespmem:$0x18800] =	vst v63  }
0x1fb: {  	s26 =	simm.s32 $0xF000  }
0x1fc: {  	[tilespmem:s26], [sflag:$0x2] =	stream.indirect_vreg.gather [hbm4b:s4+s3], $0x80, v3, vm0, $0xb8;
	[tilespmem:$0x18800] =	vst v63  }
0x1fd: {  	s11 =	simm.s32 $0xF800  }
0x1fe: {  	[tilespmem:s11], [sflag:$0x2] =	stream.indirect_vreg.gather [hbm4b:s5+s3], $0x80, v3, vm0, $0xb8;
	[tilespmem:$0x18800] =	vst v63  }
0x1ff: {  	s12 =	simm.s32 $0x10000  }
0x200: {  	[tilespmem:s12], [sflag:$0x2] =	stream.indirect_vreg.gather [hbm4b:s6+s3], $0x80, v3, vm0, $0xb8;
	[tilespmem:$0x18800] =	vst v63  }
0x201: {  	_ =	swait.ge [sflag:s1], $0x8000  }
0x202: {  	[sflag:s1] =	ssyncset.done $0x0  }
0x203: {  	s15 =	simm.s32 $0x10800;
	s14 =	rddreg [dreg:$0x19];
	[sflag:s1] =	ssyncadd.s32 $0xFFFF8000  }
0x204: {  	[hbm4b:s14+s3] =	stream.linear.scatter [tilespmem:s15], [sflag:$0x3], $0x8000, $0x38;
	[tilespmem:$0x18800] =	vst v63  }
0x205: {  	_ =	swait.ge [sflag:s0], $0x8000  }
0x206: {  	[sflag:s0] =	ssyncset.done $0x0  }
0x207: {  	[sflag:s0] =	ssyncadd.s32 $0xFFFF8000  }
0x208: {  	_ =	swait.ge [sflag:s8], $0x20  }
0x209: {  	[sflag:s8] =	ssyncset.done $0x0  }
0x20a: {  	[sflag:s8] =	ssyncadd.s32 $0xFFFFFFE0  }
0x20b: {  	v3 =	vld [tilespmem:$0x400];
	_ =	sdelay $0x4  }
0x20c: {  	v48 =	vshll.u32 v3, $0x3  }
0x20d: {  	v3 =	vand.u32 $0x7, v3;
	v4 =	vand.u32 $0xFFFFFFC0, v48  }
0x20e: {  	v3 =	vor.u32 v3, v4  }
0x20f: {  	v4 =	vperm.xlane v3, v0;
	_ =	sdelay $0x1  }
0x210: {  	v4 =	vadd.s32 v1, v4;
	_ =	sdelay $0x4  }
0x211: {  	[tilespmem:s15], [sflag:$0x2] =	stream.indirect_vreg.gather [hbm4b:s2+s3], $0x80, v4, vm0, $0xb8;
	[tilespmem:$0x18800] =	vst v63  }
0x212: {  	s23 =	simm.s32 $0x11000;
	v3 =	vperm.xlane v3, v2  }
0x213: {  	[tilespmem:s23], [sflag:$0x2] =	stream.indirect_vreg.gather [hbm4b:s4+s3], $0x80, v4, vm0, $0xb8;
	[tilespmem:$0x18800] =	vst v63  }
0x214: {  	s16 =	simm.s32 $0x11800;
	v3 =	vadd.s32 v1, v3  }
0x215: {  	[tilespmem:s16], [sflag:$0x2] =	stream.indirect_vreg.gather [hbm4b:s5+s3], $0x80, v4, vm0, $0xb8;
	[tilespmem:$0x18800] =	vst v63  }
0x216: {  	_ = 	snop  }
0x217: {  	[tilespmem:s17], [sflag:$0x2] =	stream.indirect_vreg.gather [hbm4b:s6+s3], $0x80, v4, vm0, $0xb8;
	[tilespmem:$0x18800] =	vst v63  }
0x218: {  	_ = 	snop  }
0x219: {  	[tilespmem:s18], [sflag:$0x2] =	stream.indirect_vreg.gather [hbm4b:s2+s3], $0x80, v3, vm0, $0xb8;
	[tilespmem:$0x18800] =	vst v63  }
0x21a: {  	_ = 	snop  }
0x21b: {  	[tilespmem:s19], [sflag:$0x2] =	stream.indirect_vreg.gather [hbm4b:s4+s3], $0x80, v3, vm0, $0xb8;
	[tilespmem:$0x18800] =	vst v63  }
0x21c: {  	_ = 	snop  }
0x21d: {  	[tilespmem:s20], [sflag:$0x2] =	stream.indirect_vreg.gather [hbm4b:s5+s3], $0x80, v3, vm0, $0xb8;
	[tilespmem:$0x18800] =	vst v63  }
0x21e: {  	s11 =	simm.s32 $0x14000  }
0x21f: {  	[tilespmem:s11], [sflag:$0x2] =	stream.indirect_vreg.gather [hbm4b:s6+s3], $0x80, v3, vm0, $0xb8;
	[tilespmem:$0x18800] =	vst v63  }
0x220: {  	v3 =	vld [tilespmem:$0x410];
	_ =	sdelay $0x4  }
0x221: {  	v49 =	vshll.u32 v3, $0x3  }
0x222: {  	v3 =	vand.u32 $0x7, v3;
	v4 =	vand.u32 $0xFFFFFFC0, v49  }
0x223: {  	v3 =	vor.u32 v3, v4  }
0x224: {  	v4 =	vperm.xlane v3, v0;
	_ =	sdelay $0x1  }
0x225: {  	v4 =	vadd.s32 v1, v4;
	_ =	sdelay $0x3  }
0x226: {  	s19 =	simm.s32 $0x14800  }
0x227: {  	[tilespmem:s19], [sflag:$0x2] =	stream.indirect_vreg.gather [hbm4b:s2+s3], $0x80, v4, vm0, $0xb8;
	[tilespmem:$0x18800] =	vst v63  }
0x228: {  	s20 =	simm.s32 $0x15000;
	v3 =	vperm.xlane v3, v2  }
0x229: {  	[tilespmem:s20], [sflag:$0x2] =	stream.indirect_vreg.gather [hbm4b:s4+s3], $0x80, v4, vm0, $0xb8;
	[tilespmem:$0x18800] =	vst v63  }
0x22a: {  	v3 =	vadd.s32 v1, v3  }
0x22b: {  	[tilespmem:s21], [sflag:$0x2] =	stream.indirect_vreg.gather [hbm4b:s5+s3], $0x80, v4, vm0, $0xb8;
	[tilespmem:$0x18800] =	vst v63  }
0x22c: {  	_ = 	snop  }
0x22d: {  	[tilespmem:s28], [sflag:$0x2] =	stream.indirect_vreg.gather [hbm4b:s6+s3], $0x80, v4, vm0, $0xb8;
	[tilespmem:$0x18800] =	vst v63  }
0x22e: {  	_ = 	snop  }
0x22f: {  	[tilespmem:s31], [sflag:$0x2] =	stream.indirect_vreg.gather [hbm4b:s2+s3], $0x80, v3, vm0, $0xb8;
	[tilespmem:$0x18800] =	vst v63  }
0x230: {  	s26 =	simm.s32 $0x17000  }
0x231: {  	[tilespmem:s26], [sflag:$0x2] =	stream.indirect_vreg.gather [hbm4b:s4+s3], $0x80, v3, vm0, $0xb8;
	[tilespmem:$0x18800] =	vst v63  }
0x232: {  	_ = 	snop  }
0x233: {  	[tilespmem:s29], [sflag:$0x2] =	stream.indirect_vreg.gather [hbm4b:s5+s3], $0x80, v3, vm0, $0xb8;
	[tilespmem:$0x18800] =	vst v63  }
0x234: {  	s12 =	simm.s32 $0x18000  }
0x235: {  	[tilespmem:s12], [sflag:$0x2] =	stream.indirect_vreg.gather [hbm4b:s6+s3], $0x80, v3, vm0, $0xb8;
	[tilespmem:$0x18800] =	vst v63  }
0x236: {  	_ =	swait.ge [sflag:s1], $0x8000  }
0x237: {  	[sflag:s1] =	ssyncset.done $0x0  }
0x238: {  	s29 =	simm.s32 $0x800;
	s28 =	rddreg [dreg:$0x1a];
	[sflag:s1] =	ssyncadd.s32 $0xFFFF8000  }
0x239: {  	[hbm4b:s28+s3] =	stream.linear.scatter [tilespmem:s29], [sflag:$0x3], $0x8000, $0x38;
	[tilespmem:$0x18800] =	vst v63  }
0x23a: {  	_ =	swait.ge [sflag:s0], $0x8000  }
0x23b: {  	[sflag:s0] =	ssyncset.done $0x0  }
0x23c: {  	[sflag:s0] =	ssyncadd.s32 $0xFFFF8000  }
0x23d: {  	_ =	swait.ge [sflag:s8], $0x20  }
0x23e: {  	[sflag:s8] =	ssyncset.done $0x0  }
0x23f: {  	[sflag:s8] =	ssyncadd.s32 $0xFFFFFFE0  }
0x240: {  	v3 =	vld [tilespmem:$0x480];
	_ =	sdelay $0x4  }
0x241: {  	v50 =	vshll.u32 v3, $0x3  }
0x242: {  	v3 =	vand.u32 $0x7, v3;
	v4 =	vand.u32 $0xFFFFFFC0, v50  }
0x243: {  	v3 =	vor.u32 v3, v4  }
0x244: {  	v4 =	vperm.xlane v3, v0;
	_ =	sdelay $0x1  }
0x245: {  	v4 =	vadd.s32 v1, v4;
	_ =	sdelay $0x4  }
0x246: {  	[tilespmem:s29], [sflag:$0x2] =	stream.indirect_vreg.gather [hbm4b:s2+s3], $0x80, v4, vm0, $0xb8;
	[tilespmem:$0x18800] =	vst v63  }
0x247: {  	v3 =	vperm.xlane v3, v2  }
0x248: {  	[tilespmem:s30], [sflag:$0x2] =	stream.indirect_vreg.gather [hbm4b:s4+s3], $0x80, v4, vm0, $0xb8;
	[tilespmem:$0x18800] =	vst v63  }
0x249: {  	s10 =	simm.s32 $0x1800;
	v3 =	vadd.s32 v1, v3  }
0x24a: {  	[tilespmem:s10], [sflag:$0x2] =	stream.indirect_vreg.gather [hbm4b:s5+s3], $0x80, v4, vm0, $0xb8;
	[tilespmem:$0x18800] =	vst v63  }
0x24b: {  	s21 =	simm.s32 $0x2000  }
0x24c: {  	[tilespmem:s21], [sflag:$0x2] =	stream.indirect_vreg.gather [hbm4b:s6+s3], $0x80, v4, vm0, $0xb8;
	[tilespmem:$0x18800] =	vst v63  }
0x24d: {  	s28 =	simm.s32 $0x2800  }
0x24e: {  	[tilespmem:s28], [sflag:$0x2] =	stream.indirect_vreg.gather [hbm4b:s2+s3], $0x80, v3, vm0, $0xb8;
	[tilespmem:$0x18800] =	vst v63  }
0x24f: {  	s14 =	simm.s32 $0x3000  }
0x250: {  	[tilespmem:s14], [sflag:$0x2] =	stream.indirect_vreg.gather [hbm4b:s4+s3], $0x80, v3, vm0, $0xb8;
	[tilespmem:$0x18800] =	vst v63  }
0x251: {  	s15 =	simm.s32 $0x3800  }
0x252: {  	[tilespmem:s15], [sflag:$0x2] =	stream.indirect_vreg.gather [hbm4b:s5+s3], $0x80, v3, vm0, $0xb8;
	[tilespmem:$0x18800] =	vst v63  }
0x253: {  	_ = 	snop  }
0x254: {  	[tilespmem:s13], [sflag:$0x2] =	stream.indirect_vreg.gather [hbm4b:s6+s3], $0x80, v3, vm0, $0xb8;
	[tilespmem:$0x18800] =	vst v63  }
0x255: {  	v3 =	vld [tilespmem:$0x490];
	_ =	sdelay $0x4  }
0x256: {  	v51 =	vshll.u32 v3, $0x3  }
0x257: {  	v3 =	vand.u32 $0x7, v3;
	v4 =	vand.u32 $0xFFFFFFC0, v51  }
0x258: {  	v3 =	vor.u32 v3, v4  }
0x259: {  	v4 =	vperm.xlane v3, v0;
	_ =	sdelay $0x1  }
0x25a: {  	v4 =	vadd.s32 v1, v4;
	_ =	sdelay $0x4  }
0x25b: {  	[tilespmem:s24], [sflag:$0x2] =	stream.indirect_vreg.gather [hbm4b:s2+s3], $0x80, v4, vm0, $0xb8;
	[tilespmem:$0x18800] =	vst v63  }
0x25c: {  	v3 =	vperm.xlane v3, v2  }
0x25d: {  	[tilespmem:s22], [sflag:$0x2] =	stream.indirect_vreg.gather [hbm4b:s4+s3], $0x80, v4, vm0, $0xb8;
	[tilespmem:$0x18800] =	vst v63  }
0x25e: {  	v3 =	vadd.s32 v1, v3;
	s22 =	simm.s32 $0x5800  }
0x25f: {  	[tilespmem:s22], [sflag:$0x2] =	stream.indirect_vreg.gather [hbm4b:s5+s3], $0x80, v4, vm0, $0xb8;
	[tilespmem:$0x18800] =	vst v63  }
0x260: {  	s24 =	simm.s32 $0x6000  }
0x261: {  	[tilespmem:s24], [sflag:$0x2] =	stream.indirect_vreg.gather [hbm4b:s6+s3], $0x80, v4, vm0, $0xb8;
	[tilespmem:$0x18800] =	vst v63  }
0x262: {  	s16 =	simm.s32 $0x6800  }
0x263: {  	[tilespmem:s16], [sflag:$0x2] =	stream.indirect_vreg.gather [hbm4b:s2+s3], $0x80, v3, vm0, $0xb8;
	[tilespmem:$0x18800] =	vst v63  }
0x264: {  	s17 =	simm.s32 $0x7000  }
0x265: {  	[tilespmem:s17], [sflag:$0x2] =	stream.indirect_vreg.gather [hbm4b:s4+s3], $0x80, v3, vm0, $0xb8;
	[tilespmem:$0x18800] =	vst v63  }
0x266: {  	s18 =	simm.s32 $0x7800  }
0x267: {  	[tilespmem:s18], [sflag:$0x2] =	stream.indirect_vreg.gather [hbm4b:s5+s3], $0x80, v3, vm0, $0xb8;
	[tilespmem:$0x18800] =	vst v63  }
0x268: {  	_ = 	snop  }
0x269: {  	[tilespmem:s9], [sflag:$0x2] =	stream.indirect_vreg.gather [hbm4b:s6+s3], $0x80, v3, vm0, $0xb8;
	[tilespmem:$0x18800] =	vst v63  }
0x26a: {  	_ =	swait.ge [sflag:s1], $0x8000  }
0x26b: {  	[sflag:s1] =	ssyncset.done $0x0  }
0x26c: {  	s7 =	simm.s32 $0x8800;
	s31 =	rddreg [dreg:$0x1b];
	[sflag:s1] =	ssyncadd.s32 $0xFFFF8000  }
0x26d: {  	[hbm4b:s31+s3] =	stream.linear.scatter [tilespmem:s7], [sflag:$0x3], $0x8000, $0x38;
	[tilespmem:$0x18800] =	vst v63  }
0x26e: {  	_ =	swait.ge [sflag:s0], $0x8000  }
0x26f: {  	[sflag:s0] =	ssyncset.done $0x0  }
0x270: {  	[sflag:s0] =	ssyncadd.s32 $0xFFFF8000  }
0x271: {  	_ =	swait.ge [sflag:s8], $0x20  }
0x272: {  	[sflag:s8] =	ssyncset.done $0x0  }
0x273: {  	[sflag:s8] =	ssyncadd.s32 $0xFFFFFFE0  }
0x274: {  	v3 =	vld [tilespmem:$0x500];
	_ =	sdelay $0x4  }
0x275: {  	v52 =	vshll.u32 v3, $0x3  }
0x276: {  	v3 =	vand.u32 $0x7, v3;
	v4 =	vand.u32 $0xFFFFFFC0, v52  }
0x277: {  	v3 =	vor.u32 v3, v4  }
0x278: {  	v4 =	vperm.xlane v3, v0;
	_ =	sdelay $0x1  }
0x279: {  	v4 =	vadd.s32 v1, v4;
	_ =	sdelay $0x4  }
0x27a: {  	[tilespmem:s7], [sflag:$0x2] =	stream.indirect_vreg.gather [hbm4b:s2+s3], $0x80, v4, vm0, $0xb8;
	[tilespmem:$0x18800] =	vst v63  }
0x27b: {  	s9 =	simm.s32 $0x9000;
	v3 =	vperm.xlane v3, v2  }
0x27c: {  	[tilespmem:s9], [sflag:$0x2] =	stream.indirect_vreg.gather [hbm4b:s4+s3], $0x80, v4, vm0, $0xb8;
	[tilespmem:$0x18800] =	vst v63  }
0x27d: {  	v3 =	vadd.s32 v1, v3  }
0x27e: {  	[tilespmem:s25], [sflag:$0x2] =	stream.indirect_vreg.gather [hbm4b:s5+s3], $0x80, v4, vm0, $0xb8;
	[tilespmem:$0x18800] =	vst v63  }
0x27f: {  	s13 =	simm.s32 $0xA000  }
0x280: {  	[tilespmem:s13], [sflag:$0x2] =	stream.indirect_vreg.gather [hbm4b:s6+s3], $0x80, v4, vm0, $0xb8;
	[tilespmem:$0x18800] =	vst v63  }
0x281: {  	s25 =	simm.s32 $0xA800  }
0x282: {  	[tilespmem:s25], [sflag:$0x2] =	stream.indirect_vreg.gather [hbm4b:s2+s3], $0x80, v3, vm0, $0xb8;
	[tilespmem:$0x18800] =	vst v63  }
0x283: {  	s26 =	simm.s32 $0xB000  }
0x284: {  	[tilespmem:s26], [sflag:$0x2] =	stream.indirect_vreg.gather [hbm4b:s4+s3], $0x80, v3, vm0, $0xb8;
	[tilespmem:$0x18800] =	vst v63  }
0x285: {  	s7 =	simm.s32 $0xB800  }
0x286: {  	[tilespmem:s7], [sflag:$0x2] =	stream.indirect_vreg.gather [hbm4b:s5+s3], $0x80, v3, vm0, $0xb8;
	[tilespmem:$0x18800] =	vst v63  }
0x287: {  	s9 =	simm.s32 $0xC000  }
0x288: {  	[tilespmem:s9], [sflag:$0x2] =	stream.indirect_vreg.gather [hbm4b:s6+s3], $0x80, v3, vm0, $0xb8;
	[tilespmem:$0x18800] =	vst v63  }
0x289: {  	v3 =	vld [tilespmem:$0x510];
	_ =	sdelay $0x4  }
0x28a: {  	v53 =	vshll.u32 v3, $0x3  }
0x28b: {  	v3 =	vand.u32 $0x7, v3;
	v4 =	vand.u32 $0xFFFFFFC0, v53  }
0x28c: {  	v3 =	vor.u32 v3, v4  }
0x28d: {  	v4 =	vperm.xlane v3, v0;
	_ =	sdelay $0x1  }
0x28e: {  	v4 =	vadd.s32 v1, v4;
	_ =	sdelay $0x3  }
0x28f: {  	s13 =	simm.s32 $0xC800  }
0x290: {  	[tilespmem:s13], [sflag:$0x2] =	stream.indirect_vreg.gather [hbm4b:s2+s3], $0x80, v4, vm0, $0xb8;
	[tilespmem:$0x18800] =	vst v63  }
0x291: {  	s25 =	simm.s32 $0xD000;
	v3 =	vperm.xlane v3, v2  }
0x292: {  	[tilespmem:s25], [sflag:$0x2] =	stream.indirect_vreg.gather [hbm4b:s4+s3], $0x80, v4, vm0, $0xb8;
	[tilespmem:$0x18800] =	vst v63  }
0x293: {  	s26 =	simm.s32 $0xD800;
	v3 =	vadd.s32 v1, v3  }
0x294: {  	[tilespmem:s26], [sflag:$0x2] =	stream.indirect_vreg.gather [hbm4b:s5+s3], $0x80, v4, vm0, $0xb8;
	[tilespmem:$0x18800] =	vst v63  }
0x295: {  	s9 =	simm.s32 $0xE000  }
0x296: {  	[tilespmem:s9], [sflag:$0x2] =	stream.indirect_vreg.gather [hbm4b:s6+s3], $0x80, v4, vm0, $0xb8;
	[tilespmem:$0x18800] =	vst v63  }
0x297: {  	s13 =	simm.s32 $0xE800  }
0x298: {  	[tilespmem:s13], [sflag:$0x2] =	stream.indirect_vreg.gather [hbm4b:s2+s3], $0x80, v3, vm0, $0xb8;
	[tilespmem:$0x18800] =	vst v63  }
0x299: {  	s25 =	simm.s32 $0xF000  }
0x29a: {  	[tilespmem:s25], [sflag:$0x2] =	stream.indirect_vreg.gather [hbm4b:s4+s3], $0x80, v3, vm0, $0xb8;
	[tilespmem:$0x18800] =	vst v63  }
0x29b: {  	s26 =	simm.s32 $0xF800  }
0x29c: {  	[tilespmem:s26], [sflag:$0x2] =	stream.indirect_vreg.gather [hbm4b:s5+s3], $0x80, v3, vm0, $0xb8;
	[tilespmem:$0x18800] =	vst v63  }
0x29d: {  	s9 =	simm.s32 $0x10000  }
0x29e: {  	[tilespmem:s9], [sflag:$0x2] =	stream.indirect_vreg.gather [hbm4b:s6+s3], $0x80, v3, vm0, $0xb8;
	[tilespmem:$0x18800] =	vst v63  }
0x29f: {  	_ =	swait.ge [sflag:s1], $0x8000  }
0x2a0: {  	[sflag:s1] =	ssyncset.done $0x0  }
0x2a1: {  	s25 =	simm.s32 $0x10800;
	s13 =	rddreg [dreg:$0x1c];
	[sflag:s1] =	ssyncadd.s32 $0xFFFF8000  }
0x2a2: {  	[hbm4b:s13+s3] =	stream.linear.scatter [tilespmem:s25], [sflag:$0x3], $0x8000, $0x38;
	[tilespmem:$0x18800] =	vst v63  }
0x2a3: {  	_ =	swait.ge [sflag:s0], $0x8000  }
0x2a4: {  	[sflag:s0] =	ssyncset.done $0x0  }
0x2a5: {  	[sflag:s0] =	ssyncadd.s32 $0xFFFF8000  }
0x2a6: {  	_ =	swait.ge [sflag:s8], $0x20  }
0x2a7: {  	[sflag:s8] =	ssyncset.done $0x0  }
0x2a8: {  	[sflag:s8] =	ssyncadd.s32 $0xFFFFFFE0  }
0x2a9: {  	v3 =	vld [tilespmem:$0x580];
	_ =	sdelay $0x4  }
0x2aa: {  	v54 =	vshll.u32 v3, $0x3  }
0x2ab: {  	v3 =	vand.u32 $0x7, v3;
	v4 =	vand.u32 $0xFFFFFFC0, v54  }
0x2ac: {  	v3 =	vor.u32 v3, v4  }
0x2ad: {  	v4 =	vperm.xlane v3, v0;
	_ =	sdelay $0x1  }
0x2ae: {  	v4 =	vadd.s32 v1, v4;
	_ =	sdelay $0x4  }
0x2af: {  	[tilespmem:s25], [sflag:$0x2] =	stream.indirect_vreg.gather [hbm4b:s2+s3], $0x80, v4, vm0, $0xb8;
	[tilespmem:$0x18800] =	vst v63  }
0x2b0: {  	v3 =	vperm.xlane v3, v2  }
0x2b1: {  	[tilespmem:s23], [sflag:$0x2] =	stream.indirect_vreg.gather [hbm4b:s4+s3], $0x80, v4, vm0, $0xb8;
	[tilespmem:$0x18800] =	vst v63  }
0x2b2: {  	s13 =	simm.s32 $0x11800;
	v3 =	vadd.s32 v1, v3  }
0x2b3: {  	[tilespmem:s13], [sflag:$0x2] =	stream.indirect_vreg.gather [hbm4b:s5+s3], $0x80, v4, vm0, $0xb8;
	[tilespmem:$0x18800] =	vst v63  }
0x2b4: {  	s7 =	simm.s32 $0x12000  }
0x2b5: {  	[tilespmem:s7], [sflag:$0x2] =	stream.indirect_vreg.gather [hbm4b:s6+s3], $0x80, v4, vm0, $0xb8;
	[tilespmem:$0x18800] =	vst v63  }
0x2b6: {  	s9 =	simm.s32 $0x12800  }
0x2b7: {  	[tilespmem:s9], [sflag:$0x2] =	stream.indirect_vreg.gather [hbm4b:s2+s3], $0x80, v3, vm0, $0xb8;
	[tilespmem:$0x18800] =	vst v63  }
0x2b8: {  	s26 =	simm.s32 $0x13000  }
0x2b9: {  	[tilespmem:s26], [sflag:$0x2] =	stream.indirect_vreg.gather [hbm4b:s4+s3], $0x80, v3, vm0, $0xb8;
	[tilespmem:$0x18800] =	vst v63  }
0x2ba: {  	s26 =	simm.s32 $0x13800  }
0x2bb: {  	[tilespmem:s26], [sflag:$0x2] =	stream.indirect_vreg.gather [hbm4b:s5+s3], $0x80, v3, vm0, $0xb8;
	[tilespmem:$0x18800] =	vst v63  }
0x2bc: {  	_ = 	snop  }
0x2bd: {  	[tilespmem:s11], [sflag:$0x2] =	stream.indirect_vreg.gather [hbm4b:s6+s3], $0x80, v3, vm0, $0xb8;
	[tilespmem:$0x18800] =	vst v63  }
0x2be: {  	v3 =	vld [tilespmem:$0x590];
	_ =	sdelay $0x4  }
0x2bf: {  	v55 =	vshll.u32 v3, $0x3  }
0x2c0: {  	v3 =	vand.u32 $0x7, v3;
	v4 =	vand.u32 $0xFFFFFFC0, v55  }
0x2c1: {  	v3 =	vor.u32 v3, v4  }
0x2c2: {  	v4 =	vperm.xlane v3, v0;
	_ =	sdelay $0x1  }
0x2c3: {  	v4 =	vadd.s32 v1, v4;
	_ =	sdelay $0x4  }
0x2c4: {  	[tilespmem:s19], [sflag:$0x2] =	stream.indirect_vreg.gather [hbm4b:s2+s3], $0x80, v4, vm0, $0xb8;
	[tilespmem:$0x18800] =	vst v63  }
0x2c5: {  	v3 =	vperm.xlane v3, v2  }
0x2c6: {  	[tilespmem:s20], [sflag:$0x2] =	stream.indirect_vreg.gather [hbm4b:s4+s3], $0x80, v4, vm0, $0xb8;
	[tilespmem:$0x18800] =	vst v63  }
0x2c7: {  	s26 =	simm.s32 $0x15800;
	v3 =	vadd.s32 v1, v3  }
0x2c8: {  	[tilespmem:s26], [sflag:$0x2] =	stream.indirect_vreg.gather [hbm4b:s5+s3], $0x80, v4, vm0, $0xb8;
	[tilespmem:$0x18800] =	vst v63  }
0x2c9: {  	s11 =	simm.s32 $0x16000  }
0x2ca: {  	[tilespmem:s11], [sflag:$0x2] =	stream.indirect_vreg.gather [hbm4b:s6+s3], $0x80, v4, vm0, $0xb8;
	[tilespmem:$0x18800] =	vst v63  }
0x2cb: {  	s26 =	simm.s32 $0x16800  }
0x2cc: {  	[tilespmem:s26], [sflag:$0x2] =	stream.indirect_vreg.gather [hbm4b:s2+s3], $0x80, v3, vm0, $0xb8;
	[tilespmem:$0x18800] =	vst v63  }
0x2cd: {  	s26 =	simm.s32 $0x17000  }
0x2ce: {  	[tilespmem:s26], [sflag:$0x2] =	stream.indirect_vreg.gather [hbm4b:s4+s3], $0x80, v3, vm0, $0xb8;
	[tilespmem:$0x18800] =	vst v63  }
0x2cf: {  	s26 =	simm.s32 $0x17800  }
0x2d0: {  	[tilespmem:s26], [sflag:$0x2] =	stream.indirect_vreg.gather [hbm4b:s5+s3], $0x80, v3, vm0, $0xb8;
	[tilespmem:$0x18800] =	vst v63  }
0x2d1: {  	_ = 	snop  }
0x2d2: {  	[tilespmem:s12], [sflag:$0x2] =	stream.indirect_vreg.gather [hbm4b:s6+s3], $0x80, v3, vm0, $0xb8;
	[tilespmem:$0x18800] =	vst v63  }
0x2d3: {  	_ =	swait.ge [sflag:s1], $0x8000  }
0x2d4: {  	[sflag:s1] =	ssyncset.done $0x0  }
0x2d5: {  	s29 =	simm.s32 $0x800;
	s12 =	rddreg [dreg:$0x1d];
	[sflag:s1] =	ssyncadd.s32 $0xFFFF8000  }
0x2d6: {  	[hbm4b:s12+s3] =	stream.linear.scatter [tilespmem:s29], [sflag:$0x3], $0x8000, $0x38;
	[tilespmem:$0x18800] =	vst v63  }
0x2d7: {  	_ =	swait.ge [sflag:s0], $0x8000  }
0x2d8: {  	[sflag:s0] =	ssyncset.done $0x0  }
0x2d9: {  	[sflag:s0] =	ssyncadd.s32 $0xFFFF8000  }
0x2da: {  	_ =	swait.ge [sflag:s8], $0x20  }
0x2db: {  	[sflag:s8] =	ssyncset.done $0x0  }
0x2dc: {  	[sflag:s8] =	ssyncadd.s32 $0xFFFFFFE0  }
0x2dd: {  	v3 =	vld [tilespmem:$0x600];
	_ =	sdelay $0x4  }
0x2de: {  	v56 =	vshll.u32 v3, $0x3  }
0x2df: {  	v3 =	vand.u32 $0x7, v3;
	v4 =	vand.u32 $0xFFFFFFC0, v56  }
0x2e0: {  	v3 =	vor.u32 v3, v4  }
0x2e1: {  	v4 =	vperm.xlane v3, v0;
	_ =	sdelay $0x1  }
0x2e2: {  	v4 =	vadd.s32 v1, v4;
	_ =	sdelay $0x4  }
0x2e3: {  	[tilespmem:s29], [sflag:$0x2] =	stream.indirect_vreg.gather [hbm4b:s2+s3], $0x80, v4, vm0, $0xb8;
	[tilespmem:$0x18800] =	vst v63  }
0x2e4: {  	s26 =	simm.s32 $0x1000;
	v3 =	vperm.xlane v3, v2  }
0x2e5: {  	[tilespmem:s26], [sflag:$0x2] =	stream.indirect_vreg.gather [hbm4b:s4+s3], $0x80, v4, vm0, $0xb8;
	[tilespmem:$0x18800] =	vst v63  }
0x2e6: {  	v3 =	vadd.s32 v1, v3  }
0x2e7: {  	[tilespmem:s10], [sflag:$0x2] =	stream.indirect_vreg.gather [hbm4b:s5+s3], $0x80, v4, vm0, $0xb8;
	[tilespmem:$0x18800] =	vst v63  }
0x2e8: {  	_ = 	snop  }
0x2e9: {  	[tilespmem:s21], [sflag:$0x2] =	stream.indirect_vreg.gather [hbm4b:s6+s3], $0x80, v4, vm0, $0xb8;
	[tilespmem:$0x18800] =	vst v63  }
0x2ea: {  	_ = 	snop  }
0x2eb: {  	[tilespmem:s28], [sflag:$0x2] =	stream.indirect_vreg.gather [hbm4b:s2+s3], $0x80, v3, vm0, $0xb8;
	[tilespmem:$0x18800] =	vst v63  }
0x2ec: {  	_ = 	snop  }
0x2ed: {  	[tilespmem:s14], [sflag:$0x2] =	stream.indirect_vreg.gather [hbm4b:s4+s3], $0x80, v3, vm0, $0xb8;
	[tilespmem:$0x18800] =	vst v63  }
0x2ee: {  	_ = 	snop  }
0x2ef: {  	[tilespmem:s15], [sflag:$0x2] =	stream.indirect_vreg.gather [hbm4b:s5+s3], $0x80, v3, vm0, $0xb8;
	[tilespmem:$0x18800] =	vst v63  }
0x2f0: {  	s21 =	simm.s32 $0x4000  }
0x2f1: {  	[tilespmem:s21], [sflag:$0x2] =	stream.indirect_vreg.gather [hbm4b:s6+s3], $0x80, v3, vm0, $0xb8;
	[tilespmem:$0x18800] =	vst v63  }
0x2f2: {  	v3 =	vld [tilespmem:$0x610];
	_ =	sdelay $0x4  }
0x2f3: {  	v57 =	vshll.u32 v3, $0x3  }
0x2f4: {  	v3 =	vand.u32 $0x7, v3;
	v4 =	vand.u32 $0xFFFFFFC0, v57  }
0x2f5: {  	v3 =	vor.u32 v3, v4  }
0x2f6: {  	v4 =	vperm.xlane v3, v0;
	_ =	sdelay $0x1  }
0x2f7: {  	v4 =	vadd.s32 v1, v4;
	_ =	sdelay $0x3  }
0x2f8: {  	s26 =	simm.s32 $0x4800  }
0x2f9: {  	[tilespmem:s26], [sflag:$0x2] =	stream.indirect_vreg.gather [hbm4b:s2+s3], $0x80, v4, vm0, $0xb8;
	[tilespmem:$0x18800] =	vst v63  }
0x2fa: {  	s21 =	simm.s32 $0x5000;
	v3 =	vperm.xlane v3, v2  }
0x2fb: {  	[tilespmem:s21], [sflag:$0x2] =	stream.indirect_vreg.gather [hbm4b:s4+s3], $0x80, v4, vm0, $0xb8;
	[tilespmem:$0x18800] =	vst v63  }
0x2fc: {  	v3 =	vadd.s32 v1, v3  }
0x2fd: {  	[tilespmem:s22], [sflag:$0x2] =	stream.indirect_vreg.gather [hbm4b:s5+s3], $0x80, v4, vm0, $0xb8;
	[tilespmem:$0x18800] =	vst v63  }
0x2fe: {  	_ = 	snop  }
0x2ff: {  	[tilespmem:s24], [sflag:$0x2] =	stream.indirect_vreg.gather [hbm4b:s6+s3], $0x80, v4, vm0, $0xb8;
	[tilespmem:$0x18800] =	vst v63  }
0x300: {  	_ = 	snop  }
0x301: {  	[tilespmem:s16], [sflag:$0x2] =	stream.indirect_vreg.gather [hbm4b:s2+s3], $0x80, v3, vm0, $0xb8;
	[tilespmem:$0x18800] =	vst v63  }
0x302: {  	_ = 	snop  }
0x303: {  	[tilespmem:s17], [sflag:$0x2] =	stream.indirect_vreg.gather [hbm4b:s4+s3], $0x80, v3, vm0, $0xb8;
	[tilespmem:$0x18800] =	vst v63  }
0x304: {  	_ = 	snop  }
0x305: {  	[tilespmem:s18], [sflag:$0x2] =	stream.indirect_vreg.gather [hbm4b:s5+s3], $0x80, v3, vm0, $0xb8;
	[tilespmem:$0x18800] =	vst v63  }
0x306: {  	s26 =	simm.s32 $0x8000  }
0x307: {  	[tilespmem:s26], [sflag:$0x2] =	stream.indirect_vreg.gather [hbm4b:s6+s3], $0x80, v3, vm0, $0xb8;
	[tilespmem:$0x18800] =	vst v63  }
0x308: {  	_ =	swait.ge [sflag:s1], $0x8000  }
0x309: {  	[sflag:s1] =	ssyncset.done $0x0  }
0x30a: {  	s18 =	simm.s32 $0x8800;
	s26 =	rddreg [dreg:$0x1e];
	[sflag:s1] =	ssyncadd.s32 $0xFFFF8000  }
0x30b: {  	[hbm4b:s26+s3] =	stream.linear.scatter [tilespmem:s18], [sflag:$0x3], $0x8000, $0x38;
	[tilespmem:$0x18800] =	vst v63  }
0x30c: {  	_ =	swait.ge [sflag:s0], $0x8000  }
0x30d: {  	[sflag:s0] =	ssyncset.done $0x0  }
0x30e: {  	[sflag:s0] =	ssyncadd.s32 $0xFFFF8000  }
0x30f: {  	_ =	swait.ge [sflag:s8], $0x20  }
0x310: {  	[sflag:s8] =	ssyncset.done $0x0  }
0x311: {  	[sflag:s8] =	ssyncadd.s32 $0xFFFFFFE0  }
0x312: {  	v3 =	vld [tilespmem:$0x680];
	_ =	sdelay $0x4  }
0x313: {  	v58 =	vshll.u32 v3, $0x3  }
0x314: {  	v3 =	vand.u32 $0x7, v3;
	v4 =	vand.u32 $0xFFFFFFC0, v58  }
0x315: {  	v3 =	vor.u32 v3, v4  }
0x316: {  	v4 =	vperm.xlane v3, v0;
	_ =	sdelay $0x1  }
0x317: {  	v4 =	vadd.s32 v1, v4;
	_ =	sdelay $0x4  }
0x318: {  	[tilespmem:s18], [sflag:$0x2] =	stream.indirect_vreg.gather [hbm4b:s2+s3], $0x80, v4, vm0, $0xb8;
	[tilespmem:$0x18800] =	vst v63  }
0x319: {  	s26 =	simm.s32 $0x9000;
	v3 =	vperm.xlane v3, v2  }
0x31a: {  	[tilespmem:s26], [sflag:$0x2] =	stream.indirect_vreg.gather [hbm4b:s4+s3], $0x80, v4, vm0, $0xb8;
	[tilespmem:$0x18800] =	vst v63  }
0x31b: {  	v3 =	vadd.s32 v1, v3;
	s26 =	simm.s32 $0x9800  }
0x31c: {  	[tilespmem:s26], [sflag:$0x2] =	stream.indirect_vreg.gather [hbm4b:s5+s3], $0x80, v4, vm0, $0xb8;
	[tilespmem:$0x18800] =	vst v63  }
0x31d: {  	s30 =	simm.s32 $0xA000  }
0x31e: {  	[tilespmem:s30], [sflag:$0x2] =	stream.indirect_vreg.gather [hbm4b:s6+s3], $0x80, v4, vm0, $0xb8;
	[tilespmem:$0x18800] =	vst v63  }
0x31f: {  	s31 =	simm.s32 $0xA800  }
0x320: {  	[tilespmem:s31], [sflag:$0x2] =	stream.indirect_vreg.gather [hbm4b:s2+s3], $0x80, v3, vm0, $0xb8;
	[tilespmem:$0x18800] =	vst v63  }
0x321: {  	s31 =	simm.s32 $0xB000  }
0x322: {  	[tilespmem:s31], [sflag:$0x2] =	stream.indirect_vreg.gather [hbm4b:s4+s3], $0x80, v3, vm0, $0xb8;
	[tilespmem:$0x18800] =	vst v63  }
0x323: {  	s30 =	simm.s32 $0xB800  }
0x324: {  	[tilespmem:s30], [sflag:$0x2] =	stream.indirect_vreg.gather [hbm4b:s5+s3], $0x80, v3, vm0, $0xb8;
	[tilespmem:$0x18800] =	vst v63  }
0x325: {  	s31 =	simm.s32 $0xC000  }
0x326: {  	[tilespmem:s31], [sflag:$0x2] =	stream.indirect_vreg.gather [hbm4b:s6+s3], $0x80, v3, vm0, $0xb8;
	[tilespmem:$0x18800] =	vst v63  }
0x327: {  	v3 =	vld [tilespmem:$0x690];
	_ =	sdelay $0x4  }
0x328: {  	v59 =	vshll.u32 v3, $0x3  }
0x329: {  	v3 =	vand.u32 $0x7, v3;
	v4 =	vand.u32 $0xFFFFFFC0, v59  }
0x32a: {  	v3 =	vor.u32 v3, v4  }
0x32b: {  	v4 =	vperm.xlane v3, v0;
	_ =	sdelay $0x1  }
0x32c: {  	v4 =	vadd.s32 v1, v4;
	_ =	sdelay $0x3  }
0x32d: {  	s30 =	simm.s32 $0xC800  }
0x32e: {  	[tilespmem:s30], [sflag:$0x2] =	stream.indirect_vreg.gather [hbm4b:s2+s3], $0x80, v4, vm0, $0xb8;
	[tilespmem:$0x18800] =	vst v63  }
0x32f: {  	s31 =	simm.s32 $0xD000;
	v3 =	vperm.xlane v3, v2  }
0x330: {  	[tilespmem:s31], [sflag:$0x2] =	stream.indirect_vreg.gather [hbm4b:s4+s3], $0x80, v4, vm0, $0xb8;
	[tilespmem:$0x18800] =	vst v63  }
0x331: {  	v3 =	vadd.s32 v1, v3;
	s30 =	simm.s32 $0xD800  }
0x332: {  	[tilespmem:s30], [sflag:$0x2] =	stream.indirect_vreg.gather [hbm4b:s5+s3], $0x80, v4, vm0, $0xb8;
	[tilespmem:$0x18800] =	vst v63  }
0x333: {  	s31 =	simm.s32 $0xE000  }
0x334: {  	[tilespmem:s31], [sflag:$0x2] =	stream.indirect_vreg.gather [hbm4b:s6+s3], $0x80, v4, vm0, $0xb8;
	[tilespmem:$0x18800] =	vst v63  }
0x335: {  	s30 =	simm.s32 $0xE800  }
0x336: {  	[tilespmem:s30], [sflag:$0x2] =	stream.indirect_vreg.gather [hbm4b:s2+s3], $0x80, v3, vm0, $0xb8;
	[tilespmem:$0x18800] =	vst v63  }
0x337: {  	s31 =	simm.s32 $0xF000  }
0x338: {  	[tilespmem:s31], [sflag:$0x2] =	stream.indirect_vreg.gather [hbm4b:s4+s3], $0x80, v3, vm0, $0xb8;
	[tilespmem:$0x18800] =	vst v63  }
0x339: {  	s30 =	simm.s32 $0xF800  }
0x33a: {  	[tilespmem:s30], [sflag:$0x2] =	stream.indirect_vreg.gather [hbm4b:s5+s3], $0x80, v3, vm0, $0xb8;
	[tilespmem:$0x18800] =	vst v63  }
0x33b: {  	s31 =	simm.s32 $0x10000  }
0x33c: {  	[tilespmem:s31], [sflag:$0x2] =	stream.indirect_vreg.gather [hbm4b:s6+s3], $0x80, v3, vm0, $0xb8;
	[tilespmem:$0x18800] =	vst v63  }
0x33d: {  	_ =	swait.ge [sflag:s1], $0x8000  }
0x33e: {  	[sflag:s1] =	ssyncset.done $0x0  }
0x33f: {  	s25 =	simm.s32 $0x10800;
	s30 =	rddreg [dreg:$0x1f];
	[sflag:s1] =	ssyncadd.s32 $0xFFFF8000  }
0x340: {  	[hbm4b:s30+s3] =	stream.linear.scatter [tilespmem:s25], [sflag:$0x3], $0x8000, $0x38;
	[tilespmem:$0x18800] =	vst v63  }
0x341: {  	_ =	swait.ge [sflag:s0], $0x8000  }
0x342: {  	[sflag:s0] =	ssyncset.done $0x0  }
0x343: {  	[sflag:s0] =	ssyncadd.s32 $0xFFFF8000  }
0x344: {  	_ =	swait.ge [sflag:s8], $0x20  }
0x345: {  	[sflag:s8] =	ssyncset.done $0x0  }
0x346: {  	[sflag:s8] =	ssyncadd.s32 $0xFFFFFFE0  }
0x347: {  	v3 =	vld [tilespmem:$0x700];
	_ =	sdelay $0x4  }
0x348: {  	v60 =	vshll.u32 v3, $0x3  }
0x349: {  	v3 =	vand.u32 $0x7, v3;
	v4 =	vand.u32 $0xFFFFFFC0, v60  }
0x34a: {  	v3 =	vor.u32 v3, v4  }
0x34b: {  	v4 =	vperm.xlane v3, v0;
	_ =	sdelay $0x1  }
0x34c: {  	v4 =	vadd.s32 v1, v4;
	_ =	sdelay $0x4  }
0x34d: {  	[tilespmem:s25], [sflag:$0x2] =	stream.indirect_vreg.gather [hbm4b:s2+s3], $0x80, v4, vm0, $0xb8;
	[tilespmem:$0x18800] =	vst v63  }
0x34e: {  	s23 =	simm.s32 $0x11000;
	v3 =	vperm.xlane v3, v2  }
0x34f: {  	[tilespmem:s23], [sflag:$0x2] =	stream.indirect_vreg.gather [hbm4b:s4+s3], $0x80, v4, vm0, $0xb8;
	[tilespmem:$0x18800] =	vst v63  }
0x350: {  	v3 =	vadd.s32 v1, v3  }
0x351: {  	[tilespmem:s13], [sflag:$0x2] =	stream.indirect_vreg.gather [hbm4b:s5+s3], $0x80, v4, vm0, $0xb8;
	[tilespmem:$0x18800] =	vst v63  }
0x352: {  	_ = 	snop  }
0x353: {  	[tilespmem:s7], [sflag:$0x2] =	stream.indirect_vreg.gather [hbm4b:s6+s3], $0x80, v4, vm0, $0xb8;
	[tilespmem:$0x18800] =	vst v63  }
0x354: {  	_ = 	snop  }
0x355: {  	[tilespmem:s9], [sflag:$0x2] =	stream.indirect_vreg.gather [hbm4b:s2+s3], $0x80, v3, vm0, $0xb8;
	[tilespmem:$0x18800] =	vst v63  }
0x356: {  	s31 =	simm.s32 $0x13000  }
0x357: {  	[tilespmem:s31], [sflag:$0x2] =	stream.indirect_vreg.gather [hbm4b:s4+s3], $0x80, v3, vm0, $0xb8;
	[tilespmem:$0x18800] =	vst v63  }
0x358: {  	s9 =	simm.s32 $0x13800  }
0x359: {  	[tilespmem:s9], [sflag:$0x2] =	stream.indirect_vreg.gather [hbm4b:s5+s3], $0x80, v3, vm0, $0xb8;
	[tilespmem:$0x18800] =	vst v63  }
0x35a: {  	s13 =	simm.s32 $0x14000  }
0x35b: {  	[tilespmem:s13], [sflag:$0x2] =	stream.indirect_vreg.gather [hbm4b:s6+s3], $0x80, v3, vm0, $0xb8;
	[tilespmem:$0x18800] =	vst v63  }
0x35c: {  	v3 =	vld [tilespmem:$0x710];
	_ =	sdelay $0x4  }
0x35d: {  	v61 =	vshll.u32 v3, $0x3  }
0x35e: {  	v3 =	vand.u32 $0x7, v3;
	v4 =	vand.u32 $0xFFFFFFC0, v61  }
0x35f: {  	v3 =	vor.u32 v3, v4  }
0x360: {  	v4 =	vperm.xlane v3, v0;
	_ =	sdelay $0x1  }
0x361: {  	v4 =	vadd.s32 v1, v4;
	_ =	sdelay $0x3  }
0x362: {  	s19 =	simm.s32 $0x14800  }
0x363: {  	[tilespmem:s19], [sflag:$0x2] =	stream.indirect_vreg.gather [hbm4b:s2+s3], $0x80, v4, vm0, $0xb8;
	[tilespmem:$0x18800] =	vst v63  }
0x364: {  	s20 =	simm.s32 $0x15000;
	v3 =	vperm.xlane v3, v2  }
0x365: {  	[tilespmem:s20], [sflag:$0x2] =	stream.indirect_vreg.gather [hbm4b:s4+s3], $0x80, v4, vm0, $0xb8;
	[tilespmem:$0x18800] =	vst v63  }
0x366: {  	v3 =	vadd.s32 v1, v3;
	s20 =	simm.s32 $0x15800  }
0x367: {  	[tilespmem:s20], [sflag:$0x2] =	stream.indirect_vreg.gather [hbm4b:s5+s3], $0x80, v4, vm0, $0xb8;
	[tilespmem:$0x18800] =	vst v63  }
0x368: {  	_ = 	snop  }
0x369: {  	[tilespmem:s11], [sflag:$0x2] =	stream.indirect_vreg.gather [hbm4b:s6+s3], $0x80, v4, vm0, $0xb8;
	[tilespmem:$0x18800] =	vst v63  }
0x36a: {  	s23 =	simm.s32 $0x16800  }
0x36b: {  	[tilespmem:s23], [sflag:$0x2] =	stream.indirect_vreg.gather [hbm4b:s2+s3], $0x80, v3, vm0, $0xb8;
	[tilespmem:$0x18800] =	vst v63  }
0x36c: {  	s26 =	simm.s32 $0x17000  }
0x36d: {  	[tilespmem:s26], [sflag:$0x2] =	stream.indirect_vreg.gather [hbm4b:s4+s3], $0x80, v3, vm0, $0xb8;
	[tilespmem:$0x18800] =	vst v63  }
0x36e: {  	s30 =	simm.s32 $0x17800  }
0x36f: {  	[tilespmem:s30], [sflag:$0x2] =	stream.indirect_vreg.gather [hbm4b:s5+s3], $0x80, v3, vm0, $0xb8;
	[tilespmem:$0x18800] =	vst v63  }
0x370: {  	s31 =	simm.s32 $0x18000  }
0x371: {  	[tilespmem:s31], [sflag:$0x2] =	stream.indirect_vreg.gather [hbm4b:s6+s3], $0x80, v3, vm0, $0xb8;
	[tilespmem:$0x18800] =	vst v63  }
0x372: {  	_ =	swait.ge [sflag:s1], $0x8000  }
0x373: {  	s9 =	sld [smem:$0x7EB]  }
0x374: {  	[sflag:s1] =	ssyncset.done $0x0  }
0x375: {  	[sflag:s1] =	ssyncadd.s32 $0xFFFF8000  }
0x376: {  	[hbm4b:s9+s3] =	stream.linear.scatter [tilespmem:s29], [sflag:$0x3], $0x8000, $0x38;
	[tilespmem:$0x18800] =	vst v63  }
0x377: {  	_ =	swait.ge [sflag:s0], $0x8000  }
0x378: {  	[sflag:s0] =	ssyncset.done $0x0  }
0x379: {  	[sflag:s0] =	ssyncadd.s32 $0xFFFF8000  }
0x37a: {  	_ =	swait.ge [sflag:s8], $0x20  }
0x37b: {  	[sflag:s8] =	ssyncset.done $0x0  }
0x37c: {  	[sflag:s8] =	ssyncadd.s32 $0xFFFFFFE0  }
0x37d: {  	v3 =	vld [tilespmem:$0x780];
	_ =	sdelay $0x4  }
0x37e: {  	v62 =	vshll.u32 v3, $0x3  }
0x37f: {  	v3 =	vand.u32 $0x7, v3;
	v4 =	vand.u32 $0xFFFFFFC0, v62  }
0x380: {  	v3 =	vor.u32 v3, v4  }
0x381: {  	v4 =	vperm.xlane v3, v0;
	_ =	sdelay $0x1  }
0x382: {  	v4 =	vadd.s32 v1, v4;
	_ =	sdelay $0x4  }
0x383: {  	[tilespmem:s29], [sflag:$0x2] =	stream.indirect_vreg.gather [hbm4b:s2+s3], $0x80, v4, vm0, $0xb8;
	[tilespmem:$0x18800] =	vst v63  }
0x384: {  	s11 =	simm.s32 $0x1000;
	v3 =	vperm.xlane v3, v2  }
0x385: {  	[tilespmem:s11], [sflag:$0x2] =	stream.indirect_vreg.gather [hbm4b:s4+s3], $0x80, v4, vm0, $0xb8;
	[tilespmem:$0x18800] =	vst v63  }
0x386: {  	s13 =	simm.s32 $0x1800;
	v3 =	vadd.s32 v1, v3  }
0x387: {  	[tilespmem:s13], [sflag:$0x2] =	stream.indirect_vreg.gather [hbm4b:s5+s3], $0x80, v4, vm0, $0xb8;
	[tilespmem:$0x18800] =	vst v63  }
0x388: {  	s10 =	simm.s32 $0x2000  }
0x389: {  	[tilespmem:s10], [sflag:$0x2] =	stream.indirect_vreg.gather [hbm4b:s6+s3], $0x80, v4, vm0, $0xb8;
	[tilespmem:$0x18800] =	vst v63  }
0x38a: {  	s12 =	simm.s32 $0x2800  }
0x38b: {  	[tilespmem:s12], [sflag:$0x2] =	stream.indirect_vreg.gather [hbm4b:s2+s3], $0x80, v3, vm0, $0xb8;
	[tilespmem:$0x18800] =	vst v63  }
0x38c: {  	s28 =	simm.s32 $0x3000  }
0x38d: {  	[tilespmem:s28], [sflag:$0x2] =	stream.indirect_vreg.gather [hbm4b:s4+s3], $0x80, v3, vm0, $0xb8;
	[tilespmem:$0x18800] =	vst v63  }
0x38e: {  	s14 =	simm.s32 $0x3800  }
0x38f: {  	[tilespmem:s14], [sflag:$0x2] =	stream.indirect_vreg.gather [hbm4b:s5+s3], $0x80, v3, vm0, $0xb8;
	[tilespmem:$0x18800] =	vst v63  }
0x390: {  	s19 =	simm.s32 $0x4000  }
0x391: {  	[tilespmem:s19], [sflag:$0x2] =	stream.indirect_vreg.gather [hbm4b:s6+s3], $0x80, v3, vm0, $0xb8;
	[tilespmem:$0x18800] =	vst v63  }
0x392: {  	v3 =	vld [tilespmem:$0x790];
	_ =	sdelay $0x4  }
0x393: {  	v63 =	vshll.u32 v3, $0x3  }
0x394: {  	v3 =	vand.u32 $0x7, v3;
	v4 =	vand.u32 $0xFFFFFFC0, v63  }
0x395: {  	v3 =	vor.u32 v3, v4  }
0x396: {  	v4 =	vperm.xlane v3, v0;
	_ =	sdelay $0x1  }
0x397: {  	v4 =	vadd.s32 v1, v4;
	_ =	sdelay $0x3  }
0x398: {  	s20 =	simm.s32 $0x4800  }
0x399: {  	[tilespmem:s20], [sflag:$0x2] =	stream.indirect_vreg.gather [hbm4b:s2+s3], $0x80, v4, vm0, $0xb8;
	[tilespmem:$0x18800] =	vst v63  }
0x39a: {  	s23 =	simm.s32 $0x5000;
	v3 =	vperm.xlane v3, v2  }
0x39b: {  	[tilespmem:s23], [sflag:$0x2] =	stream.indirect_vreg.gather [hbm4b:s4+s3], $0x80, v4, vm0, $0xb8;
	[tilespmem:$0x18800] =	vst v63  }
0x39c: {  	s21 =	simm.s32 $0x5800;
	v3 =	vadd.s32 v1, v3  }
0x39d: {  	[tilespmem:s21], [sflag:$0x2] =	stream.indirect_vreg.gather [hbm4b:s5+s3], $0x80, v4, vm0, $0xb8;
	[tilespmem:$0x18800] =	vst v63  }
0x39e: {  	s22 =	simm.s32 $0x6000  }
0x39f: {  	[tilespmem:s22], [sflag:$0x2] =	stream.indirect_vreg.gather [hbm4b:s6+s3], $0x80, v4, vm0, $0xb8;
	[tilespmem:$0x18800] =	vst v63  }
0x3a0: {  	s15 =	simm.s32 $0x6800  }
0x3a1: {  	[tilespmem:s15], [sflag:$0x2] =	stream.indirect_vreg.gather [hbm4b:s2+s3], $0x80, v3, vm0, $0xb8;
	[tilespmem:$0x18800] =	vst v63  }
0x3a2: {  	s16 =	simm.s32 $0x7000  }
0x3a3: {  	[tilespmem:s16], [sflag:$0x2] =	stream.indirect_vreg.gather [hbm4b:s4+s3], $0x80, v3, vm0, $0xb8;
	[tilespmem:$0x18800] =	vst v63  }
0x3a4: {  	s17 =	simm.s32 $0x7800  }
0x3a5: {  	[tilespmem:s17], [sflag:$0x2] =	stream.indirect_vreg.gather [hbm4b:s5+s3], $0x80, v3, vm0, $0xb8;
	[tilespmem:$0x18800] =	vst v63  }
0x3a6: {  	s24 =	simm.s32 $0x8000  }
0x3a7: {  	[tilespmem:s24], [sflag:$0x2] =	stream.indirect_vreg.gather [hbm4b:s6+s3], $0x80, v3, vm0, $0xb8;
	[tilespmem:$0x18800] =	vst v63  }
0x3a8: {  	_ =	swait.ge [sflag:s1], $0x8000  }
0x3a9: {  	s24 =	sld [smem:$0x7EC]  }
0x3aa: {  	[sflag:s1] =	ssyncset.done $0x0  }
0x3ab: {  	s18 =	simm.s32 $0x8800;
	[sflag:s1] =	ssyncadd.s32 $0xFFFF8000  }
0x3ac: {  	[hbm4b:s24+s3] =	stream.linear.scatter [tilespmem:s18], [sflag:$0x3], $0x8000, $0x38;
	[tilespmem:$0x18800] =	vst v63  }
0x3ad: {  	_ =	swait.ge [sflag:s1], $0x8000  }
0x3ae: {  	s28 =	sld [smem:$0x7ED]  }
0x3af: {  	[sflag:s1] =	ssyncset.done $0x0  }
0x3b0: {  	[sflag:s1] =	ssyncadd.s32 $0xFFFF8000  }
0x3b1: {  	[hbm4b:s28+s3] =	stream.linear.scatter [tilespmem:s25], [sflag:$0x3], $0x8000, $0x38;
	[tilespmem:$0x18800] =	vst v63  }
0x3b2: {  	_ =	swait.ge [sflag:s1], $0x8000  }
0x3b3: {  	s30 =	sld [smem:$0x7EE]  }
0x3b4: {  	[sflag:s1] =	ssyncset.done $0x0  }
0x3b5: {  	[sflag:s1] =	ssyncadd.s32 $0xFFFF8000  }
0x3b6: {  	[hbm4b:s30+s3] =	stream.linear.scatter [tilespmem:s29], [sflag:$0x3], $0x8000, $0x38;
	[tilespmem:$0x18800] =	vst v63  }
0x3b7: {  	s31 =	sld [smem:$0x7EA];
	_ =	swait.ge [sflag:s0], $0x8000  }
0x3b8: {  	[sflag:s0] =	ssyncset.done $0x0  }
0x3b9: {  	[sflag:s0] =	ssyncadd.s32 $0xFFFF8000  }
0x3ba: {  	p0 =	sne.s32 s31, $0x1;
	_ =	swait.ge [sflag:s0], $0x8000  }
.Ltmp0:
0x3bb: {  	[sflag:s0] =	ssyncset.done $0x0;
	(pc) =	sbr.rel @p0 .LBB2_1-.Ltmp0, $4  }
0x3bc: {  	[sflag:s0] =	ssyncadd.s32 $0xFFFF8000  }
0x3bd: {  	_ =	swait.ge [sflag:s0], $0x8000  }
0x3be: {  	[sflag:s0] =	ssyncset.done $0x0  }
0x3bf: {  	s7 =	sadd.s32 $0xFFFFFFFF, s31;
	[sflag:s0] =	ssyncadd.s32 $0xFFFF8000  }
0x3c0: {  	_ =	sfence.sel $0x180000  }
0x3c1: {  	[bflag:$0x0] =	sbarrier.arrive $0xFFFF  }
0x3c2: {  	_ =	strace $0x90000047  }
0x3c3: {  	s0 =	stileid.u32;
	[bflag:$0x2] =	sbarrier.arrive $0xFFFF  }
0x3c4: {  	p0 =	sne.s32 s0, $0x0;
	s0 =	rddreg [dreg:$0x3]  }
0x3c5: {  	s0 =	sadd.s32 @!p0 $0x100000, s0  }
0x3c6: {  	[sflag:s0] =	ssyncadd.tile.s32 @!p0 $0x1;
	_ =	shalt  }
.Lfunc_end2:
_tile_overlayer_lowered:
.L_overlay_start_2:
0x3c7: {  	(tag) =	ssettag $0x2  }
0x3c8: {  	s0 =	rddreg [dreg:$0x0];
	s2 =	stileid.u32  }
0x3c9: {  	s1 =	rddreg [dreg:$0x1];
	p0 =	sne.s32 s2, $0x0  }
0x3ca: {  	s3 =	rddreg [dreg:$0x2];
	[bflag:$0x3] =	sbarrier.arrive $0xFFFF;
	s2 =	simm.s32 @!p0 $0x1C04  }
0x3cb: {  	[timem:s3], [sflag:s2] =	dma.local @!p0 [hbm:s0], s1  }
0x3cc: {  	s0 =	simm.s32 @!p0 $0x4  }
0x3cd: {  	_ =	swait.ge @!p0 [sflag:s0], s1  }
0x3ce: {  	s1 =	ssub.s32 @!p0 $0x0, s1;
	[sflag:s0] =	ssyncset.done @!p0 $0x0  }
0x3cf: {  	[sflag:s0] =	ssyncadd.s32 @!p0 s1  }
0x3d0: {  	[bflag:$0x3] =	sbarrier.arrive $0xFFFF  }
0x3d1: {  	_ =	shalt  }

</sc_bundles>
